<compile_context>
chip_gen: v7x
topology: tpu7x:2x2x1
jax: 0.10.2.dev20260603
libtpu: 0.0.44.dev20260713+nightly
codegen_flags: <defaults>
</compile_context>

<pallas_src>
import functools

import jax
import jax.numpy as jnp
from jax import lax
from jax.experimental import pallas as pl
from jax.experimental.pallas import tpu as pltpu
from jax.experimental.pallas import tpu_sc as plsc

N, E, D, DE, H = 10000, 320000, 128, 16, 128

NW = 32
EPT = E // NW
CHUNK = 128
FULLCH = EPT // CHUNK
TAIL = EPT - FULLCH * CHUNK
DEPTH = 2
NP = 10112
RPT = NP // 16

BN = 1264
BE = 4000

_mesh = plsc.VectorSubcoreMesh(core_axis_name="c", subcore_axis_name="s")



@functools.partial(
    pl.kernel,
    out_type=jax.ShapeDtypeStruct((2 * NP, H), jnp.float32),
    mesh=_mesh,
    scratch_types=[
        pltpu.VMEM((EPT,), jnp.int32),
        pltpu.VMEM((CHUNK,), jnp.int32),
        pltpu.VMEM((CHUNK,), jnp.int32),
        pltpu.VMEM((TAIL,), jnp.int32),
        pltpu.VMEM((CHUNK, H), jnp.float32),
        pltpu.VMEM((CHUNK, H), jnp.float32),
        pltpu.VMEM((TAIL, H), jnp.float32),
        pltpu.VMEM_SHARED((NP, H), jnp.float32),
        pltpu.SemaphoreType.DMA,
        pltpu.SemaphoreType.DMA,
        pltpu.SemaphoreType.DMA,
        pltpu.SemaphoreType.DMA,
        pltpu.SemaphoreType.DMA,
        pltpu.SemaphoreType.DMA,
    ],
)
def _sc_gather_scatter(tab_hbm, src_hbm, dst_hbm, zer_hbm, out_hbm,
                       src_v, dst0, dst1, dstt, rows0, rows1, rowst, acc_sh,
                       semg0, semg1, sems0, sems1, semi0, semi1):
    cid = lax.axis_index("c")
    sid = lax.axis_index("s")
    wid = sid * 2 + cid
    rbase = sid * RPT
    ebase = wid * EPT
    pltpu.sync_copy(src_hbm.at[pl.ds(ebase, EPT)], src_v)
    pltpu.sync_copy(zer_hbm.at[pl.ds(rbase, RPT)], acc_sh.at[pl.ds(rbase, RPT)])
    plsc.subcore_barrier()

    rows = (rows0, rows1)
    dstv = (dst0, dst1)
    semg = (semg0, semg1)
    sems = (sems0, sems1)
    semi = (semi0, semi1)

    def fire_gather(j, b):
        pltpu.async_copy(tab_hbm.at[src_v.at[pl.ds(j * CHUNK, CHUNK)]],
                         rows[b], semg[b])

    def wait_gather(j, b):
        pltpu.make_async_copy(tab_hbm.at[src_v.at[pl.ds(j * CHUNK, CHUNK)]],
                              rows[b], semg[b]).wait()

    def fire_dst(j, b):
        pltpu.async_copy(dst_hbm.at[pl.ds(ebase + j * CHUNK, CHUNK)],
                         dstv[b], semi[b])

    def wait_dst(j, b):
        pltpu.make_async_copy(dst_hbm.at[pl.ds(ebase + j * CHUNK, CHUNK)],
                              dstv[b], semi[b]).wait()

    def fire_scatter(j, b):
        pltpu.async_copy(rows[b], acc_sh.at[dstv[b]], sems[b], add=True)

    def wait_scatter(j, b):
        pltpu.make_async_copy(rows[b], acc_sh.at[dstv[b]], sems[b]).wait()

    def body(g, carry):
        for b in range(DEPTH):
            j = g * DEPTH + b

            @pl.when(j >= DEPTH)
            def _():
                wait_scatter(j - DEPTH, b)

            fire_gather(j, b)
            fire_dst(j, b)

            @pl.when(j >= DEPTH - 1)
            def _():
                b2 = (b + 1) % DEPTH
                wait_gather(j - (DEPTH - 1), b2)
                wait_dst(j - (DEPTH - 1), b2)
                fire_scatter(j - (DEPTH - 1), b2)

        return carry

    lax.fori_loop(0, FULLCH // DEPTH, body, 0)

    jl = FULLCH - 1
    wait_gather(jl, jl % DEPTH)
    wait_dst(jl, jl % DEPTH)
    fire_scatter(jl, jl % DEPTH)
    for j in (FULLCH - 2, FULLCH - 1):
        wait_scatter(j, j % DEPTH)

    pltpu.sync_copy(dst_hbm.at[pl.ds(ebase + FULLCH * CHUNK, TAIL)], dstt)
    pltpu.async_copy(tab_hbm.at[src_v.at[pl.ds(FULLCH * CHUNK, TAIL)]],
                     rowst, semg0).wait()
    pltpu.async_copy(rowst, acc_sh.at[dstt], sems0, add=True).wait()

    plsc.subcore_barrier()
    pltpu.sync_copy(acc_sh.at[pl.ds(rbase, RPT)],
                    out_hbm.at[pl.ds(cid * NP + rbase, RPT)])



def _edge_body(ef_ref, WeT_ref, be_ref, Wm2T_ref, bm_ref, e_ref, e2_ref):
    e = (jnp.dot(ef_ref[...], WeT_ref[...],
                 preferred_element_type=jnp.float32) + be_ref[...])
    e_ref[...] = e
    e2_ref[...] = (jnp.dot(e, Wm2T_ref[...],
                           preferred_element_type=jnp.float32) + bm_ref[...])


def _init_body(nf_ref, WnT_ref, bn_ref, h0_ref):
    h0_ref[...] = (jnp.dot(nf_ref[...], WnT_ref[...],
                           preferred_element_type=jnp.float32) + bn_ref[...])


def _gru_body(p0_ref, p1_ref, q0_ref, q1_ref, h_ref, Wm1T_ref, W_ihT_ref,
              b_ih_ref, W_hhT_ref, b_hh_ref, hn_ref):
    agg = (jnp.dot(p0_ref[...] + p1_ref[...], Wm1T_ref[...],
                   preferred_element_type=jnp.float32)
           + q0_ref[...] + q1_ref[...])
    gi = jnp.dot(agg, W_ihT_ref[...],
                 preferred_element_type=jnp.float32) + b_ih_ref[...]
    gh = jnp.dot(h_ref[...], W_hhT_ref[...],
                 preferred_element_type=jnp.float32) + b_hh_ref[...]
    r = jax.nn.sigmoid(gi[:, :H] + gh[:, :H])
    z = jax.nn.sigmoid(gi[:, H:2 * H] + gh[:, H:2 * H])
    n = jnp.tanh(gi[:, 2 * H:] + r * gh[:, 2 * H:])
    hn_ref[...] = (1.0 - z) * n + z * h_ref[...]


def _row_spec(b, w):
    return pl.BlockSpec((b, w), lambda i: (i, 0))


def _row_spec_off(b, w, off):
    return pl.BlockSpec((b, w), lambda i, o=off: (i + o, 0))


def _full_spec(r, c):
    return pl.BlockSpec((r, c), lambda i: (0, 0))


_edge_call = pl.pallas_call(
    _edge_body,
    grid=(E // BE,),
    in_specs=[_row_spec(BE, DE), _full_spec(DE, H), _full_spec(1, H),
              _full_spec(H, H), _full_spec(1, H)],
    out_specs=[_row_spec(BE, H), _row_spec(BE, H)],
    out_shape=[jax.ShapeDtypeStruct((E, H), jnp.float32),
               jax.ShapeDtypeStruct((E, H), jnp.float32)],
)

_init_call = pl.pallas_call(
    _init_body,
    grid=(NP // BN,),
    in_specs=[_row_spec(BN, D), _full_spec(D, H), _full_spec(1, H)],
    out_specs=_row_spec(BN, H),
    out_shape=jax.ShapeDtypeStruct((N, H), jnp.float32),
)

_gru_call = pl.pallas_call(
    _gru_body,
    grid=(NP // BN,),
    in_specs=[_row_spec(BN, H), _row_spec_off(BN, H, NP // BN),
              _row_spec(BN, H), _row_spec_off(BN, H, NP // BN),
              _row_spec(BN, H),
              _full_spec(H, H), _full_spec(H, 3 * H), _full_spec(1, 3 * H),
              _full_spec(H, 3 * H), _full_spec(1, 3 * H)],
    out_specs=_row_spec(BN, H),
    out_shape=jax.ShapeDtypeStruct((N, H), jnp.float32),
)


def kernel(node_feat, edge_index, edge_feat, Wn, bn, We, be, Wm, bm,
           W_ih, b_ih, W_hh, b_hh):
    srcm = edge_index[0]
    dstm = edge_index[1]
    iom = jnp.arange(E, dtype=jnp.int32)
    zer = jnp.zeros((NP, H), jnp.float32)

    h = _init_call(node_feat, Wn.T, bn.reshape(1, H))
    p = _sc_gather_scatter(h, srcm, dstm, zer)
    e, e2 = _edge_call(edge_feat, We.T, be.reshape(1, H), Wm[:, H:].T,
                       bm.reshape(1, H))
    q = _sc_gather_scatter(e2, iom, dstm, zer)
    h = _gru_call(p, p, q, q, h, Wm[:, :H].T, W_ih.T,
                  b_ih.reshape(1, 3 * H), W_hh.T, b_hh.reshape(1, 3 * H))
    for _ in range(2):
        p = _sc_gather_scatter(h, srcm, dstm, zer)
        h = _gru_call(p, p, q, q, h, Wm[:, :H].T, W_ih.T,
                      b_ih.reshape(1, 3 * H), W_hh.T, b_hh.reshape(1, 3 * H))
    return (h, e)

# --- scband reference (transcript-rebuilt; emitter-appended) ---
"""Pipeline reference for scband-gnnencoder-30331059044708 (READ-ONLY COPY).

The authoritative reference and input builder live on the scoring server;
editing this copy changes nothing except your own understanding.
"""

import jax, jax.numpy as jnp
import numpy as np

N, E, D, DE, H = 10000, 320000, 128, 16, 128


def setup_inputs(seed: int = 0) -> dict:
    key = jax.random.key(seed)
    ks = jax.random.split(key, 13)
    node_feat = jax.random.normal(ks[0], (N, D), dtype=jnp.float32)
    edge_index = jax.random.randint(ks[1], (2, E), 0, N, dtype=jnp.int32)
    edge_feat = jax.random.normal(ks[2], (E, DE), dtype=jnp.float32)
    s = 0.05
    Wn = jax.random.normal(ks[3], (H, D), dtype=jnp.float32) * s
    bn = jnp.zeros((H,), dtype=jnp.float32)
    We = jax.random.normal(ks[4], (H, DE), dtype=jnp.float32) * s
    be = jnp.zeros((H,), dtype=jnp.float32)
    Wm = jax.random.normal(ks[5], (H, 2 * H), dtype=jnp.float32) * s
    bm = jnp.zeros((H,), dtype=jnp.float32)
    W_ih = jax.random.normal(ks[6], (3 * H, H), dtype=jnp.float32) * s
    b_ih = jnp.zeros((3 * H,), dtype=jnp.float32)
    W_hh = jax.random.normal(ks[7], (3 * H, H), dtype=jnp.float32) * s
    b_hh = jnp.zeros((3 * H,), dtype=jnp.float32)
    return {"node_feat": node_feat, "edge_index": edge_index, "edge_feat": edge_feat,
            "Wn": Wn, "bn": bn, "We": We, "be": be, "Wm": Wm, "bm": bm,
            "W_ih": W_ih, "b_ih": b_ih, "W_hh": W_hh, "b_hh": b_hh}


def _gru_cell(x, hprev, W_ih, b_ih, W_hh, b_hh):
    gi = x @ W_ih.T + b_ih
    gh = hprev @ W_hh.T + b_hh
    i_r, i_z, i_n = jnp.split(gi, 3, axis=-1)
    h_r, h_z, h_n = jnp.split(gh, 3, axis=-1)
    r = jax.nn.sigmoid(i_r + h_r)
    z = jax.nn.sigmoid(i_z + h_z)
    n = jnp.tanh(i_n + r * h_n)
    return (1.0 - z) * n + z * hprev


def reference(node_feat, edge_index, edge_feat, Wn, bn, We, be, Wm, bm, W_ih, b_ih, W_hh, b_hh):
    h = node_feat @ Wn.T + bn
    e = edge_feat @ We.T + be
    src = edge_index[0]
    dst = edge_index[1]
    for _ in range(3):
        m = jnp.concatenate([jnp.take(h, src, axis=0), e], axis=-1)
        m = m @ Wm.T + bm
        agg = jnp.zeros_like(h).at[dst].add(m)
        h = _gru_cell(agg, h, W_ih, b_ih, W_hh, b_hh)
    return (h, e)

if __name__ == "__main__":
    import jax
    _d = setup_inputs()
    print(jax.jit(kernel)(*tuple(_d.values())))

</pallas_src>

<mosaic_0001>
#map = affine_map<(d0, d1) -> (0, 0)>
#map1 = affine_map<(d0, d1) -> (0)>
module attributes {stable_mosaic.version = 14 : i64} {
  func.func @_sc_gather_scatter(%arg0: i32, %arg1: i32, %arg2: memref<10000x128xf32, #tpu.memory_space<hbm>>, %arg3: memref<320000xi32, #tpu.memory_space<hbm>>, %arg4: memref<320000xi32, #tpu.memory_space<hbm>>, %arg5: memref<10112x128xf32, #tpu.memory_space<hbm>>, %arg6: memref<20224x128xf32, #tpu.memory_space<hbm>>, %arg7: memref<10000xi32, #tpu.memory_space<vmem>>, %arg8: memref<128xi32, #tpu.memory_space<vmem>>, %arg9: memref<128xi32, #tpu.memory_space<vmem>>, %arg10: memref<16xi32, #tpu.memory_space<vmem>>, %arg11: memref<128x128xf32, #tpu.memory_space<vmem>>, %arg12: memref<128x128xf32, #tpu.memory_space<vmem>>, %arg13: memref<16x128xf32, #tpu.memory_space<vmem>>, %arg14: memref<10112x128xf32, #tpu.memory_space<vmem_shared>>, %arg15: memref<!tpu.dma_semaphore, #tpu.memory_space<semaphore_mem>>, %arg16: memref<!tpu.dma_semaphore, #tpu.memory_space<semaphore_mem>>, %arg17: memref<!tpu.dma_semaphore, #tpu.memory_space<semaphore_mem>>, %arg18: memref<!tpu.dma_semaphore, #tpu.memory_space<semaphore_mem>>, %arg19: memref<!tpu.dma_semaphore, #tpu.memory_space<semaphore_mem>>, %arg20: memref<!tpu.dma_semaphore, #tpu.memory_space<semaphore_mem>>) attributes {dimension_semantics = [#tpu.dimension_semantics<core_parallel>, #tpu.dimension_semantics<subcore_parallel>], iteration_bounds = array<i64: 2, 16>, scalar_prefetch = 0 : i64, scratch_operands = 14 : i64, tpu.core_type = #tpu.core_type<sc_vector_subcore>, window_params = [{transform_indices = #map}, {transform_indices = #map1}, {transform_indices = #map1}, {transform_indices = #map}, {transform_indices = #map}]} {
    %mul3A = arith.constant 2 : i32
    %mul3A_0 = arith.muli %arg1, %mul3A : i32
    %add3A = arith.addi %mul3A_0, %arg0 : i32
    %mul3A_1 = arith.constant 632 : i32
    %mul3A_2 = arith.muli %arg1, %mul3A_1 : i32
    %mul3A_3 = arith.constant 10000 : i32
    %mul3A_4 = arith.muli %add3A, %mul3A_3 : i32
    "tpu.region"() ({
      %run_scoped3A = tpu.sem_alloc : memref<!tpu.dma_semaphore, #tpu.memory_space<semaphore_mem>>
      %dma_start3A_48 = tpu.memref_slice %arg3[%mul3A_4] : memref<320000xi32, #tpu.memory_space<hbm>> -> memref<10000xi32, #tpu.memory_space<hbm>>
      %dma_start3A_49 = tpu.memref_slice %arg3[%mul3A_4] : memref<320000xi32, #tpu.memory_space<hbm>> -> memref<10000xi32, #tpu.memory_space<hbm>>
      tpu.enqueue_dma source(%dma_start3A_49 : memref<10000xi32, #tpu.memory_space<hbm>>) target(%arg7 : memref<10000xi32, #tpu.memory_space<vmem>>) target_semaphore(%run_scoped3A : memref<!tpu.dma_semaphore, #tpu.memory_space<semaphore_mem>>)
      %dma_wait3A_50 = tpu.memref_slice %arg3[%mul3A_4] : memref<320000xi32, #tpu.memory_space<hbm>> -> memref<10000xi32, #tpu.memory_space<hbm>>
      %dma_wait3A_51 = tpu.memref_slice %arg3[%mul3A_4] : memref<320000xi32, #tpu.memory_space<hbm>> -> memref<10000xi32, #tpu.memory_space<hbm>>
      tpu.wait_dma2 semaphore(%run_scoped3A : memref<!tpu.dma_semaphore, #tpu.memory_space<semaphore_mem>>) src(%dma_wait3A_51 : memref<10000xi32, #tpu.memory_space<hbm>>) dst(%arg7 : memref<10000xi32, #tpu.memory_space<vmem>>)
      tpu.yield
    }) : () -> ()
    "tpu.region"() ({
      %run_scoped3A = tpu.sem_alloc : memref<!tpu.dma_semaphore, #tpu.memory_space<semaphore_mem>>
      %dma_start3A_48 = arith.constant 0 : i32
      %dma_start3A_49 = tpu.memref_slice %arg14[%mul3A_2, %dma_start3A_48] : memref<10112x128xf32, #tpu.memory_space<vmem_shared>> -> memref<632x128xf32, #tpu.memory_space<vmem_shared>>
      %dma_start3A_50 = arith.constant 0 : i32
      %dma_start3A_51 = tpu.memref_slice %arg5[%mul3A_2, %dma_start3A_50] : memref<10112x128xf32, #tpu.memory_space<hbm>> -> memref<632x128xf32, #tpu.memory_space<hbm>>
      tpu.enqueue_dma source(%dma_start3A_51 : memref<632x128xf32, #tpu.memory_space<hbm>>) target(%dma_start3A_49 : memref<632x128xf32, #tpu.memory_space<vmem_shared>>) target_semaphore(%run_scoped3A : memref<!tpu.dma_semaphore, #tpu.memory_space<semaphore_mem>>)
      %dma_wait3A_52 = arith.constant 0 : i32
      %dma_wait3A_53 = tpu.memref_slice %arg14[%mul3A_2, %dma_wait3A_52] : memref<10112x128xf32, #tpu.memory_space<vmem_shared>> -> memref<632x128xf32, #tpu.memory_space<vmem_shared>>
      %dma_wait3A_54 = arith.constant 0 : i32
      %dma_wait3A_55 = tpu.memref_slice %arg5[%mul3A_2, %dma_wait3A_54] : memref<10112x128xf32, #tpu.memory_space<hbm>> -> memref<632x128xf32, #tpu.memory_space<hbm>>
      tpu.wait_dma2 semaphore(%run_scoped3A : memref<!tpu.dma_semaphore, #tpu.memory_space<semaphore_mem>>) src(%dma_wait3A_55 : memref<632x128xf32, #tpu.memory_space<hbm>>) dst(%dma_wait3A_53 : memref<632x128xf32, #tpu.memory_space<vmem_shared>>)
      tpu.yield
    }) : () -> ()
    %barrier3A = arith.constant 0 : index
    tpu.barrier barrier_id(%barrier3A)
    %scan3A = arith.constant 0 : i32
    %scan3A_5 = arith.constant 0 : i32
    %scan3A_6 = arith.constant 39 : i32
    %scan3A_7 = arith.addi %scan3A_5, %scan3A_6 : i32
    %scan3A_8 = arith.constant 1 : i32
    scf.for %scan3A_48 = %scan3A_5 to %scan3A_7 step %scan3A_8  : i32 {
      %mul3A_49 = arith.constant 2 : i32
      %mul3A_50 = arith.muli %scan3A_48, %mul3A_49 : i32
      %add3A_51 = arith.constant 0 : i32
      %add3A_52 = arith.addi %mul3A_50, %add3A_51 : i32
      %ge3A = arith.constant 2 : i32
      %ge3A_53 = arith.cmpi sge, %add3A_52, %ge3A : i32
      %convert_element_type3A = arith.extui %ge3A_53 : i1 to i32
      %cond3A = arith.constant 0 : i32
      %cond3A_54 = arith.cmpi ne, %convert_element_type3A, %cond3A : i32
      scf.if %cond3A_54 {
        %sub3A = arith.constant 2 : i32
        %sub3A_96 = arith.subi %add3A_52, %sub3A : i32
        %dma_wait3A_97 = arith.constant 0 : i32
        %dma_wait3A_98 = arith.constant 0 : i32
        %dma_wait3A_99 = tpu.memref_slice %arg14[%dma_wait3A_97, %dma_wait3A_98] : memref<10112x128xf32, #tpu.memory_space<vmem_shared>> -> memref<10112x128xf32, #tpu.memory_space<vmem_shared>>
        tpu.wait_indirect_dma semaphore(%arg17 : memref<!tpu.dma_semaphore, #tpu.memory_space<semaphore_mem>>) src(%arg11 : memref<128x128xf32, #tpu.memory_space<vmem>>) dst(%dma_wait3A_99 : memref<10112x128xf32, #tpu.memory_space<vmem_shared>>)
      } else {
      }
      %mul3A_55 = arith.constant 128 : i32
      %mul3A_56 = arith.muli %add3A_52, %mul3A_55 : i32
      %dma_start3A_57 = tpu.memref_slice %arg7[%mul3A_56] : memref<10000xi32, #tpu.memory_space<vmem>> -> memref<128xi32, #tpu.memory_space<vmem>>
      %dma_start3A_58 = arith.constant 0 : i32
      %dma_start3A_59 = arith.constant 0 : i32
      %dma_start3A_60 = tpu.memref_slice %arg2[%dma_start3A_58, %dma_start3A_59] : memref<10000x128xf32, #tpu.memory_space<hbm>> -> memref<10000x128xf32, #tpu.memory_space<hbm>>
      tpu.enqueue_indirect_dma source(%dma_start3A_60 : memref<10000x128xf32, #tpu.memory_space<hbm>>) target(%arg11 : memref<128x128xf32, #tpu.memory_space<vmem>>) offsets(%dma_start3A_57 : memref<128xi32, #tpu.memory_space<vmem>>) semaphore(%arg15 : memref<!tpu.dma_semaphore, #tpu.memory_space<semaphore_mem>>)
      %mul3A_61 = arith.constant 128 : i32
      %mul3A_62 = arith.muli %add3A_52, %mul3A_61 : i32
      %add3A_63 = arith.addi %mul3A_4, %mul3A_62 : i32
      %dma_start3A_64 = tpu.memref_slice %arg4[%add3A_63] : memref<320000xi32, #tpu.memory_space<hbm>> -> memref<128xi32, #tpu.memory_space<hbm>>
      %dma_start3A_65 = tpu.memref_slice %arg4[%add3A_63] : memref<320000xi32, #tpu.memory_space<hbm>> -> memref<128xi32, #tpu.memory_space<hbm>>
      tpu.enqueue_dma source(%dma_start3A_65 : memref<128xi32, #tpu.memory_space<hbm>>) target(%arg8 : memref<128xi32, #tpu.memory_space<vmem>>) target_semaphore(%arg19 : memref<!tpu.dma_semaphore, #tpu.memory_space<semaphore_mem>>)
      %ge3A_66 = arith.constant 1 : i32
      %ge3A_67 = arith.cmpi sge, %add3A_52, %ge3A_66 : i32
      %convert_element_type3A_68 = arith.extui %ge3A_67 : i1 to i32
      %cond3A_69 = arith.constant 0 : i32
      %cond3A_70 = arith.cmpi ne, %convert_element_type3A_68, %cond3A_69 : i32
      scf.if %cond3A_70 {
        %sub3A = arith.constant 1 : i32
        %sub3A_96 = arith.subi %add3A_52, %sub3A : i32
        %mul3A_97 = arith.constant 128 : i32
        %mul3A_98 = arith.muli %sub3A_96, %mul3A_97 : i32
        %dma_wait3A_99 = tpu.memref_slice %arg7[%mul3A_98] : memref<10000xi32, #tpu.memory_space<vmem>> -> memref<128xi32, #tpu.memory_space<vmem>>
        %dma_wait3A_100 = arith.constant 0 : i32
        %dma_wait3A_101 = arith.constant 0 : i32
        %dma_wait3A_102 = tpu.memref_slice %arg2[%dma_wait3A_100, %dma_wait3A_101] : memref<10000x128xf32, #tpu.memory_space<hbm>> -> memref<10000x128xf32, #tpu.memory_space<hbm>>
        tpu.wait_indirect_dma semaphore(%arg16 : memref<!tpu.dma_semaphore, #tpu.memory_space<semaphore_mem>>) src(%dma_wait3A_102 : memref<10000x128xf32, #tpu.memory_space<hbm>>) dst(%arg12 : memref<128x128xf32, #tpu.memory_space<vmem>>)
        %sub3A_103 = arith.constant 1 : i32
        %sub3A_104 = arith.subi %add3A_52, %sub3A_103 : i32
        %mul3A_105 = arith.constant 128 : i32
        %mul3A_106 = arith.muli %sub3A_104, %mul3A_105 : i32
        %add3A_107 = arith.addi %mul3A_4, %mul3A_106 : i32
        %dma_wait3A_108 = tpu.memref_slice %arg4[%add3A_107] : memref<320000xi32, #tpu.memory_space<hbm>> -> memref<128xi32, #tpu.memory_space<hbm>>
        %dma_wait3A_109 = tpu.memref_slice %arg4[%add3A_107] : memref<320000xi32, #tpu.memory_space<hbm>> -> memref<128xi32, #tpu.memory_space<hbm>>
        tpu.wait_dma2 semaphore(%arg20 : memref<!tpu.dma_semaphore, #tpu.memory_space<semaphore_mem>>) src(%dma_wait3A_109 : memref<128xi32, #tpu.memory_space<hbm>>) dst(%arg9 : memref<128xi32, #tpu.memory_space<vmem>>)
        %sub3A_110 = arith.constant 1 : i32
        %sub3A_111 = arith.subi %add3A_52, %sub3A_110 : i32
        %dma_start3A_112 = arith.constant 0 : i32
        %dma_start3A_113 = arith.constant 0 : i32
        %dma_start3A_114 = tpu.memref_slice %arg14[%dma_start3A_112, %dma_start3A_113] : memref<10112x128xf32, #tpu.memory_space<vmem_shared>> -> memref<10112x128xf32, #tpu.memory_space<vmem_shared>>
        tpu.enqueue_indirect_dma source(%arg12 : memref<128x128xf32, #tpu.memory_space<vmem>>) target(%dma_start3A_114 : memref<10112x128xf32, #tpu.memory_space<vmem_shared>>) offsets(%arg9 : memref<128xi32, #tpu.memory_space<vmem>>) semaphore(%arg18 : memref<!tpu.dma_semaphore, #tpu.memory_space<semaphore_mem>>) {add = true}
      } else {
      }
      %mul3A_71 = arith.constant 2 : i32
      %mul3A_72 = arith.muli %scan3A_48, %mul3A_71 : i32
      %add3A_73 = arith.constant 1 : i32
      %add3A_74 = arith.addi %mul3A_72, %add3A_73 : i32
      %ge3A_75 = arith.constant 2 : i32
      %ge3A_76 = arith.cmpi sge, %add3A_74, %ge3A_75 : i32
      %convert_element_type3A_77 = arith.extui %ge3A_76 : i1 to i32
      %cond3A_78 = arith.constant 0 : i32
      %cond3A_79 = arith.cmpi ne, %convert_element_type3A_77, %cond3A_78 : i32
      scf.if %cond3A_79 {
        %sub3A = arith.constant 2 : i32
        %sub3A_96 = arith.subi %add3A_74, %sub3A : i32
        %dma_wait3A_97 = arith.constant 0 : i32
        %dma_wait3A_98 = arith.constant 0 : i32
        %dma_wait3A_99 = tpu.memref_slice %arg14[%dma_wait3A_97, %dma_wait3A_98] : memref<10112x128xf32, #tpu.memory_space<vmem_shared>> -> memref<10112x128xf32, #tpu.memory_space<vmem_shared>>
        tpu.wait_indirect_dma semaphore(%arg18 : memref<!tpu.dma_semaphore, #tpu.memory_space<semaphore_mem>>) src(%arg12 : memref<128x128xf32, #tpu.memory_space<vmem>>) dst(%dma_wait3A_99 : memref<10112x128xf32, #tpu.memory_space<vmem_shared>>)
      } else {
      }
      %mul3A_80 = arith.constant 128 : i32
      %mul3A_81 = arith.muli %add3A_74, %mul3A_80 : i32
      %dma_start3A_82 = tpu.memref_slice %arg7[%mul3A_81] : memref<10000xi32, #tpu.memory_space<vmem>> -> memref<128xi32, #tpu.memory_space<vmem>>
      %dma_start3A_83 = arith.constant 0 : i32
      %dma_start3A_84 = arith.constant 0 : i32
      %dma_start3A_85 = tpu.memref_slice %arg2[%dma_start3A_83, %dma_start3A_84] : memref<10000x128xf32, #tpu.memory_space<hbm>> -> memref<10000x128xf32, #tpu.memory_space<hbm>>
      tpu.enqueue_indirect_dma source(%dma_start3A_85 : memref<10000x128xf32, #tpu.memory_space<hbm>>) target(%arg12 : memref<128x128xf32, #tpu.memory_space<vmem>>) offsets(%dma_start3A_82 : memref<128xi32, #tpu.memory_space<vmem>>) semaphore(%arg16 : memref<!tpu.dma_semaphore, #tpu.memory_space<semaphore_mem>>)
      %mul3A_86 = arith.constant 128 : i32
      %mul3A_87 = arith.muli %add3A_74, %mul3A_86 : i32
      %add3A_88 = arith.addi %mul3A_4, %mul3A_87 : i32
      %dma_start3A_89 = tpu.memref_slice %arg4[%add3A_88] : memref<320000xi32, #tpu.memory_space<hbm>> -> memref<128xi32, #tpu.memory_space<hbm>>
      %dma_start3A_90 = tpu.memref_slice %arg4[%add3A_88] : memref<320000xi32, #tpu.memory_space<hbm>> -> memref<128xi32, #tpu.memory_space<hbm>>
      tpu.enqueue_dma source(%dma_start3A_90 : memref<128xi32, #tpu.memory_space<hbm>>) target(%arg9 : memref<128xi32, #tpu.memory_space<vmem>>) target_semaphore(%arg20 : memref<!tpu.dma_semaphore, #tpu.memory_space<semaphore_mem>>)
      %ge3A_91 = arith.constant 1 : i32
      %ge3A_92 = arith.cmpi sge, %add3A_74, %ge3A_91 : i32
      %convert_element_type3A_93 = arith.extui %ge3A_92 : i1 to i32
      %cond3A_94 = arith.constant 0 : i32
      %cond3A_95 = arith.cmpi ne, %convert_element_type3A_93, %cond3A_94 : i32
      scf.if %cond3A_95 {
        %sub3A = arith.constant 1 : i32
        %sub3A_96 = arith.subi %add3A_74, %sub3A : i32
        %mul3A_97 = arith.constant 128 : i32
        %mul3A_98 = arith.muli %sub3A_96, %mul3A_97 : i32
        %dma_wait3A_99 = tpu.memref_slice %arg7[%mul3A_98] : memref<10000xi32, #tpu.memory_space<vmem>> -> memref<128xi32, #tpu.memory_space<vmem>>
        %dma_wait3A_100 = arith.constant 0 : i32
        %dma_wait3A_101 = arith.constant 0 : i32
        %dma_wait3A_102 = tpu.memref_slice %arg2[%dma_wait3A_100, %dma_wait3A_101] : memref<10000x128xf32, #tpu.memory_space<hbm>> -> memref<10000x128xf32, #tpu.memory_space<hbm>>
        tpu.wait_indirect_dma semaphore(%arg15 : memref<!tpu.dma_semaphore, #tpu.memory_space<semaphore_mem>>) src(%dma_wait3A_102 : memref<10000x128xf32, #tpu.memory_space<hbm>>) dst(%arg11 : memref<128x128xf32, #tpu.memory_space<vmem>>)
        %sub3A_103 = arith.constant 1 : i32
        %sub3A_104 = arith.subi %add3A_74, %sub3A_103 : i32
        %mul3A_105 = arith.constant 128 : i32
        %mul3A_106 = arith.muli %sub3A_104, %mul3A_105 : i32
        %add3A_107 = arith.addi %mul3A_4, %mul3A_106 : i32
        %dma_wait3A_108 = tpu.memref_slice %arg4[%add3A_107] : memref<320000xi32, #tpu.memory_space<hbm>> -> memref<128xi32, #tpu.memory_space<hbm>>
        %dma_wait3A_109 = tpu.memref_slice %arg4[%add3A_107] : memref<320000xi32, #tpu.memory_space<hbm>> -> memref<128xi32, #tpu.memory_space<hbm>>
        tpu.wait_dma2 semaphore(%arg19 : memref<!tpu.dma_semaphore, #tpu.memory_space<semaphore_mem>>) src(%dma_wait3A_109 : memref<128xi32, #tpu.memory_space<hbm>>) dst(%arg8 : memref<128xi32, #tpu.memory_space<vmem>>)
        %sub3A_110 = arith.constant 1 : i32
        %sub3A_111 = arith.subi %add3A_74, %sub3A_110 : i32
        %dma_start3A_112 = arith.constant 0 : i32
        %dma_start3A_113 = arith.constant 0 : i32
        %dma_start3A_114 = tpu.memref_slice %arg14[%dma_start3A_112, %dma_start3A_113] : memref<10112x128xf32, #tpu.memory_space<vmem_shared>> -> memref<10112x128xf32, #tpu.memory_space<vmem_shared>>
        tpu.enqueue_indirect_dma source(%arg11 : memref<128x128xf32, #tpu.memory_space<vmem>>) target(%dma_start3A_114 : memref<10112x128xf32, #tpu.memory_space<vmem_shared>>) offsets(%arg8 : memref<128xi32, #tpu.memory_space<vmem>>) semaphore(%arg17 : memref<!tpu.dma_semaphore, #tpu.memory_space<semaphore_mem>>) {add = true}
      } else {
      }
    }
    %scan3A_9 = arith.constant 39 : i32
    %dma_wait3A = arith.constant 9856 : i32
    %dma_wait3A_10 = tpu.memref_slice %arg7[%dma_wait3A] : memref<10000xi32, #tpu.memory_space<vmem>> -> memref<128xi32, #tpu.memory_space<vmem>>
    %dma_wait3A_11 = arith.constant 0 : i32
    %dma_wait3A_12 = arith.constant 0 : i32
    %dma_wait3A_13 = tpu.memref_slice %arg2[%dma_wait3A_11, %dma_wait3A_12] : memref<10000x128xf32, #tpu.memory_space<hbm>> -> memref<10000x128xf32, #tpu.memory_space<hbm>>
    tpu.wait_indirect_dma semaphore(%arg16 : memref<!tpu.dma_semaphore, #tpu.memory_space<semaphore_mem>>) src(%dma_wait3A_13 : memref<10000x128xf32, #tpu.memory_space<hbm>>) dst(%arg12 : memref<128x128xf32, #tpu.memory_space<vmem>>)
    %add3A_14 = arith.constant 9856 : i32
    %add3A_15 = arith.addi %mul3A_4, %add3A_14 : i32
    %dma_wait3A_16 = tpu.memref_slice %arg4[%add3A_15] : memref<320000xi32, #tpu.memory_space<hbm>> -> memref<128xi32, #tpu.memory_space<hbm>>
    %dma_wait3A_17 = tpu.memref_slice %arg4[%add3A_15] : memref<320000xi32, #tpu.memory_space<hbm>> -> memref<128xi32, #tpu.memory_space<hbm>>
    tpu.wait_dma2 semaphore(%arg20 : memref<!tpu.dma_semaphore, #tpu.memory_space<semaphore_mem>>) src(%dma_wait3A_17 : memref<128xi32, #tpu.memory_space<hbm>>) dst(%arg9 : memref<128xi32, #tpu.memory_space<vmem>>)
    %dma_start3A = arith.constant 0 : i32
    %dma_start3A_18 = arith.constant 0 : i32
    %dma_start3A_19 = tpu.memref_slice %arg14[%dma_start3A, %dma_start3A_18] : memref<10112x128xf32, #tpu.memory_space<vmem_shared>> -> memref<10112x128xf32, #tpu.memory_space<vmem_shared>>
    tpu.enqueue_indirect_dma source(%arg12 : memref<128x128xf32, #tpu.memory_space<vmem>>) target(%dma_start3A_19 : memref<10112x128xf32, #tpu.memory_space<vmem_shared>>) offsets(%arg9 : memref<128xi32, #tpu.memory_space<vmem>>) semaphore(%arg18 : memref<!tpu.dma_semaphore, #tpu.memory_space<semaphore_mem>>) {add = true}
    %dma_wait3A_20 = arith.constant 0 : i32
    %dma_wait3A_21 = arith.constant 0 : i32
    %dma_wait3A_22 = tpu.memref_slice %arg14[%dma_wait3A_20, %dma_wait3A_21] : memref<10112x128xf32, #tpu.memory_space<vmem_shared>> -> memref<10112x128xf32, #tpu.memory_space<vmem_shared>>
    tpu.wait_indirect_dma semaphore(%arg17 : memref<!tpu.dma_semaphore, #tpu.memory_space<semaphore_mem>>) src(%arg11 : memref<128x128xf32, #tpu.memory_space<vmem>>) dst(%dma_wait3A_22 : memref<10112x128xf32, #tpu.memory_space<vmem_shared>>)
    %dma_wait3A_23 = arith.constant 0 : i32
    %dma_wait3A_24 = arith.constant 0 : i32
    %dma_wait3A_25 = tpu.memref_slice %arg14[%dma_wait3A_23, %dma_wait3A_24] : memref<10112x128xf32, #tpu.memory_space<vmem_shared>> -> memref<10112x128xf32, #tpu.memory_space<vmem_shared>>
    tpu.wait_indirect_dma semaphore(%arg18 : memref<!tpu.dma_semaphore, #tpu.memory_space<semaphore_mem>>) src(%arg12 : memref<128x128xf32, #tpu.memory_space<vmem>>) dst(%dma_wait3A_25 : memref<10112x128xf32, #tpu.memory_space<vmem_shared>>)
    %add3A_26 = arith.constant 9984 : i32
    %add3A_27 = arith.addi %mul3A_4, %add3A_26 : i32
    "tpu.region"() ({
      %run_scoped3A = tpu.sem_alloc : memref<!tpu.dma_semaphore, #tpu.memory_space<semaphore_mem>>
      %dma_start3A_48 = tpu.memref_slice %arg4[%add3A_27] : memref<320000xi32, #tpu.memory_space<hbm>> -> memref<16xi32, #tpu.memory_space<hbm>>
      %dma_start3A_49 = tpu.memref_slice %arg4[%add3A_27] : memref<320000xi32, #tpu.memory_space<hbm>> -> memref<16xi32, #tpu.memory_space<hbm>>
      tpu.enqueue_dma source(%dma_start3A_49 : memref<16xi32, #tpu.memory_space<hbm>>) target(%arg10 : memref<16xi32, #tpu.memory_space<vmem>>) target_semaphore(%run_scoped3A : memref<!tpu.dma_semaphore, #tpu.memory_space<semaphore_mem>>)
      %dma_wait3A_50 = tpu.memref_slice %arg4[%add3A_27] : memref<320000xi32, #tpu.memory_space<hbm>> -> memref<16xi32, #tpu.memory_space<hbm>>
      %dma_wait3A_51 = tpu.memref_slice %arg4[%add3A_27] : memref<320000xi32, #tpu.memory_space<hbm>> -> memref<16xi32, #tpu.memory_space<hbm>>
      tpu.wait_dma2 semaphore(%run_scoped3A : memref<!tpu.dma_semaphore, #tpu.memory_space<semaphore_mem>>) src(%dma_wait3A_51 : memref<16xi32, #tpu.memory_space<hbm>>) dst(%arg10 : memref<16xi32, #tpu.memory_space<vmem>>)
      tpu.yield
    }) : () -> ()
    %dma_start3A_28 = arith.constant 9984 : i32
    %dma_start3A_29 = tpu.memref_slice %arg7[%dma_start3A_28] : memref<10000xi32, #tpu.memory_space<vmem>> -> memref<16xi32, #tpu.memory_space<vmem>>
    %dma_start3A_30 = arith.constant 0 : i32
    %dma_start3A_31 = arith.constant 0 : i32
    %dma_start3A_32 = tpu.memref_slice %arg2[%dma_start3A_30, %dma_start3A_31] : memref<10000x128xf32, #tpu.memory_space<hbm>> -> memref<10000x128xf32, #tpu.memory_space<hbm>>
    tpu.enqueue_indirect_dma source(%dma_start3A_32 : memref<10000x128xf32, #tpu.memory_space<hbm>>) target(%arg13 : memref<16x128xf32, #tpu.memory_space<vmem>>) offsets(%dma_start3A_29 : memref<16xi32, #tpu.memory_space<vmem>>) semaphore(%arg15 : memref<!tpu.dma_semaphore, #tpu.memory_space<semaphore_mem>>)
    %dma_wait3A_33 = arith.constant 9984 : i32
    %dma_wait3A_34 = tpu.memref_slice %arg7[%dma_wait3A_33] : memref<10000xi32, #tpu.memory_space<vmem>> -> memref<16xi32, #tpu.memory_space<vmem>>
    %dma_wait3A_35 = arith.constant 0 : i32
    %dma_wait3A_36 = arith.constant 0 : i32
    %dma_wait3A_37 = tpu.memref_slice %arg2[%dma_wait3A_35, %dma_wait3A_36] : memref<10000x128xf32, #tpu.memory_space<hbm>> -> memref<10000x128xf32, #tpu.memory_space<hbm>>
    tpu.wait_indirect_dma semaphore(%arg15 : memref<!tpu.dma_semaphore, #tpu.memory_space<semaphore_mem>>) src(%dma_wait3A_37 : memref<10000x128xf32, #tpu.memory_space<hbm>>) dst(%arg13 : memref<16x128xf32, #tpu.memory_space<vmem>>)
    %dma_start3A_38 = arith.constant 0 : i32
    %dma_start3A_39 = arith.constant 0 : i32
    %dma_start3A_40 = tpu.memref_slice %arg14[%dma_start3A_38, %dma_start3A_39] : memref<10112x128xf32, #tpu.memory_space<vmem_shared>> -> memref<10112x128xf32, #tpu.memory_space<vmem_shared>>
    tpu.enqueue_indirect_dma source(%arg13 : memref<16x128xf32, #tpu.memory_space<vmem>>) target(%dma_start3A_40 : memref<10112x128xf32, #tpu.memory_space<vmem_shared>>) offsets(%arg10 : memref<16xi32, #tpu.memory_space<vmem>>) semaphore(%arg17 : memref<!tpu.dma_semaphore, #tpu.memory_space<semaphore_mem>>) {add = true}
    %dma_wait3A_41 = arith.constant 0 : i32
    %dma_wait3A_42 = arith.constant 0 : i32
    %dma_wait3A_43 = tpu.memref_slice %arg14[%dma_wait3A_41, %dma_wait3A_42] : memref<10112x128xf32, #tpu.memory_space<vmem_shared>> -> memref<10112x128xf32, #tpu.memory_space<vmem_shared>>
    tpu.wait_indirect_dma semaphore(%arg17 : memref<!tpu.dma_semaphore, #tpu.memory_space<semaphore_mem>>) src(%arg13 : memref<16x128xf32, #tpu.memory_space<vmem>>) dst(%dma_wait3A_43 : memref<10112x128xf32, #tpu.memory_space<vmem_shared>>)
    %barrier3A_44 = arith.constant 0 : index
    tpu.barrier barrier_id(%barrier3A_44)
    %mul3A_45 = arith.constant 10112 : i32
    %mul3A_46 = arith.muli %arg0, %mul3A_45 : i32
    %add3A_47 = arith.addi %mul3A_46, %mul3A_2 : i32
    "tpu.region"() ({
      %run_scoped3A = tpu.sem_alloc : memref<!tpu.dma_semaphore, #tpu.memory_space<semaphore_mem>>
      %dma_start3A_48 = arith.constant 0 : i32
      %dma_start3A_49 = tpu.memref_slice %arg6[%add3A_47, %dma_start3A_48] : memref<20224x128xf32, #tpu.memory_space<hbm>> -> memref<632x128xf32, #tpu.memory_space<hbm>>
      %dma_start3A_50 = arith.constant 0 : i32
      %dma_start3A_51 = tpu.memref_slice %arg14[%mul3A_2, %dma_start3A_50] : memref<10112x128xf32, #tpu.memory_space<vmem_shared>> -> memref<632x128xf32, #tpu.memory_space<vmem_shared>>
      tpu.enqueue_dma source(%dma_start3A_51 : memref<632x128xf32, #tpu.memory_space<vmem_shared>>) target(%dma_start3A_49 : memref<632x128xf32, #tpu.memory_space<hbm>>) target_semaphore(%run_scoped3A : memref<!tpu.dma_semaphore, #tpu.memory_space<semaphore_mem>>)
      %dma_wait3A_52 = arith.constant 0 : i32
      %dma_wait3A_53 = tpu.memref_slice %arg6[%add3A_47, %dma_wait3A_52] : memref<20224x128xf32, #tpu.memory_space<hbm>> -> memref<632x128xf32, #tpu.memory_space<hbm>>
      %dma_wait3A_54 = arith.constant 0 : i32
      %dma_wait3A_55 = tpu.memref_slice %arg14[%mul3A_2, %dma_wait3A_54] : memref<10112x128xf32, #tpu.memory_space<vmem_shared>> -> memref<632x128xf32, #tpu.memory_space<vmem_shared>>
      tpu.wait_dma2 semaphore(%run_scoped3A : memref<!tpu.dma_semaphore, #tpu.memory_space<semaphore_mem>>) src(%dma_wait3A_55 : memref<632x128xf32, #tpu.memory_space<vmem_shared>>) dst(%dma_wait3A_53 : memref<632x128xf32, #tpu.memory_space<hbm>>)
      tpu.yield
    }) : () -> ()
    return
  }
}

#map = affine_map<(d0, d1) -> (0, 0)>
#map1 = affine_map<(d0, d1) -> (0)>
module attributes {stable_mosaic.version = 14 : i64} {
  func.func @_sc_gather_scatter(%arg0: i32, %arg1: i32, %arg2: memref<320000x128xf32, #tpu.memory_space<hbm>>, %arg3: memref<320000xi32, #tpu.memory_space<hbm>>, %arg4: memref<320000xi32, #tpu.memory_space<hbm>>, %arg5: memref<10112x128xf32, #tpu.memory_space<hbm>>, %arg6: memref<20224x128xf32, #tpu.memory_space<hbm>>, %arg7: memref<10000xi32, #tpu.memory_space<vmem>>, %arg8: memref<128xi32, #tpu.memory_space<vmem>>, %arg9: memref<128xi32, #tpu.memory_space<vmem>>, %arg10: memref<16xi32, #tpu.memory_space<vmem>>, %arg11: memref<128x128xf32, #tpu.memory_space<vmem>>, %arg12: memref<128x128xf32, #tpu.memory_space<vmem>>, %arg13: memref<16x128xf32, #tpu.memory_space<vmem>>, %arg14: memref<10112x128xf32, #tpu.memory_space<vmem_shared>>, %arg15: memref<!tpu.dma_semaphore, #tpu.memory_space<semaphore_mem>>, %arg16: memref<!tpu.dma_semaphore, #tpu.memory_space<semaphore_mem>>, %arg17: memref<!tpu.dma_semaphore, #tpu.memory_space<semaphore_mem>>, %arg18: memref<!tpu.dma_semaphore, #tpu.memory_space<semaphore_mem>>, %arg19: memref<!tpu.dma_semaphore, #tpu.memory_space<semaphore_mem>>, %arg20: memref<!tpu.dma_semaphore, #tpu.memory_space<semaphore_mem>>) attributes {dimension_semantics = [#tpu.dimension_semantics<core_parallel>, #tpu.dimension_semantics<subcore_parallel>], iteration_bounds = array<i64: 2, 16>, scalar_prefetch = 0 : i64, scratch_operands = 14 : i64, tpu.core_type = #tpu.core_type<sc_vector_subcore>, window_params = [{transform_indices = #map}, {transform_indices = #map1}, {transform_indices = #map1}, {transform_indices = #map}, {transform_indices = #map}]} {
    %mul3A = arith.constant 2 : i32
    %mul3A_0 = arith.muli %arg1, %mul3A : i32
    %add3A = arith.addi %mul3A_0, %arg0 : i32
    %mul3A_1 = arith.constant 632 : i32
    %mul3A_2 = arith.muli %arg1, %mul3A_1 : i32
    %mul3A_3 = arith.constant 10000 : i32
    %mul3A_4 = arith.muli %add3A, %mul3A_3 : i32
    "tpu.region"() ({
      %run_scoped3A = tpu.sem_alloc : memref<!tpu.dma_semaphore, #tpu.memory_space<semaphore_mem>>
      %dma_start3A_48 = tpu.memref_slice %arg3[%mul3A_4] : memref<320000xi32, #tpu.memory_space<hbm>> -> memref<10000xi32, #tpu.memory_space<hbm>>
      %dma_start3A_49 = tpu.memref_slice %arg3[%mul3A_4] : memref<320000xi32, #tpu.memory_space<hbm>> -> memref<10000xi32, #tpu.memory_space<hbm>>
      tpu.enqueue_dma source(%dma_start3A_49 : memref<10000xi32, #tpu.memory_space<hbm>>) target(%arg7 : memref<10000xi32, #tpu.memory_space<vmem>>) target_semaphore(%run_scoped3A : memref<!tpu.dma_semaphore, #tpu.memory_space<semaphore_mem>>)
      %dma_wait3A_50 = tpu.memref_slice %arg3[%mul3A_4] : memref<320000xi32, #tpu.memory_space<hbm>> -> memref<10000xi32, #tpu.memory_space<hbm>>
      %dma_wait3A_51 = tpu.memref_slice %arg3[%mul3A_4] : memref<320000xi32, #tpu.memory_space<hbm>> -> memref<10000xi32, #tpu.memory_space<hbm>>
      tpu.wait_dma2 semaphore(%run_scoped3A : memref<!tpu.dma_semaphore, #tpu.memory_space<semaphore_mem>>) src(%dma_wait3A_51 : memref<10000xi32, #tpu.memory_space<hbm>>) dst(%arg7 : memref<10000xi32, #tpu.memory_space<vmem>>)
      tpu.yield
    }) : () -> ()
    "tpu.region"() ({
      %run_scoped3A = tpu.sem_alloc : memref<!tpu.dma_semaphore, #tpu.memory_space<semaphore_mem>>
      %dma_start3A_48 = arith.constant 0 : i32
      %dma_start3A_49 = tpu.memref_slice %arg14[%mul3A_2, %dma_start3A_48] : memref<10112x128xf32, #tpu.memory_space<vmem_shared>> -> memref<632x128xf32, #tpu.memory_space<vmem_shared>>
      %dma_start3A_50 = arith.constant 0 : i32
      %dma_start3A_51 = tpu.memref_slice %arg5[%mul3A_2, %dma_start3A_50] : memref<10112x128xf32, #tpu.memory_space<hbm>> -> memref<632x128xf32, #tpu.memory_space<hbm>>
      tpu.enqueue_dma source(%dma_start3A_51 : memref<632x128xf32, #tpu.memory_space<hbm>>) target(%dma_start3A_49 : memref<632x128xf32, #tpu.memory_space<vmem_shared>>) target_semaphore(%run_scoped3A : memref<!tpu.dma_semaphore, #tpu.memory_space<semaphore_mem>>)
      %dma_wait3A_52 = arith.constant 0 : i32
      %dma_wait3A_53 = tpu.memref_slice %arg14[%mul3A_2, %dma_wait3A_52] : memref<10112x128xf32, #tpu.memory_space<vmem_shared>> -> memref<632x128xf32, #tpu.memory_space<vmem_shared>>
      %dma_wait3A_54 = arith.constant 0 : i32
      %dma_wait3A_55 = tpu.memref_slice %arg5[%mul3A_2, %dma_wait3A_54] : memref<10112x128xf32, #tpu.memory_space<hbm>> -> memref<632x128xf32, #tpu.memory_space<hbm>>
      tpu.wait_dma2 semaphore(%run_scoped3A : memref<!tpu.dma_semaphore, #tpu.memory_space<semaphore_mem>>) src(%dma_wait3A_55 : memref<632x128xf32, #tpu.memory_space<hbm>>) dst(%dma_wait3A_53 : memref<632x128xf32, #tpu.memory_space<vmem_shared>>)
      tpu.yield
    }) : () -> ()
    %barrier3A = arith.constant 0 : index
    tpu.barrier barrier_id(%barrier3A)
    %scan3A = arith.constant 0 : i32
    %scan3A_5 = arith.constant 0 : i32
    %scan3A_6 = arith.constant 39 : i32
    %scan3A_7 = arith.addi %scan3A_5, %scan3A_6 : i32
    %scan3A_8 = arith.constant 1 : i32
    scf.for %scan3A_48 = %scan3A_5 to %scan3A_7 step %scan3A_8  : i32 {
      %mul3A_49 = arith.constant 2 : i32
      %mul3A_50 = arith.muli %scan3A_48, %mul3A_49 : i32
      %add3A_51 = arith.constant 0 : i32
      %add3A_52 = arith.addi %mul3A_50, %add3A_51 : i32
      %ge3A = arith.constant 2 : i32
      %ge3A_53 = arith.cmpi sge, %add3A_52, %ge3A : i32
      %convert_element_type3A = arith.extui %ge3A_53 : i1 to i32
      %cond3A = arith.constant 0 : i32
      %cond3A_54 = arith.cmpi ne, %convert_element_type3A, %cond3A : i32
      scf.if %cond3A_54 {
        %sub3A = arith.constant 2 : i32
        %sub3A_96 = arith.subi %add3A_52, %sub3A : i32
        %dma_wait3A_97 = arith.constant 0 : i32
        %dma_wait3A_98 = arith.constant 0 : i32
        %dma_wait3A_99 = tpu.memref_slice %arg14[%dma_wait3A_97, %dma_wait3A_98] : memref<10112x128xf32, #tpu.memory_space<vmem_shared>> -> memref<10112x128xf32, #tpu.memory_space<vmem_shared>>
        tpu.wait_indirect_dma semaphore(%arg17 : memref<!tpu.dma_semaphore, #tpu.memory_space<semaphore_mem>>) src(%arg11 : memref<128x128xf32, #tpu.memory_space<vmem>>) dst(%dma_wait3A_99 : memref<10112x128xf32, #tpu.memory_space<vmem_shared>>)
      } else {
      }
      %mul3A_55 = arith.constant 128 : i32
      %mul3A_56 = arith.muli %add3A_52, %mul3A_55 : i32
      %dma_start3A_57 = tpu.memref_slice %arg7[%mul3A_56] : memref<10000xi32, #tpu.memory_space<vmem>> -> memref<128xi32, #tpu.memory_space<vmem>>
      %dma_start3A_58 = arith.constant 0 : i32
      %dma_start3A_59 = arith.constant 0 : i32
      %dma_start3A_60 = tpu.memref_slice %arg2[%dma_start3A_58, %dma_start3A_59] : memref<320000x128xf32, #tpu.memory_space<hbm>> -> memref<320000x128xf32, #tpu.memory_space<hbm>>
      tpu.enqueue_indirect_dma source(%dma_start3A_60 : memref<320000x128xf32, #tpu.memory_space<hbm>>) target(%arg11 : memref<128x128xf32, #tpu.memory_space<vmem>>) offsets(%dma_start3A_57 : memref<128xi32, #tpu.memory_space<vmem>>) semaphore(%arg15 : memref<!tpu.dma_semaphore, #tpu.memory_space<semaphore_mem>>)
      %mul3A_61 = arith.constant 128 : i32
      %mul3A_62 = arith.muli %add3A_52, %mul3A_61 : i32
      %add3A_63 = arith.addi %mul3A_4, %mul3A_62 : i32
      %dma_start3A_64 = tpu.memref_slice %arg4[%add3A_63] : memref<320000xi32, #tpu.memory_space<hbm>> -> memref<128xi32, #tpu.memory_space<hbm>>
      %dma_start3A_65 = tpu.memref_slice %arg4[%add3A_63] : memref<320000xi32, #tpu.memory_space<hbm>> -> memref<128xi32, #tpu.memory_space<hbm>>
      tpu.enqueue_dma source(%dma_start3A_65 : memref<128xi32, #tpu.memory_space<hbm>>) target(%arg8 : memref<128xi32, #tpu.memory_space<vmem>>) target_semaphore(%arg19 : memref<!tpu.dma_semaphore, #tpu.memory_space<semaphore_mem>>)
      %ge3A_66 = arith.constant 1 : i32
      %ge3A_67 = arith.cmpi sge, %add3A_52, %ge3A_66 : i32
      %convert_element_type3A_68 = arith.extui %ge3A_67 : i1 to i32
      %cond3A_69 = arith.constant 0 : i32
      %cond3A_70 = arith.cmpi ne, %convert_element_type3A_68, %cond3A_69 : i32
      scf.if %cond3A_70 {
        %sub3A = arith.constant 1 : i32
        %sub3A_96 = arith.subi %add3A_52, %sub3A : i32
        %mul3A_97 = arith.constant 128 : i32
        %mul3A_98 = arith.muli %sub3A_96, %mul3A_97 : i32
        %dma_wait3A_99 = tpu.memref_slice %arg7[%mul3A_98] : memref<10000xi32, #tpu.memory_space<vmem>> -> memref<128xi32, #tpu.memory_space<vmem>>
        %dma_wait3A_100 = arith.constant 0 : i32
        %dma_wait3A_101 = arith.constant 0 : i32
        %dma_wait3A_102 = tpu.memref_slice %arg2[%dma_wait3A_100, %dma_wait3A_101] : memref<320000x128xf32, #tpu.memory_space<hbm>> -> memref<320000x128xf32, #tpu.memory_space<hbm>>
        tpu.wait_indirect_dma semaphore(%arg16 : memref<!tpu.dma_semaphore, #tpu.memory_space<semaphore_mem>>) src(%dma_wait3A_102 : memref<320000x128xf32, #tpu.memory_space<hbm>>) dst(%arg12 : memref<128x128xf32, #tpu.memory_space<vmem>>)
        %sub3A_103 = arith.constant 1 : i32
        %sub3A_104 = arith.subi %add3A_52, %sub3A_103 : i32
        %mul3A_105 = arith.constant 128 : i32
        %mul3A_106 = arith.muli %sub3A_104, %mul3A_105 : i32
        %add3A_107 = arith.addi %mul3A_4, %mul3A_106 : i32
        %dma_wait3A_108 = tpu.memref_slice %arg4[%add3A_107] : memref<320000xi32, #tpu.memory_space<hbm>> -> memref<128xi32, #tpu.memory_space<hbm>>
        %dma_wait3A_109 = tpu.memref_slice %arg4[%add3A_107] : memref<320000xi32, #tpu.memory_space<hbm>> -> memref<128xi32, #tpu.memory_space<hbm>>
        tpu.wait_dma2 semaphore(%arg20 : memref<!tpu.dma_semaphore, #tpu.memory_space<semaphore_mem>>) src(%dma_wait3A_109 : memref<128xi32, #tpu.memory_space<hbm>>) dst(%arg9 : memref<128xi32, #tpu.memory_space<vmem>>)
        %sub3A_110 = arith.constant 1 : i32
        %sub3A_111 = arith.subi %add3A_52, %sub3A_110 : i32
        %dma_start3A_112 = arith.constant 0 : i32
        %dma_start3A_113 = arith.constant 0 : i32
        %dma_start3A_114 = tpu.memref_slice %arg14[%dma_start3A_112, %dma_start3A_113] : memref<10112x128xf32, #tpu.memory_space<vmem_shared>> -> memref<10112x128xf32, #tpu.memory_space<vmem_shared>>
        tpu.enqueue_indirect_dma source(%arg12 : memref<128x128xf32, #tpu.memory_space<vmem>>) target(%dma_start3A_114 : memref<10112x128xf32, #tpu.memory_space<vmem_shared>>) offsets(%arg9 : memref<128xi32, #tpu.memory_space<vmem>>) semaphore(%arg18 : memref<!tpu.dma_semaphore, #tpu.memory_space<semaphore_mem>>) {add = true}
      } else {
      }
      %mul3A_71 = arith.constant 2 : i32
      %mul3A_72 = arith.muli %scan3A_48, %mul3A_71 : i32
      %add3A_73 = arith.constant 1 : i32
      %add3A_74 = arith.addi %mul3A_72, %add3A_73 : i32
      %ge3A_75 = arith.constant 2 : i32
      %ge3A_76 = arith.cmpi sge, %add3A_74, %ge3A_75 : i32
      %convert_element_type3A_77 = arith.extui %ge3A_76 : i1 to i32
      %cond3A_78 = arith.constant 0 : i32
      %cond3A_79 = arith.cmpi ne, %convert_element_type3A_77, %cond3A_78 : i32
      scf.if %cond3A_79 {
        %sub3A = arith.constant 2 : i32
        %sub3A_96 = arith.subi %add3A_74, %sub3A : i32
        %dma_wait3A_97 = arith.constant 0 : i32
        %dma_wait3A_98 = arith.constant 0 : i32
        %dma_wait3A_99 = tpu.memref_slice %arg14[%dma_wait3A_97, %dma_wait3A_98] : memref<10112x128xf32, #tpu.memory_space<vmem_shared>> -> memref<10112x128xf32, #tpu.memory_space<vmem_shared>>
        tpu.wait_indirect_dma semaphore(%arg18 : memref<!tpu.dma_semaphore, #tpu.memory_space<semaphore_mem>>) src(%arg12 : memref<128x128xf32, #tpu.memory_space<vmem>>) dst(%dma_wait3A_99 : memref<10112x128xf32, #tpu.memory_space<vmem_shared>>)
      } else {
      }
      %mul3A_80 = arith.constant 128 : i32
      %mul3A_81 = arith.muli %add3A_74, %mul3A_80 : i32
      %dma_start3A_82 = tpu.memref_slice %arg7[%mul3A_81] : memref<10000xi32, #tpu.memory_space<vmem>> -> memref<128xi32, #tpu.memory_space<vmem>>
      %dma_start3A_83 = arith.constant 0 : i32
      %dma_start3A_84 = arith.constant 0 : i32
      %dma_start3A_85 = tpu.memref_slice %arg2[%dma_start3A_83, %dma_start3A_84] : memref<320000x128xf32, #tpu.memory_space<hbm>> -> memref<320000x128xf32, #tpu.memory_space<hbm>>
      tpu.enqueue_indirect_dma source(%dma_start3A_85 : memref<320000x128xf32, #tpu.memory_space<hbm>>) target(%arg12 : memref<128x128xf32, #tpu.memory_space<vmem>>) offsets(%dma_start3A_82 : memref<128xi32, #tpu.memory_space<vmem>>) semaphore(%arg16 : memref<!tpu.dma_semaphore, #tpu.memory_space<semaphore_mem>>)
      %mul3A_86 = arith.constant 128 : i32
      %mul3A_87 = arith.muli %add3A_74, %mul3A_86 : i32
      %add3A_88 = arith.addi %mul3A_4, %mul3A_87 : i32
      %dma_start3A_89 = tpu.memref_slice %arg4[%add3A_88] : memref<320000xi32, #tpu.memory_space<hbm>> -> memref<128xi32, #tpu.memory_space<hbm>>
      %dma_start3A_90 = tpu.memref_slice %arg4[%add3A_88] : memref<320000xi32, #tpu.memory_space<hbm>> -> memref<128xi32, #tpu.memory_space<hbm>>
      tpu.enqueue_dma source(%dma_start3A_90 : memref<128xi32, #tpu.memory_space<hbm>>) target(%arg9 : memref<128xi32, #tpu.memory_space<vmem>>) target_semaphore(%arg20 : memref<!tpu.dma_semaphore, #tpu.memory_space<semaphore_mem>>)
      %ge3A_91 = arith.constant 1 : i32
      %ge3A_92 = arith.cmpi sge, %add3A_74, %ge3A_91 : i32
      %convert_element_type3A_93 = arith.extui %ge3A_92 : i1 to i32
      %cond3A_94 = arith.constant 0 : i32
      %cond3A_95 = arith.cmpi ne, %convert_element_type3A_93, %cond3A_94 : i32
      scf.if %cond3A_95 {
        %sub3A = arith.constant 1 : i32
        %sub3A_96 = arith.subi %add3A_74, %sub3A : i32
        %mul3A_97 = arith.constant 128 : i32
        %mul3A_98 = arith.muli %sub3A_96, %mul3A_97 : i32
        %dma_wait3A_99 = tpu.memref_slice %arg7[%mul3A_98] : memref<10000xi32, #tpu.memory_space<vmem>> -> memref<128xi32, #tpu.memory_space<vmem>>
        %dma_wait3A_100 = arith.constant 0 : i32
        %dma_wait3A_101 = arith.constant 0 : i32
        %dma_wait3A_102 = tpu.memref_slice %arg2[%dma_wait3A_100, %dma_wait3A_101] : memref<320000x128xf32, #tpu.memory_space<hbm>> -> memref<320000x128xf32, #tpu.memory_space<hbm>>
        tpu.wait_indirect_dma semaphore(%arg15 : memref<!tpu.dma_semaphore, #tpu.memory_space<semaphore_mem>>) src(%dma_wait3A_102 : memref<320000x128xf32, #tpu.memory_space<hbm>>) dst(%arg11 : memref<128x128xf32, #tpu.memory_space<vmem>>)
        %sub3A_103 = arith.constant 1 : i32
        %sub3A_104 = arith.subi %add3A_74, %sub3A_103 : i32
        %mul3A_105 = arith.constant 128 : i32
        %mul3A_106 = arith.muli %sub3A_104, %mul3A_105 : i32
        %add3A_107 = arith.addi %mul3A_4, %mul3A_106 : i32
        %dma_wait3A_108 = tpu.memref_slice %arg4[%add3A_107] : memref<320000xi32, #tpu.memory_space<hbm>> -> memref<128xi32, #tpu.memory_space<hbm>>
        %dma_wait3A_109 = tpu.memref_slice %arg4[%add3A_107] : memref<320000xi32, #tpu.memory_space<hbm>> -> memref<128xi32, #tpu.memory_space<hbm>>
        tpu.wait_dma2 semaphore(%arg19 : memref<!tpu.dma_semaphore, #tpu.memory_space<semaphore_mem>>) src(%dma_wait3A_109 : memref<128xi32, #tpu.memory_space<hbm>>) dst(%arg8 : memref<128xi32, #tpu.memory_space<vmem>>)
        %sub3A_110 = arith.constant 1 : i32
        %sub3A_111 = arith.subi %add3A_74, %sub3A_110 : i32
        %dma_start3A_112 = arith.constant 0 : i32
        %dma_start3A_113 = arith.constant 0 : i32
        %dma_start3A_114 = tpu.memref_slice %arg14[%dma_start3A_112, %dma_start3A_113] : memref<10112x128xf32, #tpu.memory_space<vmem_shared>> -> memref<10112x128xf32, #tpu.memory_space<vmem_shared>>
        tpu.enqueue_indirect_dma source(%arg11 : memref<128x128xf32, #tpu.memory_space<vmem>>) target(%dma_start3A_114 : memref<10112x128xf32, #tpu.memory_space<vmem_shared>>) offsets(%arg8 : memref<128xi32, #tpu.memory_space<vmem>>) semaphore(%arg17 : memref<!tpu.dma_semaphore, #tpu.memory_space<semaphore_mem>>) {add = true}
      } else {
      }
    }
    %scan3A_9 = arith.constant 39 : i32
    %dma_wait3A = arith.constant 9856 : i32
    %dma_wait3A_10 = tpu.memref_slice %arg7[%dma_wait3A] : memref<10000xi32, #tpu.memory_space<vmem>> -> memref<128xi32, #tpu.memory_space<vmem>>
    %dma_wait3A_11 = arith.constant 0 : i32
    %dma_wait3A_12 = arith.constant 0 : i32
    %dma_wait3A_13 = tpu.memref_slice %arg2[%dma_wait3A_11, %dma_wait3A_12] : memref<320000x128xf32, #tpu.memory_space<hbm>> -> memref<320000x128xf32, #tpu.memory_space<hbm>>
    tpu.wait_indirect_dma semaphore(%arg16 : memref<!tpu.dma_semaphore, #tpu.memory_space<semaphore_mem>>) src(%dma_wait3A_13 : memref<320000x128xf32, #tpu.memory_space<hbm>>) dst(%arg12 : memref<128x128xf32, #tpu.memory_space<vmem>>)
    %add3A_14 = arith.constant 9856 : i32
    %add3A_15 = arith.addi %mul3A_4, %add3A_14 : i32
    %dma_wait3A_16 = tpu.memref_slice %arg4[%add3A_15] : memref<320000xi32, #tpu.memory_space<hbm>> -> memref<128xi32, #tpu.memory_space<hbm>>
    %dma_wait3A_17 = tpu.memref_slice %arg4[%add3A_15] : memref<320000xi32, #tpu.memory_space<hbm>> -> memref<128xi32, #tpu.memory_space<hbm>>
    tpu.wait_dma2 semaphore(%arg20 : memref<!tpu.dma_semaphore, #tpu.memory_space<semaphore_mem>>) src(%dma_wait3A_17 : memref<128xi32, #tpu.memory_space<hbm>>) dst(%arg9 : memref<128xi32, #tpu.memory_space<vmem>>)
    %dma_start3A = arith.constant 0 : i32
    %dma_start3A_18 = arith.constant 0 : i32
    %dma_start3A_19 = tpu.memref_slice %arg14[%dma_start3A, %dma_start3A_18] : memref<10112x128xf32, #tpu.memory_space<vmem_shared>> -> memref<10112x128xf32, #tpu.memory_space<vmem_shared>>
    tpu.enqueue_indirect_dma source(%arg12 : memref<128x128xf32, #tpu.memory_space<vmem>>) target(%dma_start3A_19 : memref<10112x128xf32, #tpu.memory_space<vmem_shared>>) offsets(%arg9 : memref<128xi32, #tpu.memory_space<vmem>>) semaphore(%arg18 : memref<!tpu.dma_semaphore, #tpu.memory_space<semaphore_mem>>) {add = true}
    %dma_wait3A_20 = arith.constant 0 : i32
    %dma_wait3A_21 = arith.constant 0 : i32
    %dma_wait3A_22 = tpu.memref_slice %arg14[%dma_wait3A_20, %dma_wait3A_21] : memref<10112x128xf32, #tpu.memory_space<vmem_shared>> -> memref<10112x128xf32, #tpu.memory_space<vmem_shared>>
    tpu.wait_indirect_dma semaphore(%arg17 : memref<!tpu.dma_semaphore, #tpu.memory_space<semaphore_mem>>) src(%arg11 : memref<128x128xf32, #tpu.memory_space<vmem>>) dst(%dma_wait3A_22 : memref<10112x128xf32, #tpu.memory_space<vmem_shared>>)
    %dma_wait3A_23 = arith.constant 0 : i32
    %dma_wait3A_24 = arith.constant 0 : i32
    %dma_wait3A_25 = tpu.memref_slice %arg14[%dma_wait3A_23, %dma_wait3A_24] : memref<10112x128xf32, #tpu.memory_space<vmem_shared>> -> memref<10112x128xf32, #tpu.memory_space<vmem_shared>>
    tpu.wait_indirect_dma semaphore(%arg18 : memref<!tpu.dma_semaphore, #tpu.memory_space<semaphore_mem>>) src(%arg12 : memref<128x128xf32, #tpu.memory_space<vmem>>) dst(%dma_wait3A_25 : memref<10112x128xf32, #tpu.memory_space<vmem_shared>>)
    %add3A_26 = arith.constant 9984 : i32
    %add3A_27 = arith.addi %mul3A_4, %add3A_26 : i32
    "tpu.region"() ({
      %run_scoped3A = tpu.sem_alloc : memref<!tpu.dma_semaphore, #tpu.memory_space<semaphore_mem>>
      %dma_start3A_48 = tpu.memref_slice %arg4[%add3A_27] : memref<320000xi32, #tpu.memory_space<hbm>> -> memref<16xi32, #tpu.memory_space<hbm>>
      %dma_start3A_49 = tpu.memref_slice %arg4[%add3A_27] : memref<320000xi32, #tpu.memory_space<hbm>> -> memref<16xi32, #tpu.memory_space<hbm>>
      tpu.enqueue_dma source(%dma_start3A_49 : memref<16xi32, #tpu.memory_space<hbm>>) target(%arg10 : memref<16xi32, #tpu.memory_space<vmem>>) target_semaphore(%run_scoped3A : memref<!tpu.dma_semaphore, #tpu.memory_space<semaphore_mem>>)
      %dma_wait3A_50 = tpu.memref_slice %arg4[%add3A_27] : memref<320000xi32, #tpu.memory_space<hbm>> -> memref<16xi32, #tpu.memory_space<hbm>>
      %dma_wait3A_51 = tpu.memref_slice %arg4[%add3A_27] : memref<320000xi32, #tpu.memory_space<hbm>> -> memref<16xi32, #tpu.memory_space<hbm>>
      tpu.wait_dma2 semaphore(%run_scoped3A : memref<!tpu.dma_semaphore, #tpu.memory_space<semaphore_mem>>) src(%dma_wait3A_51 : memref<16xi32, #tpu.memory_space<hbm>>) dst(%arg10 : memref<16xi32, #tpu.memory_space<vmem>>)
      tpu.yield
    }) : () -> ()
    %dma_start3A_28 = arith.constant 9984 : i32
    %dma_start3A_29 = tpu.memref_slice %arg7[%dma_start3A_28] : memref<10000xi32, #tpu.memory_space<vmem>> -> memref<16xi32, #tpu.memory_space<vmem>>
    %dma_start3A_30 = arith.constant 0 : i32
    %dma_start3A_31 = arith.constant 0 : i32
    %dma_start3A_32 = tpu.memref_slice %arg2[%dma_start3A_30, %dma_start3A_31] : memref<320000x128xf32, #tpu.memory_space<hbm>> -> memref<320000x128xf32, #tpu.memory_space<hbm>>
    tpu.enqueue_indirect_dma source(%dma_start3A_32 : memref<320000x128xf32, #tpu.memory_space<hbm>>) target(%arg13 : memref<16x128xf32, #tpu.memory_space<vmem>>) offsets(%dma_start3A_29 : memref<16xi32, #tpu.memory_space<vmem>>) semaphore(%arg15 : memref<!tpu.dma_semaphore, #tpu.memory_space<semaphore_mem>>)
    %dma_wait3A_33 = arith.constant 9984 : i32
    %dma_wait3A_34 = tpu.memref_slice %arg7[%dma_wait3A_33] : memref<10000xi32, #tpu.memory_space<vmem>> -> memref<16xi32, #tpu.memory_space<vmem>>
    %dma_wait3A_35 = arith.constant 0 : i32
    %dma_wait3A_36 = arith.constant 0 : i32
    %dma_wait3A_37 = tpu.memref_slice %arg2[%dma_wait3A_35, %dma_wait3A_36] : memref<320000x128xf32, #tpu.memory_space<hbm>> -> memref<320000x128xf32, #tpu.memory_space<hbm>>
    tpu.wait_indirect_dma semaphore(%arg15 : memref<!tpu.dma_semaphore, #tpu.memory_space<semaphore_mem>>) src(%dma_wait3A_37 : memref<320000x128xf32, #tpu.memory_space<hbm>>) dst(%arg13 : memref<16x128xf32, #tpu.memory_space<vmem>>)
    %dma_start3A_38 = arith.constant 0 : i32
    %dma_start3A_39 = arith.constant 0 : i32
    %dma_start3A_40 = tpu.memref_slice %arg14[%dma_start3A_38, %dma_start3A_39] : memref<10112x128xf32, #tpu.memory_space<vmem_shared>> -> memref<10112x128xf32, #tpu.memory_space<vmem_shared>>
    tpu.enqueue_indirect_dma source(%arg13 : memref<16x128xf32, #tpu.memory_space<vmem>>) target(%dma_start3A_40 : memref<10112x128xf32, #tpu.memory_space<vmem_shared>>) offsets(%arg10 : memref<16xi32, #tpu.memory_space<vmem>>) semaphore(%arg17 : memref<!tpu.dma_semaphore, #tpu.memory_space<semaphore_mem>>) {add = true}
    %dma_wait3A_41 = arith.constant 0 : i32
    %dma_wait3A_42 = arith.constant 0 : i32
    %dma_wait3A_43 = tpu.memref_slice %arg14[%dma_wait3A_41, %dma_wait3A_42] : memref<10112x128xf32, #tpu.memory_space<vmem_shared>> -> memref<10112x128xf32, #tpu.memory_space<vmem_shared>>
    tpu.wait_indirect_dma semaphore(%arg17 : memref<!tpu.dma_semaphore, #tpu.memory_space<semaphore_mem>>) src(%arg13 : memref<16x128xf32, #tpu.memory_space<vmem>>) dst(%dma_wait3A_43 : memref<10112x128xf32, #tpu.memory_space<vmem_shared>>)
    %barrier3A_44 = arith.constant 0 : index
    tpu.barrier barrier_id(%barrier3A_44)
    %mul3A_45 = arith.constant 10112 : i32
    %mul3A_46 = arith.muli %arg0, %mul3A_45 : i32
    %add3A_47 = arith.addi %mul3A_46, %mul3A_2 : i32
    "tpu.region"() ({
      %run_scoped3A = tpu.sem_alloc : memref<!tpu.dma_semaphore, #tpu.memory_space<semaphore_mem>>
      %dma_start3A_48 = arith.constant 0 : i32
      %dma_start3A_49 = tpu.memref_slice %arg6[%add3A_47, %dma_start3A_48] : memref<20224x128xf32, #tpu.memory_space<hbm>> -> memref<632x128xf32, #tpu.memory_space<hbm>>
      %dma_start3A_50 = arith.constant 0 : i32
      %dma_start3A_51 = tpu.memref_slice %arg14[%mul3A_2, %dma_start3A_50] : memref<10112x128xf32, #tpu.memory_space<vmem_shared>> -> memref<632x128xf32, #tpu.memory_space<vmem_shared>>
      tpu.enqueue_dma source(%dma_start3A_51 : memref<632x128xf32, #tpu.memory_space<vmem_shared>>) target(%dma_start3A_49 : memref<632x128xf32, #tpu.memory_space<hbm>>) target_semaphore(%run_scoped3A : memref<!tpu.dma_semaphore, #tpu.memory_space<semaphore_mem>>)
      %dma_wait3A_52 = arith.constant 0 : i32
      %dma_wait3A_53 = tpu.memref_slice %arg6[%add3A_47, %dma_wait3A_52] : memref<20224x128xf32, #tpu.memory_space<hbm>> -> memref<632x128xf32, #tpu.memory_space<hbm>>
      %dma_wait3A_54 = arith.constant 0 : i32
      %dma_wait3A_55 = tpu.memref_slice %arg14[%mul3A_2, %dma_wait3A_54] : memref<10112x128xf32, #tpu.memory_space<vmem_shared>> -> memref<632x128xf32, #tpu.memory_space<vmem_shared>>
      tpu.wait_dma2 semaphore(%run_scoped3A : memref<!tpu.dma_semaphore, #tpu.memory_space<semaphore_mem>>) src(%dma_wait3A_55 : memref<632x128xf32, #tpu.memory_space<vmem_shared>>) dst(%dma_wait3A_53 : memref<632x128xf32, #tpu.memory_space<hbm>>)
      tpu.yield
    }) : () -> ()
    return
  }
}

#map = affine_map<(d0, d1) -> (0, 0)>
#map1 = affine_map<(d0, d1) -> (0)>
module attributes {stable_mosaic.version = 14 : i64} {
  func.func @_sc_gather_scatter(%arg0: i32, %arg1: i32, %arg2: memref<10000x128xf32, #tpu.memory_space<hbm>>, %arg3: memref<320000xi32, #tpu.memory_space<hbm>>, %arg4: memref<320000xi32, #tpu.memory_space<hbm>>, %arg5: memref<10112x128xf32, #tpu.memory_space<hbm>>, %arg6: memref<20224x128xf32, #tpu.memory_space<hbm>>, %arg7: memref<10000xi32, #tpu.memory_space<vmem>>, %arg8: memref<128xi32, #tpu.memory_space<vmem>>, %arg9: memref<128xi32, #tpu.memory_space<vmem>>, %arg10: memref<16xi32, #tpu.memory_space<vmem>>, %arg11: memref<128x128xf32, #tpu.memory_space<vmem>>, %arg12: memref<128x128xf32, #tpu.memory_space<vmem>>, %arg13: memref<16x128xf32, #tpu.memory_space<vmem>>, %arg14: memref<10112x128xf32, #tpu.memory_space<vmem_shared>>, %arg15: memref<!tpu.dma_semaphore, #tpu.memory_space<semaphore_mem>>, %arg16: memref<!tpu.dma_semaphore, #tpu.memory_space<semaphore_mem>>, %arg17: memref<!tpu.dma_semaphore, #tpu.memory_space<semaphore_mem>>, %arg18: memref<!tpu.dma_semaphore, #tpu.memory_space<semaphore_mem>>, %arg19: memref<!tpu.dma_semaphore, #tpu.memory_space<semaphore_mem>>, %arg20: memref<!tpu.dma_semaphore, #tpu.memory_space<semaphore_mem>>) attributes {dimension_semantics = [#tpu.dimension_semantics<core_parallel>, #tpu.dimension_semantics<subcore_parallel>], iteration_bounds = array<i64: 2, 16>, scalar_prefetch = 0 : i64, scratch_operands = 14 : i64, tpu.core_type = #tpu.core_type<sc_vector_subcore>, window_params = [{transform_indices = #map}, {transform_indices = #map1}, {transform_indices = #map1}, {transform_indices = #map}, {transform_indices = #map}]} {
    %mul3A = arith.constant 2 : i32
    %mul3A_0 = arith.muli %arg1, %mul3A : i32
    %add3A = arith.addi %mul3A_0, %arg0 : i32
    %mul3A_1 = arith.constant 632 : i32
    %mul3A_2 = arith.muli %arg1, %mul3A_1 : i32
    %mul3A_3 = arith.constant 10000 : i32
    %mul3A_4 = arith.muli %add3A, %mul3A_3 : i32
    "tpu.region"() ({
      %run_scoped3A = tpu.sem_alloc : memref<!tpu.dma_semaphore, #tpu.memory_space<semaphore_mem>>
      %dma_start3A_48 = tpu.memref_slice %arg3[%mul3A_4] : memref<320000xi32, #tpu.memory_space<hbm>> -> memref<10000xi32, #tpu.memory_space<hbm>>
      %dma_start3A_49 = tpu.memref_slice %arg3[%mul3A_4] : memref<320000xi32, #tpu.memory_space<hbm>> -> memref<10000xi32, #tpu.memory_space<hbm>>
      tpu.enqueue_dma source(%dma_start3A_49 : memref<10000xi32, #tpu.memory_space<hbm>>) target(%arg7 : memref<10000xi32, #tpu.memory_space<vmem>>) target_semaphore(%run_scoped3A : memref<!tpu.dma_semaphore, #tpu.memory_space<semaphore_mem>>)
      %dma_wait3A_50 = tpu.memref_slice %arg3[%mul3A_4] : memref<320000xi32, #tpu.memory_space<hbm>> -> memref<10000xi32, #tpu.memory_space<hbm>>
      %dma_wait3A_51 = tpu.memref_slice %arg3[%mul3A_4] : memref<320000xi32, #tpu.memory_space<hbm>> -> memref<10000xi32, #tpu.memory_space<hbm>>
      tpu.wait_dma2 semaphore(%run_scoped3A : memref<!tpu.dma_semaphore, #tpu.memory_space<semaphore_mem>>) src(%dma_wait3A_51 : memref<10000xi32, #tpu.memory_space<hbm>>) dst(%arg7 : memref<10000xi32, #tpu.memory_space<vmem>>)
      tpu.yield
    }) : () -> ()
    "tpu.region"() ({
      %run_scoped3A = tpu.sem_alloc : memref<!tpu.dma_semaphore, #tpu.memory_space<semaphore_mem>>
      %dma_start3A_48 = arith.constant 0 : i32
      %dma_start3A_49 = tpu.memref_slice %arg14[%mul3A_2, %dma_start3A_48] : memref<10112x128xf32, #tpu.memory_space<vmem_shared>> -> memref<632x128xf32, #tpu.memory_space<vmem_shared>>
      %dma_start3A_50 = arith.constant 0 : i32
      %dma_start3A_51 = tpu.memref_slice %arg5[%mul3A_2, %dma_start3A_50] : memref<10112x128xf32, #tpu.memory_space<hbm>> -> memref<632x128xf32, #tpu.memory_space<hbm>>
      tpu.enqueue_dma source(%dma_start3A_51 : memref<632x128xf32, #tpu.memory_space<hbm>>) target(%dma_start3A_49 : memref<632x128xf32, #tpu.memory_space<vmem_shared>>) target_semaphore(%run_scoped3A : memref<!tpu.dma_semaphore, #tpu.memory_space<semaphore_mem>>)
      %dma_wait3A_52 = arith.constant 0 : i32
      %dma_wait3A_53 = tpu.memref_slice %arg14[%mul3A_2, %dma_wait3A_52] : memref<10112x128xf32, #tpu.memory_space<vmem_shared>> -> memref<632x128xf32, #tpu.memory_space<vmem_shared>>
      %dma_wait3A_54 = arith.constant 0 : i32
      %dma_wait3A_55 = tpu.memref_slice %arg5[%mul3A_2, %dma_wait3A_54] : memref<10112x128xf32, #tpu.memory_space<hbm>> -> memref<632x128xf32, #tpu.memory_space<hbm>>
      tpu.wait_dma2 semaphore(%run_scoped3A : memref<!tpu.dma_semaphore, #tpu.memory_space<semaphore_mem>>) src(%dma_wait3A_55 : memref<632x128xf32, #tpu.memory_space<hbm>>) dst(%dma_wait3A_53 : memref<632x128xf32, #tpu.memory_space<vmem_shared>>)
      tpu.yield
    }) : () -> ()
    %barrier3A = arith.constant 0 : index
    tpu.barrier barrier_id(%barrier3A)
    %scan3A = arith.constant 0 : i32
    %scan3A_5 = arith.constant 0 : i32
    %scan3A_6 = arith.constant 39 : i32
    %scan3A_7 = arith.addi %scan3A_5, %scan3A_6 : i32
    %scan3A_8 = arith.constant 1 : i32
    scf.for %scan3A_48 = %scan3A_5 to %scan3A_7 step %scan3A_8  : i32 {
      %mul3A_49 = arith.constant 2 : i32
      %mul3A_50 = arith.muli %scan3A_48, %mul3A_49 : i32
      %add3A_51 = arith.constant 0 : i32
      %add3A_52 = arith.addi %mul3A_50, %add3A_51 : i32
      %ge3A = arith.constant 2 : i32
      %ge3A_53 = arith.cmpi sge, %add3A_52, %ge3A : i32
      %convert_element_type3A = arith.extui %ge3A_53 : i1 to i32
      %cond3A = arith.constant 0 : i32
      %cond3A_54 = arith.cmpi ne, %convert_element_type3A, %cond3A : i32
      scf.if %cond3A_54 {
        %sub3A = arith.constant 2 : i32
        %sub3A_96 = arith.subi %add3A_52, %sub3A : i32
        %dma_wait3A_97 = arith.constant 0 : i32
        %dma_wait3A_98 = arith.constant 0 : i32
        %dma_wait3A_99 = tpu.memref_slice %arg14[%dma_wait3A_97, %dma_wait3A_98] : memref<10112x128xf32, #tpu.memory_space<vmem_shared>> -> memref<10112x128xf32, #tpu.memory_space<vmem_shared>>
        tpu.wait_indirect_dma semaphore(%arg17 : memref<!tpu.dma_semaphore, #tpu.memory_space<semaphore_mem>>) src(%arg11 : memref<128x128xf32, #tpu.memory_space<vmem>>) dst(%dma_wait3A_99 : memref<10112x128xf32, #tpu.memory_space<vmem_shared>>)
      } else {
      }
      %mul3A_55 = arith.constant 128 : i32
      %mul3A_56 = arith.muli %add3A_52, %mul3A_55 : i32
      %dma_start3A_57 = tpu.memref_slice %arg7[%mul3A_56] : memref<10000xi32, #tpu.memory_space<vmem>> -> memref<128xi32, #tpu.memory_space<vmem>>
      %dma_start3A_58 = arith.constant 0 : i32
      %dma_start3A_59 = arith.constant 0 : i32
      %dma_start3A_60 = tpu.memref_slice %arg2[%dma_start3A_58, %dma_start3A_59] : memref<10000x128xf32, #tpu.memory_space<hbm>> -> memref<10000x128xf32, #tpu.memory_space<hbm>>
      tpu.enqueue_indirect_dma source(%dma_start3A_60 : memref<10000x128xf32, #tpu.memory_space<hbm>>) target(%arg11 : memref<128x128xf32, #tpu.memory_space<vmem>>) offsets(%dma_start3A_57 : memref<128xi32, #tpu.memory_space<vmem>>) semaphore(%arg15 : memref<!tpu.dma_semaphore, #tpu.memory_space<semaphore_mem>>)
      %mul3A_61 = arith.constant 128 : i32
      %mul3A_62 = arith.muli %add3A_52, %mul3A_61 : i32
      %add3A_63 = arith.addi %mul3A_4, %mul3A_62 : i32
      %dma_start3A_64 = tpu.memref_slice %arg4[%add3A_63] : memref<320000xi32, #tpu.memory_space<hbm>> -> memref<128xi32, #tpu.memory_space<hbm>>
      %dma_start3A_65 = tpu.memref_slice %arg4[%add3A_63] : memref<320000xi32, #tpu.memory_space<hbm>> -> memref<128xi32, #tpu.memory_space<hbm>>
      tpu.enqueue_dma source(%dma_start3A_65 : memref<128xi32, #tpu.memory_space<hbm>>) target(%arg8 : memref<128xi32, #tpu.memory_space<vmem>>) target_semaphore(%arg19 : memref<!tpu.dma_semaphore, #tpu.memory_space<semaphore_mem>>)
      %ge3A_66 = arith.constant 1 : i32
      %ge3A_67 = arith.cmpi sge, %add3A_52, %ge3A_66 : i32
      %convert_element_type3A_68 = arith.extui %ge3A_67 : i1 to i32
      %cond3A_69 = arith.constant 0 : i32
      %cond3A_70 = arith.cmpi ne, %convert_element_type3A_68, %cond3A_69 : i32
      scf.if %cond3A_70 {
        %sub3A = arith.constant 1 : i32
        %sub3A_96 = arith.subi %add3A_52, %sub3A : i32
        %mul3A_97 = arith.constant 128 : i32
        %mul3A_98 = arith.muli %sub3A_96, %mul3A_97 : i32
        %dma_wait3A_99 = tpu.memref_slice %arg7[%mul3A_98] : memref<10000xi32, #tpu.memory_space<vmem>> -> memref<128xi32, #tpu.memory_space<vmem>>
        %dma_wait3A_100 = arith.constant 0 : i32
        %dma_wait3A_101 = arith.constant 0 : i32
        %dma_wait3A_102 = tpu.memref_slice %arg2[%dma_wait3A_100, %dma_wait3A_101] : memref<10000x128xf32, #tpu.memory_space<hbm>> -> memref<10000x128xf32, #tpu.memory_space<hbm>>
        tpu.wait_indirect_dma semaphore(%arg16 : memref<!tpu.dma_semaphore, #tpu.memory_space<semaphore_mem>>) src(%dma_wait3A_102 : memref<10000x128xf32, #tpu.memory_space<hbm>>) dst(%arg12 : memref<128x128xf32, #tpu.memory_space<vmem>>)
        %sub3A_103 = arith.constant 1 : i32
        %sub3A_104 = arith.subi %add3A_52, %sub3A_103 : i32
        %mul3A_105 = arith.constant 128 : i32
        %mul3A_106 = arith.muli %sub3A_104, %mul3A_105 : i32
        %add3A_107 = arith.addi %mul3A_4, %mul3A_106 : i32
        %dma_wait3A_108 = tpu.memref_slice %arg4[%add3A_107] : memref<320000xi32, #tpu.memory_space<hbm>> -> memref<128xi32, #tpu.memory_space<hbm>>
        %dma_wait3A_109 = tpu.memref_slice %arg4[%add3A_107] : memref<320000xi32, #tpu.memory_space<hbm>> -> memref<128xi32, #tpu.memory_space<hbm>>
        tpu.wait_dma2 semaphore(%arg20 : memref<!tpu.dma_semaphore, #tpu.memory_space<semaphore_mem>>) src(%dma_wait3A_109 : memref<128xi32, #tpu.memory_space<hbm>>) dst(%arg9 : memref<128xi32, #tpu.memory_space<vmem>>)
        %sub3A_110 = arith.constant 1 : i32
        %sub3A_111 = arith.subi %add3A_52, %sub3A_110 : i32
        %dma_start3A_112 = arith.constant 0 : i32
        %dma_start3A_113 = arith.constant 0 : i32
        %dma_start3A_114 = tpu.memref_slice %arg14[%dma_start3A_112, %dma_start3A_113] : memref<10112x128xf32, #tpu.memory_space<vmem_shared>> -> memref<10112x128xf32, #tpu.memory_space<vmem_shared>>
        tpu.enqueue_indirect_dma source(%arg12 : memref<128x128xf32, #tpu.memory_space<vmem>>) target(%dma_start3A_114 : memref<10112x128xf32, #tpu.memory_space<vmem_shared>>) offsets(%arg9 : memref<128xi32, #tpu.memory_space<vmem>>) semaphore(%arg18 : memref<!tpu.dma_semaphore, #tpu.memory_space<semaphore_mem>>) {add = true}
      } else {
      }
      %mul3A_71 = arith.constant 2 : i32
      %mul3A_72 = arith.muli %scan3A_48, %mul3A_71 : i32
      %add3A_73 = arith.constant 1 : i32
      %add3A_74 = arith.addi %mul3A_72, %add3A_73 : i32
      %ge3A_75 = arith.constant 2 : i32
      %ge3A_76 = arith.cmpi sge, %add3A_74, %ge3A_75 : i32
      %convert_element_type3A_77 = arith.extui %ge3A_76 : i1 to i32
      %cond3A_78 = arith.constant 0 : i32
      %cond3A_79 = arith.cmpi ne, %convert_element_type3A_77, %cond3A_78 : i32
      scf.if %cond3A_79 {
        %sub3A = arith.constant 2 : i32
        %sub3A_96 = arith.subi %add3A_74, %sub3A : i32
        %dma_wait3A_97 = arith.constant 0 : i32
        %dma_wait3A_98 = arith.constant 0 : i32
        %dma_wait3A_99 = tpu.memref_slice %arg14[%dma_wait3A_97, %dma_wait3A_98] : memref<10112x128xf32, #tpu.memory_space<vmem_shared>> -> memref<10112x128xf32, #tpu.memory_space<vmem_shared>>
        tpu.wait_indirect_dma semaphore(%arg18 : memref<!tpu.dma_semaphore, #tpu.memory_space<semaphore_mem>>) src(%arg12 : memref<128x128xf32, #tpu.memory_space<vmem>>) dst(%dma_wait3A_99 : memref<10112x128xf32, #tpu.memory_space<vmem_shared>>)
      } else {
      }
      %mul3A_80 = arith.constant 128 : i32
      %mul3A_81 = arith.muli %add3A_74, %mul3A_80 : i32
      %dma_start3A_82 = tpu.memref_slice %arg7[%mul3A_81] : memref<10000xi32, #tpu.memory_space<vmem>> -> memref<128xi32, #tpu.memory_space<vmem>>
      %dma_start3A_83 = arith.constant 0 : i32
      %dma_start3A_84 = arith.constant 0 : i32
      %dma_start3A_85 = tpu.memref_slice %arg2[%dma_start3A_83, %dma_start3A_84] : memref<10000x128xf32, #tpu.memory_space<hbm>> -> memref<10000x128xf32, #tpu.memory_space<hbm>>
      tpu.enqueue_indirect_dma source(%dma_start3A_85 : memref<10000x128xf32, #tpu.memory_space<hbm>>) target(%arg12 : memref<128x128xf32, #tpu.memory_space<vmem>>) offsets(%dma_start3A_82 : memref<128xi32, #tpu.memory_space<vmem>>) semaphore(%arg16 : memref<!tpu.dma_semaphore, #tpu.memory_space<semaphore_mem>>)
      %mul3A_86 = arith.constant 128 : i32
      %mul3A_87 = arith.muli %add3A_74, %mul3A_86 : i32
      %add3A_88 = arith.addi %mul3A_4, %mul3A_87 : i32
      %dma_start3A_89 = tpu.memref_slice %arg4[%add3A_88] : memref<320000xi32, #tpu.memory_space<hbm>> -> memref<128xi32, #tpu.memory_space<hbm>>
      %dma_start3A_90 = tpu.memref_slice %arg4[%add3A_88] : memref<320000xi32, #tpu.memory_space<hbm>> -> memref<128xi32, #tpu.memory_space<hbm>>
      tpu.enqueue_dma source(%dma_start3A_90 : memref<128xi32, #tpu.memory_space<hbm>>) target(%arg9 : memref<128xi32, #tpu.memory_space<vmem>>) target_semaphore(%arg20 : memref<!tpu.dma_semaphore, #tpu.memory_space<semaphore_mem>>)
      %ge3A_91 = arith.constant 1 : i32
      %ge3A_92 = arith.cmpi sge, %add3A_74, %ge3A_91 : i32
      %convert_element_type3A_93 = arith.extui %ge3A_92 : i1 to i32
      %cond3A_94 = arith.constant 0 : i32
      %cond3A_95 = arith.cmpi ne, %convert_element_type3A_93, %cond3A_94 : i32
      scf.if %cond3A_95 {
        %sub3A = arith.constant 1 : i32
        %sub3A_96 = arith.subi %add3A_74, %sub3A : i32
        %mul3A_97 = arith.constant 128 : i32
        %mul3A_98 = arith.muli %sub3A_96, %mul3A_97 : i32
        %dma_wait3A_99 = tpu.memref_slice %arg7[%mul3A_98] : memref<10000xi32, #tpu.memory_space<vmem>> -> memref<128xi32, #tpu.memory_space<vmem>>
        %dma_wait3A_100 = arith.constant 0 : i32
        %dma_wait3A_101 = arith.constant 0 : i32
        %dma_wait3A_102 = tpu.memref_slice %arg2[%dma_wait3A_100, %dma_wait3A_101] : memref<10000x128xf32, #tpu.memory_space<hbm>> -> memref<10000x128xf32, #tpu.memory_space<hbm>>
        tpu.wait_indirect_dma semaphore(%arg15 : memref<!tpu.dma_semaphore, #tpu.memory_space<semaphore_mem>>) src(%dma_wait3A_102 : memref<10000x128xf32, #tpu.memory_space<hbm>>) dst(%arg11 : memref<128x128xf32, #tpu.memory_space<vmem>>)
        %sub3A_103 = arith.constant 1 : i32
        %sub3A_104 = arith.subi %add3A_74, %sub3A_103 : i32
        %mul3A_105 = arith.constant 128 : i32
        %mul3A_106 = arith.muli %sub3A_104, %mul3A_105 : i32
        %add3A_107 = arith.addi %mul3A_4, %mul3A_106 : i32
        %dma_wait3A_108 = tpu.memref_slice %arg4[%add3A_107] : memref<320000xi32, #tpu.memory_space<hbm>> -> memref<128xi32, #tpu.memory_space<hbm>>
        %dma_wait3A_109 = tpu.memref_slice %arg4[%add3A_107] : memref<320000xi32, #tpu.memory_space<hbm>> -> memref<128xi32, #tpu.memory_space<hbm>>
        tpu.wait_dma2 semaphore(%arg19 : memref<!tpu.dma_semaphore, #tpu.memory_space<semaphore_mem>>) src(%dma_wait3A_109 : memref<128xi32, #tpu.memory_space<hbm>>) dst(%arg8 : memref<128xi32, #tpu.memory_space<vmem>>)
        %sub3A_110 = arith.constant 1 : i32
        %sub3A_111 = arith.subi %add3A_74, %sub3A_110 : i32
        %dma_start3A_112 = arith.constant 0 : i32
        %dma_start3A_113 = arith.constant 0 : i32
        %dma_start3A_114 = tpu.memref_slice %arg14[%dma_start3A_112, %dma_start3A_113] : memref<10112x128xf32, #tpu.memory_space<vmem_shared>> -> memref<10112x128xf32, #tpu.memory_space<vmem_shared>>
        tpu.enqueue_indirect_dma source(%arg11 : memref<128x128xf32, #tpu.memory_space<vmem>>) target(%dma_start3A_114 : memref<10112x128xf32, #tpu.memory_space<vmem_shared>>) offsets(%arg8 : memref<128xi32, #tpu.memory_space<vmem>>) semaphore(%arg17 : memref<!tpu.dma_semaphore, #tpu.memory_space<semaphore_mem>>) {add = true}
      } else {
      }
    }
    %scan3A_9 = arith.constant 39 : i32
    %dma_wait3A = arith.constant 9856 : i32
    %dma_wait3A_10 = tpu.memref_slice %arg7[%dma_wait3A] : memref<10000xi32, #tpu.memory_space<vmem>> -> memref<128xi32, #tpu.memory_space<vmem>>
    %dma_wait3A_11 = arith.constant 0 : i32
    %dma_wait3A_12 = arith.constant 0 : i32
    %dma_wait3A_13 = tpu.memref_slice %arg2[%dma_wait3A_11, %dma_wait3A_12] : memref<10000x128xf32, #tpu.memory_space<hbm>> -> memref<10000x128xf32, #tpu.memory_space<hbm>>
    tpu.wait_indirect_dma semaphore(%arg16 : memref<!tpu.dma_semaphore, #tpu.memory_space<semaphore_mem>>) src(%dma_wait3A_13 : memref<10000x128xf32, #tpu.memory_space<hbm>>) dst(%arg12 : memref<128x128xf32, #tpu.memory_space<vmem>>)
    %add3A_14 = arith.constant 9856 : i32
    %add3A_15 = arith.addi %mul3A_4, %add3A_14 : i32
    %dma_wait3A_16 = tpu.memref_slice %arg4[%add3A_15] : memref<320000xi32, #tpu.memory_space<hbm>> -> memref<128xi32, #tpu.memory_space<hbm>>
    %dma_wait3A_17 = tpu.memref_slice %arg4[%add3A_15] : memref<320000xi32, #tpu.memory_space<hbm>> -> memref<128xi32, #tpu.memory_space<hbm>>
    tpu.wait_dma2 semaphore(%arg20 : memref<!tpu.dma_semaphore, #tpu.memory_space<semaphore_mem>>) src(%dma_wait3A_17 : memref<128xi32, #tpu.memory_space<hbm>>) dst(%arg9 : memref<128xi32, #tpu.memory_space<vmem>>)
    %dma_start3A = arith.constant 0 : i32
    %dma_start3A_18 = arith.constant 0 : i32
    %dma_start3A_19 = tpu.memref_slice %arg14[%dma_start3A, %dma_start3A_18] : memref<10112x128xf32, #tpu.memory_space<vmem_shared>> -> memref<10112x128xf32, #tpu.memory_space<vmem_shared>>
    tpu.enqueue_indirect_dma source(%arg12 : memref<128x128xf32, #tpu.memory_space<vmem>>) target(%dma_start3A_19 : memref<10112x128xf32, #tpu.memory_space<vmem_shared>>) offsets(%arg9 : memref<128xi32, #tpu.memory_space<vmem>>) semaphore(%arg18 : memref<!tpu.dma_semaphore, #tpu.memory_space<semaphore_mem>>) {add = true}
    %dma_wait3A_20 = arith.constant 0 : i32
    %dma_wait3A_21 = arith.constant 0 : i32
    %dma_wait3A_22 = tpu.memref_slice %arg14[%dma_wait3A_20, %dma_wait3A_21] : memref<10112x128xf32, #tpu.memory_space<vmem_shared>> -> memref<10112x128xf32, #tpu.memory_space<vmem_shared>>
    tpu.wait_indirect_dma semaphore(%arg17 : memref<!tpu.dma_semaphore, #tpu.memory_space<semaphore_mem>>) src(%arg11 : memref<128x128xf32, #tpu.memory_space<vmem>>) dst(%dma_wait3A_22 : memref<10112x128xf32, #tpu.memory_space<vmem_shared>>)
    %dma_wait3A_23 = arith.constant 0 : i32
    %dma_wait3A_24 = arith.constant 0 : i32
    %dma_wait3A_25 = tpu.memref_slice %arg14[%dma_wait3A_23, %dma_wait3A_24] : memref<10112x128xf32, #tpu.memory_space<vmem_shared>> -> memref<10112x128xf32, #tpu.memory_space<vmem_shared>>
    tpu.wait_indirect_dma semaphore(%arg18 : memref<!tpu.dma_semaphore, #tpu.memory_space<semaphore_mem>>) src(%arg12 : memref<128x128xf32, #tpu.memory_space<vmem>>) dst(%dma_wait3A_25 : memref<10112x128xf32, #tpu.memory_space<vmem_shared>>)
    %add3A_26 = arith.constant 9984 : i32
    %add3A_27 = arith.addi %mul3A_4, %add3A_26 : i32
    "tpu.region"() ({
      %run_scoped3A = tpu.sem_alloc : memref<!tpu.dma_semaphore, #tpu.memory_space<semaphore_mem>>
      %dma_start3A_48 = tpu.memref_slice %arg4[%add3A_27] : memref<320000xi32, #tpu.memory_space<hbm>> -> memref<16xi32, #tpu.memory_space<hbm>>
      %dma_start3A_49 = tpu.memref_slice %arg4[%add3A_27] : memref<320000xi32, #tpu.memory_space<hbm>> -> memref<16xi32, #tpu.memory_space<hbm>>
      tpu.enqueue_dma source(%dma_start3A_49 : memref<16xi32, #tpu.memory_space<hbm>>) target(%arg10 : memref<16xi32, #tpu.memory_space<vmem>>) target_semaphore(%run_scoped3A : memref<!tpu.dma_semaphore, #tpu.memory_space<semaphore_mem>>)
      %dma_wait3A_50 = tpu.memref_slice %arg4[%add3A_27] : memref<320000xi32, #tpu.memory_space<hbm>> -> memref<16xi32, #tpu.memory_space<hbm>>
      %dma_wait3A_51 = tpu.memref_slice %arg4[%add3A_27] : memref<320000xi32, #tpu.memory_space<hbm>> -> memref<16xi32, #tpu.memory_space<hbm>>
      tpu.wait_dma2 semaphore(%run_scoped3A : memref<!tpu.dma_semaphore, #tpu.memory_space<semaphore_mem>>) src(%dma_wait3A_51 : memref<16xi32, #tpu.memory_space<hbm>>) dst(%arg10 : memref<16xi32, #tpu.memory_space<vmem>>)
      tpu.yield
    }) : () -> ()
    %dma_start3A_28 = arith.constant 9984 : i32
    %dma_start3A_29 = tpu.memref_slice %arg7[%dma_start3A_28] : memref<10000xi32, #tpu.memory_space<vmem>> -> memref<16xi32, #tpu.memory_space<vmem>>
    %dma_start3A_30 = arith.constant 0 : i32
    %dma_start3A_31 = arith.constant 0 : i32
    %dma_start3A_32 = tpu.memref_slice %arg2[%dma_start3A_30, %dma_start3A_31] : memref<10000x128xf32, #tpu.memory_space<hbm>> -> memref<10000x128xf32, #tpu.memory_space<hbm>>
    tpu.enqueue_indirect_dma source(%dma_start3A_32 : memref<10000x128xf32, #tpu.memory_space<hbm>>) target(%arg13 : memref<16x128xf32, #tpu.memory_space<vmem>>) offsets(%dma_start3A_29 : memref<16xi32, #tpu.memory_space<vmem>>) semaphore(%arg15 : memref<!tpu.dma_semaphore, #tpu.memory_space<semaphore_mem>>)
    %dma_wait3A_33 = arith.constant 9984 : i32
    %dma_wait3A_34 = tpu.memref_slice %arg7[%dma_wait3A_33] : memref<10000xi32, #tpu.memory_space<vmem>> -> memref<16xi32, #tpu.memory_space<vmem>>
    %dma_wait3A_35 = arith.constant 0 : i32
    %dma_wait3A_36 = arith.constant 0 : i32
    %dma_wait3A_37 = tpu.memref_slice %arg2[%dma_wait3A_35, %dma_wait3A_36] : memref<10000x128xf32, #tpu.memory_space<hbm>> -> memref<10000x128xf32, #tpu.memory_space<hbm>>
    tpu.wait_indirect_dma semaphore(%arg15 : memref<!tpu.dma_semaphore, #tpu.memory_space<semaphore_mem>>) src(%dma_wait3A_37 : memref<10000x128xf32, #tpu.memory_space<hbm>>) dst(%arg13 : memref<16x128xf32, #tpu.memory_space<vmem>>)
    %dma_start3A_38 = arith.constant 0 : i32
    %dma_start3A_39 = arith.constant 0 : i32
    %dma_start3A_40 = tpu.memref_slice %arg14[%dma_start3A_38, %dma_start3A_39] : memref<10112x128xf32, #tpu.memory_space<vmem_shared>> -> memref<10112x128xf32, #tpu.memory_space<vmem_shared>>
    tpu.enqueue_indirect_dma source(%arg13 : memref<16x128xf32, #tpu.memory_space<vmem>>) target(%dma_start3A_40 : memref<10112x128xf32, #tpu.memory_space<vmem_shared>>) offsets(%arg10 : memref<16xi32, #tpu.memory_space<vmem>>) semaphore(%arg17 : memref<!tpu.dma_semaphore, #tpu.memory_space<semaphore_mem>>) {add = true}
    %dma_wait3A_41 = arith.constant 0 : i32
    %dma_wait3A_42 = arith.constant 0 : i32
    %dma_wait3A_43 = tpu.memref_slice %arg14[%dma_wait3A_41, %dma_wait3A_42] : memref<10112x128xf32, #tpu.memory_space<vmem_shared>> -> memref<10112x128xf32, #tpu.memory_space<vmem_shared>>
    tpu.wait_indirect_dma semaphore(%arg17 : memref<!tpu.dma_semaphore, #tpu.memory_space<semaphore_mem>>) src(%arg13 : memref<16x128xf32, #tpu.memory_space<vmem>>) dst(%dma_wait3A_43 : memref<10112x128xf32, #tpu.memory_space<vmem_shared>>)
    %barrier3A_44 = arith.constant 0 : index
    tpu.barrier barrier_id(%barrier3A_44)
    %mul3A_45 = arith.constant 10112 : i32
    %mul3A_46 = arith.muli %arg0, %mul3A_45 : i32
    %add3A_47 = arith.addi %mul3A_46, %mul3A_2 : i32
    "tpu.region"() ({
      %run_scoped3A = tpu.sem_alloc : memref<!tpu.dma_semaphore, #tpu.memory_space<semaphore_mem>>
      %dma_start3A_48 = arith.constant 0 : i32
      %dma_start3A_49 = tpu.memref_slice %arg6[%add3A_47, %dma_start3A_48] : memref<20224x128xf32, #tpu.memory_space<hbm>> -> memref<632x128xf32, #tpu.memory_space<hbm>>
      %dma_start3A_50 = arith.constant 0 : i32
      %dma_start3A_51 = tpu.memref_slice %arg14[%mul3A_2, %dma_start3A_50] : memref<10112x128xf32, #tpu.memory_space<vmem_shared>> -> memref<632x128xf32, #tpu.memory_space<vmem_shared>>
      tpu.enqueue_dma source(%dma_start3A_51 : memref<632x128xf32, #tpu.memory_space<vmem_shared>>) target(%dma_start3A_49 : memref<632x128xf32, #tpu.memory_space<hbm>>) target_semaphore(%run_scoped3A : memref<!tpu.dma_semaphore, #tpu.memory_space<semaphore_mem>>)
      %dma_wait3A_52 = arith.constant 0 : i32
      %dma_wait3A_53 = tpu.memref_slice %arg6[%add3A_47, %dma_wait3A_52] : memref<20224x128xf32, #tpu.memory_space<hbm>> -> memref<632x128xf32, #tpu.memory_space<hbm>>
      %dma_wait3A_54 = arith.constant 0 : i32
      %dma_wait3A_55 = tpu.memref_slice %arg14[%mul3A_2, %dma_wait3A_54] : memref<10112x128xf32, #tpu.memory_space<vmem_shared>> -> memref<632x128xf32, #tpu.memory_space<vmem_shared>>
      tpu.wait_dma2 semaphore(%run_scoped3A : memref<!tpu.dma_semaphore, #tpu.memory_space<semaphore_mem>>) src(%dma_wait3A_55 : memref<632x128xf32, #tpu.memory_space<vmem_shared>>) dst(%dma_wait3A_53 : memref<632x128xf32, #tpu.memory_space<hbm>>)
      tpu.yield
    }) : () -> ()
    return
  }
}

#map = affine_map<(d0, d1) -> (0, 0)>
#map1 = affine_map<(d0, d1) -> (0)>
module attributes {stable_mosaic.version = 14 : i64} {
  func.func @_sc_gather_scatter(%arg0: i32, %arg1: i32, %arg2: memref<10000x128xf32, #tpu.memory_space<hbm>>, %arg3: memref<320000xi32, #tpu.memory_space<hbm>>, %arg4: memref<320000xi32, #tpu.memory_space<hbm>>, %arg5: memref<10112x128xf32, #tpu.memory_space<hbm>>, %arg6: memref<20224x128xf32, #tpu.memory_space<hbm>>, %arg7: memref<10000xi32, #tpu.memory_space<vmem>>, %arg8: memref<128xi32, #tpu.memory_space<vmem>>, %arg9: memref<128xi32, #tpu.memory_space<vmem>>, %arg10: memref<16xi32, #tpu.memory_space<vmem>>, %arg11: memref<128x128xf32, #tpu.memory_space<vmem>>, %arg12: memref<128x128xf32, #tpu.memory_space<vmem>>, %arg13: memref<16x128xf32, #tpu.memory_space<vmem>>, %arg14: memref<10112x128xf32, #tpu.memory_space<vmem_shared>>, %arg15: memref<!tpu.dma_semaphore, #tpu.memory_space<semaphore_mem>>, %arg16: memref<!tpu.dma_semaphore, #tpu.memory_space<semaphore_mem>>, %arg17: memref<!tpu.dma_semaphore, #tpu.memory_space<semaphore_mem>>, %arg18: memref<!tpu.dma_semaphore, #tpu.memory_space<semaphore_mem>>, %arg19: memref<!tpu.dma_semaphore, #tpu.memory_space<semaphore_mem>>, %arg20: memref<!tpu.dma_semaphore, #tpu.memory_space<semaphore_mem>>) attributes {dimension_semantics = [#tpu.dimension_semantics<core_parallel>, #tpu.dimension_semantics<subcore_parallel>], iteration_bounds = array<i64: 2, 16>, scalar_prefetch = 0 : i64, scratch_operands = 14 : i64, tpu.core_type = #tpu.core_type<sc_vector_subcore>, window_params = [{transform_indices = #map}, {transform_indices = #map1}, {transform_indices = #map1}, {transform_indices = #map}, {transform_indices = #map}]} {
    %mul3A = arith.constant 2 : i32
    %mul3A_0 = arith.muli %arg1, %mul3A : i32
    %add3A = arith.addi %mul3A_0, %arg0 : i32
    %mul3A_1 = arith.constant 632 : i32
    %mul3A_2 = arith.muli %arg1, %mul3A_1 : i32
    %mul3A_3 = arith.constant 10000 : i32
    %mul3A_4 = arith.muli %add3A, %mul3A_3 : i32
    "tpu.region"() ({
      %run_scoped3A = tpu.sem_alloc : memref<!tpu.dma_semaphore, #tpu.memory_space<semaphore_mem>>
      %dma_start3A_48 = tpu.memref_slice %arg3[%mul3A_4] : memref<320000xi32, #tpu.memory_space<hbm>> -> memref<10000xi32, #tpu.memory_space<hbm>>
      %dma_start3A_49 = tpu.memref_slice %arg3[%mul3A_4] : memref<320000xi32, #tpu.memory_space<hbm>> -> memref<10000xi32, #tpu.memory_space<hbm>>
      tpu.enqueue_dma source(%dma_start3A_49 : memref<10000xi32, #tpu.memory_space<hbm>>) target(%arg7 : memref<10000xi32, #tpu.memory_space<vmem>>) target_semaphore(%run_scoped3A : memref<!tpu.dma_semaphore, #tpu.memory_space<semaphore_mem>>)
      %dma_wait3A_50 = tpu.memref_slice %arg3[%mul3A_4] : memref<320000xi32, #tpu.memory_space<hbm>> -> memref<10000xi32, #tpu.memory_space<hbm>>
      %dma_wait3A_51 = tpu.memref_slice %arg3[%mul3A_4] : memref<320000xi32, #tpu.memory_space<hbm>> -> memref<10000xi32, #tpu.memory_space<hbm>>
      tpu.wait_dma2 semaphore(%run_scoped3A : memref<!tpu.dma_semaphore, #tpu.memory_space<semaphore_mem>>) src(%dma_wait3A_51 : memref<10000xi32, #tpu.memory_space<hbm>>) dst(%arg7 : memref<10000xi32, #tpu.memory_space<vmem>>)
      tpu.yield
    }) : () -> ()
    "tpu.region"() ({
      %run_scoped3A = tpu.sem_alloc : memref<!tpu.dma_semaphore, #tpu.memory_space<semaphore_mem>>
      %dma_start3A_48 = arith.constant 0 : i32
      %dma_start3A_49 = tpu.memref_slice %arg14[%mul3A_2, %dma_start3A_48] : memref<10112x128xf32, #tpu.memory_space<vmem_shared>> -> memref<632x128xf32, #tpu.memory_space<vmem_shared>>
      %dma_start3A_50 = arith.constant 0 : i32
      %dma_start3A_51 = tpu.memref_slice %arg5[%mul3A_2, %dma_start3A_50] : memref<10112x128xf32, #tpu.memory_space<hbm>> -> memref<632x128xf32, #tpu.memory_space<hbm>>
      tpu.enqueue_dma source(%dma_start3A_51 : memref<632x128xf32, #tpu.memory_space<hbm>>) target(%dma_start3A_49 : memref<632x128xf32, #tpu.memory_space<vmem_shared>>) target_semaphore(%run_scoped3A : memref<!tpu.dma_semaphore, #tpu.memory_space<semaphore_mem>>)
      %dma_wait3A_52 = arith.constant 0 : i32
      %dma_wait3A_53 = tpu.memref_slice %arg14[%mul3A_2, %dma_wait3A_52] : memref<10112x128xf32, #tpu.memory_space<vmem_shared>> -> memref<632x128xf32, #tpu.memory_space<vmem_shared>>
      %dma_wait3A_54 = arith.constant 0 : i32
      %dma_wait3A_55 = tpu.memref_slice %arg5[%mul3A_2, %dma_wait3A_54] : memref<10112x128xf32, #tpu.memory_space<hbm>> -> memref<632x128xf32, #tpu.memory_space<hbm>>
      tpu.wait_dma2 semaphore(%run_scoped3A : memref<!tpu.dma_semaphore, #tpu.memory_space<semaphore_mem>>) src(%dma_wait3A_55 : memref<632x128xf32, #tpu.memory_space<hbm>>) dst(%dma_wait3A_53 : memref<632x128xf32, #tpu.memory_space<vmem_shared>>)
      tpu.yield
    }) : () -> ()
    %barrier3A = arith.constant 0 : index
    tpu.barrier barrier_id(%barrier3A)
    %scan3A = arith.constant 0 : i32
    %scan3A_5 = arith.constant 0 : i32
    %scan3A_6 = arith.constant 39 : i32
    %scan3A_7 = arith.addi %scan3A_5, %scan3A_6 : i32
    %scan3A_8 = arith.constant 1 : i32
    scf.for %scan3A_48 = %scan3A_5 to %scan3A_7 step %scan3A_8  : i32 {
      %mul3A_49 = arith.constant 2 : i32
      %mul3A_50 = arith.muli %scan3A_48, %mul3A_49 : i32
      %add3A_51 = arith.constant 0 : i32
      %add3A_52 = arith.addi %mul3A_50, %add3A_51 : i32
      %ge3A = arith.constant 2 : i32
      %ge3A_53 = arith.cmpi sge, %add3A_52, %ge3A : i32
      %convert_element_type3A = arith.extui %ge3A_53 : i1 to i32
      %cond3A = arith.constant 0 : i32
      %cond3A_54 = arith.cmpi ne, %convert_element_type3A, %cond3A : i32
      scf.if %cond3A_54 {
        %sub3A = arith.constant 2 : i32
        %sub3A_96 = arith.subi %add3A_52, %sub3A : i32
        %dma_wait3A_97 = arith.constant 0 : i32
        %dma_wait3A_98 = arith.constant 0 : i32
        %dma_wait3A_99 = tpu.memref_slice %arg14[%dma_wait3A_97, %dma_wait3A_98] : memref<10112x128xf32, #tpu.memory_space<vmem_shared>> -> memref<10112x128xf32, #tpu.memory_space<vmem_shared>>
        tpu.wait_indirect_dma semaphore(%arg17 : memref<!tpu.dma_semaphore, #tpu.memory_space<semaphore_mem>>) src(%arg11 : memref<128x128xf32, #tpu.memory_space<vmem>>) dst(%dma_wait3A_99 : memref<10112x128xf32, #tpu.memory_space<vmem_shared>>)
      } else {
      }
      %mul3A_55 = arith.constant 128 : i32
      %mul3A_56 = arith.muli %add3A_52, %mul3A_55 : i32
      %dma_start3A_57 = tpu.memref_slice %arg7[%mul3A_56] : memref<10000xi32, #tpu.memory_space<vmem>> -> memref<128xi32, #tpu.memory_space<vmem>>
      %dma_start3A_58 = arith.constant 0 : i32
      %dma_start3A_59 = arith.constant 0 : i32
      %dma_start3A_60 = tpu.memref_slice %arg2[%dma_start3A_58, %dma_start3A_59] : memref<10000x128xf32, #tpu.memory_space<hbm>> -> memref<10000x128xf32, #tpu.memory_space<hbm>>
      tpu.enqueue_indirect_dma source(%dma_start3A_60 : memref<10000x128xf32, #tpu.memory_space<hbm>>) target(%arg11 : memref<128x128xf32, #tpu.memory_space<vmem>>) offsets(%dma_start3A_57 : memref<128xi32, #tpu.memory_space<vmem>>) semaphore(%arg15 : memref<!tpu.dma_semaphore, #tpu.memory_space<semaphore_mem>>)
      %mul3A_61 = arith.constant 128 : i32
      %mul3A_62 = arith.muli %add3A_52, %mul3A_61 : i32
      %add3A_63 = arith.addi %mul3A_4, %mul3A_62 : i32
      %dma_start3A_64 = tpu.memref_slice %arg4[%add3A_63] : memref<320000xi32, #tpu.memory_space<hbm>> -> memref<128xi32, #tpu.memory_space<hbm>>
      %dma_start3A_65 = tpu.memref_slice %arg4[%add3A_63] : memref<320000xi32, #tpu.memory_space<hbm>> -> memref<128xi32, #tpu.memory_space<hbm>>
      tpu.enqueue_dma source(%dma_start3A_65 : memref<128xi32, #tpu.memory_space<hbm>>) target(%arg8 : memref<128xi32, #tpu.memory_space<vmem>>) target_semaphore(%arg19 : memref<!tpu.dma_semaphore, #tpu.memory_space<semaphore_mem>>)
      %ge3A_66 = arith.constant 1 : i32
      %ge3A_67 = arith.cmpi sge, %add3A_52, %ge3A_66 : i32
      %convert_element_type3A_68 = arith.extui %ge3A_67 : i1 to i32
      %cond3A_69 = arith.constant 0 : i32
      %cond3A_70 = arith.cmpi ne, %convert_element_type3A_68, %cond3A_69 : i32
      scf.if %cond3A_70 {
        %sub3A = arith.constant 1 : i32
        %sub3A_96 = arith.subi %add3A_52, %sub3A : i32
        %mul3A_97 = arith.constant 128 : i32
        %mul3A_98 = arith.muli %sub3A_96, %mul3A_97 : i32
        %dma_wait3A_99 = tpu.memref_slice %arg7[%mul3A_98] : memref<10000xi32, #tpu.memory_space<vmem>> -> memref<128xi32, #tpu.memory_space<vmem>>
        %dma_wait3A_100 = arith.constant 0 : i32
        %dma_wait3A_101 = arith.constant 0 : i32
        %dma_wait3A_102 = tpu.memref_slice %arg2[%dma_wait3A_100, %dma_wait3A_101] : memref<10000x128xf32, #tpu.memory_space<hbm>> -> memref<10000x128xf32, #tpu.memory_space<hbm>>
        tpu.wait_indirect_dma semaphore(%arg16 : memref<!tpu.dma_semaphore, #tpu.memory_space<semaphore_mem>>) src(%dma_wait3A_102 : memref<10000x128xf32, #tpu.memory_space<hbm>>) dst(%arg12 : memref<128x128xf32, #tpu.memory_space<vmem>>)
        %sub3A_103 = arith.constant 1 : i32
        %sub3A_104 = arith.subi %add3A_52, %sub3A_103 : i32
        %mul3A_105 = arith.constant 128 : i32
        %mul3A_106 = arith.muli %sub3A_104, %mul3A_105 : i32
        %add3A_107 = arith.addi %mul3A_4, %mul3A_106 : i32
        %dma_wait3A_108 = tpu.memref_slice %arg4[%add3A_107] : memref<320000xi32, #tpu.memory_space<hbm>> -> memref<128xi32, #tpu.memory_space<hbm>>
        %dma_wait3A_109 = tpu.memref_slice %arg4[%add3A_107] : memref<320000xi32, #tpu.memory_space<hbm>> -> memref<128xi32, #tpu.memory_space<hbm>>
        tpu.wait_dma2 semaphore(%arg20 : memref<!tpu.dma_semaphore, #tpu.memory_space<semaphore_mem>>) src(%dma_wait3A_109 : memref<128xi32, #tpu.memory_space<hbm>>) dst(%arg9 : memref<128xi32, #tpu.memory_space<vmem>>)
        %sub3A_110 = arith.constant 1 : i32
        %sub3A_111 = arith.subi %add3A_52, %sub3A_110 : i32
        %dma_start3A_112 = arith.constant 0 : i32
        %dma_start3A_113 = arith.constant 0 : i32
        %dma_start3A_114 = tpu.memref_slice %arg14[%dma_start3A_112, %dma_start3A_113] : memref<10112x128xf32, #tpu.memory_space<vmem_shared>> -> memref<10112x128xf32, #tpu.memory_space<vmem_shared>>
        tpu.enqueue_indirect_dma source(%arg12 : memref<128x128xf32, #tpu.memory_space<vmem>>) target(%dma_start3A_114 : memref<10112x128xf32, #tpu.memory_space<vmem_shared>>) offsets(%arg9 : memref<128xi32, #tpu.memory_space<vmem>>) semaphore(%arg18 : memref<!tpu.dma_semaphore, #tpu.memory_space<semaphore_mem>>) {add = true}
      } else {
      }
      %mul3A_71 = arith.constant 2 : i32
      %mul3A_72 = arith.muli %scan3A_48, %mul3A_71 : i32
      %add3A_73 = arith.constant 1 : i32
      %add3A_74 = arith.addi %mul3A_72, %add3A_73 : i32
      %ge3A_75 = arith.constant 2 : i32
      %ge3A_76 = arith.cmpi sge, %add3A_74, %ge3A_75 : i32
      %convert_element_type3A_77 = arith.extui %ge3A_76 : i1 to i32
      %cond3A_78 = arith.constant 0 : i32
      %cond3A_79 = arith.cmpi ne, %convert_element_type3A_77, %cond3A_78 : i32
      scf.if %cond3A_79 {
        %sub3A = arith.constant 2 : i32
        %sub3A_96 = arith.subi %add3A_74, %sub3A : i32
        %dma_wait3A_97 = arith.constant 0 : i32
        %dma_wait3A_98 = arith.constant 0 : i32
        %dma_wait3A_99 = tpu.memref_slice %arg14[%dma_wait3A_97, %dma_wait3A_98] : memref<10112x128xf32, #tpu.memory_space<vmem_shared>> -> memref<10112x128xf32, #tpu.memory_space<vmem_shared>>
        tpu.wait_indirect_dma semaphore(%arg18 : memref<!tpu.dma_semaphore, #tpu.memory_space<semaphore_mem>>) src(%arg12 : memref<128x128xf32, #tpu.memory_space<vmem>>) dst(%dma_wait3A_99 : memref<10112x128xf32, #tpu.memory_space<vmem_shared>>)
      } else {
      }
      %mul3A_80 = arith.constant 128 : i32
      %mul3A_81 = arith.muli %add3A_74, %mul3A_80 : i32
      %dma_start3A_82 = tpu.memref_slice %arg7[%mul3A_81] : memref<10000xi32, #tpu.memory_space<vmem>> -> memref<128xi32, #tpu.memory_space<vmem>>
      %dma_start3A_83 = arith.constant 0 : i32
      %dma_start3A_84 = arith.constant 0 : i32
      %dma_start3A_85 = tpu.memref_slice %arg2[%dma_start3A_83, %dma_start3A_84] : memref<10000x128xf32, #tpu.memory_space<hbm>> -> memref<10000x128xf32, #tpu.memory_space<hbm>>
      tpu.enqueue_indirect_dma source(%dma_start3A_85 : memref<10000x128xf32, #tpu.memory_space<hbm>>) target(%arg12 : memref<128x128xf32, #tpu.memory_space<vmem>>) offsets(%dma_start3A_82 : memref<128xi32, #tpu.memory_space<vmem>>) semaphore(%arg16 : memref<!tpu.dma_semaphore, #tpu.memory_space<semaphore_mem>>)
      %mul3A_86 = arith.constant 128 : i32
      %mul3A_87 = arith.muli %add3A_74, %mul3A_86 : i32
      %add3A_88 = arith.addi %mul3A_4, %mul3A_87 : i32
      %dma_start3A_89 = tpu.memref_slice %arg4[%add3A_88] : memref<320000xi32, #tpu.memory_space<hbm>> -> memref<128xi32, #tpu.memory_space<hbm>>
      %dma_start3A_90 = tpu.memref_slice %arg4[%add3A_88] : memref<320000xi32, #tpu.memory_space<hbm>> -> memref<128xi32, #tpu.memory_space<hbm>>
      tpu.enqueue_dma source(%dma_start3A_90 : memref<128xi32, #tpu.memory_space<hbm>>) target(%arg9 : memref<128xi32, #tpu.memory_space<vmem>>) target_semaphore(%arg20 : memref<!tpu.dma_semaphore, #tpu.memory_space<semaphore_mem>>)
      %ge3A_91 = arith.constant 1 : i32
      %ge3A_92 = arith.cmpi sge, %add3A_74, %ge3A_91 : i32
      %convert_element_type3A_93 = arith.extui %ge3A_92 : i1 to i32
      %cond3A_94 = arith.constant 0 : i32
      %cond3A_95 = arith.cmpi ne, %convert_element_type3A_93, %cond3A_94 : i32
      scf.if %cond3A_95 {
        %sub3A = arith.constant 1 : i32
        %sub3A_96 = arith.subi %add3A_74, %sub3A : i32
        %mul3A_97 = arith.constant 128 : i32
        %mul3A_98 = arith.muli %sub3A_96, %mul3A_97 : i32
        %dma_wait3A_99 = tpu.memref_slice %arg7[%mul3A_98] : memref<10000xi32, #tpu.memory_space<vmem>> -> memref<128xi32, #tpu.memory_space<vmem>>
        %dma_wait3A_100 = arith.constant 0 : i32
        %dma_wait3A_101 = arith.constant 0 : i32
        %dma_wait3A_102 = tpu.memref_slice %arg2[%dma_wait3A_100, %dma_wait3A_101] : memref<10000x128xf32, #tpu.memory_space<hbm>> -> memref<10000x128xf32, #tpu.memory_space<hbm>>
        tpu.wait_indirect_dma semaphore(%arg15 : memref<!tpu.dma_semaphore, #tpu.memory_space<semaphore_mem>>) src(%dma_wait3A_102 : memref<10000x128xf32, #tpu.memory_space<hbm>>) dst(%arg11 : memref<128x128xf32, #tpu.memory_space<vmem>>)
        %sub3A_103 = arith.constant 1 : i32
        %sub3A_104 = arith.subi %add3A_74, %sub3A_103 : i32
        %mul3A_105 = arith.constant 128 : i32
        %mul3A_106 = arith.muli %sub3A_104, %mul3A_105 : i32
        %add3A_107 = arith.addi %mul3A_4, %mul3A_106 : i32
        %dma_wait3A_108 = tpu.memref_slice %arg4[%add3A_107] : memref<320000xi32, #tpu.memory_space<hbm>> -> memref<128xi32, #tpu.memory_space<hbm>>
        %dma_wait3A_109 = tpu.memref_slice %arg4[%add3A_107] : memref<320000xi32, #tpu.memory_space<hbm>> -> memref<128xi32, #tpu.memory_space<hbm>>
        tpu.wait_dma2 semaphore(%arg19 : memref<!tpu.dma_semaphore, #tpu.memory_space<semaphore_mem>>) src(%dma_wait3A_109 : memref<128xi32, #tpu.memory_space<hbm>>) dst(%arg8 : memref<128xi32, #tpu.memory_space<vmem>>)
        %sub3A_110 = arith.constant 1 : i32
        %sub3A_111 = arith.subi %add3A_74, %sub3A_110 : i32
        %dma_start3A_112 = arith.constant 0 : i32
        %dma_start3A_113 = arith.constant 0 : i32
        %dma_start3A_114 = tpu.memref_slice %arg14[%dma_start3A_112, %dma_start3A_113] : memref<10112x128xf32, #tpu.memory_space<vmem_shared>> -> memref<10112x128xf32, #tpu.memory_space<vmem_shared>>
        tpu.enqueue_indirect_dma source(%arg11 : memref<128x128xf32, #tpu.memory_space<vmem>>) target(%dma_start3A_114 : memref<10112x128xf32, #tpu.memory_space<vmem_shared>>) offsets(%arg8 : memref<128xi32, #tpu.memory_space<vmem>>) semaphore(%arg17 : memref<!tpu.dma_semaphore, #tpu.memory_space<semaphore_mem>>) {add = true}
      } else {
      }
    }
    %scan3A_9 = arith.constant 39 : i32
    %dma_wait3A = arith.constant 9856 : i32
    %dma_wait3A_10 = tpu.memref_slice %arg7[%dma_wait3A] : memref<10000xi32, #tpu.memory_space<vmem>> -> memref<128xi32, #tpu.memory_space<vmem>>
    %dma_wait3A_11 = arith.constant 0 : i32
    %dma_wait3A_12 = arith.constant 0 : i32
    %dma_wait3A_13 = tpu.memref_slice %arg2[%dma_wait3A_11, %dma_wait3A_12] : memref<10000x128xf32, #tpu.memory_space<hbm>> -> memref<10000x128xf32, #tpu.memory_space<hbm>>
    tpu.wait_indirect_dma semaphore(%arg16 : memref<!tpu.dma_semaphore, #tpu.memory_space<semaphore_mem>>) src(%dma_wait3A_13 : memref<10000x128xf32, #tpu.memory_space<hbm>>) dst(%arg12 : memref<128x128xf32, #tpu.memory_space<vmem>>)
    %add3A_14 = arith.constant 9856 : i32
    %add3A_15 = arith.addi %mul3A_4, %add3A_14 : i32
    %dma_wait3A_16 = tpu.memref_slice %arg4[%add3A_15] : memref<320000xi32, #tpu.memory_space<hbm>> -> memref<128xi32, #tpu.memory_space<hbm>>
    %dma_wait3A_17 = tpu.memref_slice %arg4[%add3A_15] : memref<320000xi32, #tpu.memory_space<hbm>> -> memref<128xi32, #tpu.memory_space<hbm>>
    tpu.wait_dma2 semaphore(%arg20 : memref<!tpu.dma_semaphore, #tpu.memory_space<semaphore_mem>>) src(%dma_wait3A_17 : memref<128xi32, #tpu.memory_space<hbm>>) dst(%arg9 : memref<128xi32, #tpu.memory_space<vmem>>)
    %dma_start3A = arith.constant 0 : i32
    %dma_start3A_18 = arith.constant 0 : i32
    %dma_start3A_19 = tpu.memref_slice %arg14[%dma_start3A, %dma_start3A_18] : memref<10112x128xf32, #tpu.memory_space<vmem_shared>> -> memref<10112x128xf32, #tpu.memory_space<vmem_shared>>
    tpu.enqueue_indirect_dma source(%arg12 : memref<128x128xf32, #tpu.memory_space<vmem>>) target(%dma_start3A_19 : memref<10112x128xf32, #tpu.memory_space<vmem_shared>>) offsets(%arg9 : memref<128xi32, #tpu.memory_space<vmem>>) semaphore(%arg18 : memref<!tpu.dma_semaphore, #tpu.memory_space<semaphore_mem>>) {add = true}
    %dma_wait3A_20 = arith.constant 0 : i32
    %dma_wait3A_21 = arith.constant 0 : i32
    %dma_wait3A_22 = tpu.memref_slice %arg14[%dma_wait3A_20, %dma_wait3A_21] : memref<10112x128xf32, #tpu.memory_space<vmem_shared>> -> memref<10112x128xf32, #tpu.memory_space<vmem_shared>>
    tpu.wait_indirect_dma semaphore(%arg17 : memref<!tpu.dma_semaphore, #tpu.memory_space<semaphore_mem>>) src(%arg11 : memref<128x128xf32, #tpu.memory_space<vmem>>) dst(%dma_wait3A_22 : memref<10112x128xf32, #tpu.memory_space<vmem_shared>>)
    %dma_wait3A_23 = arith.constant 0 : i32
    %dma_wait3A_24 = arith.constant 0 : i32
    %dma_wait3A_25 = tpu.memref_slice %arg14[%dma_wait3A_23, %dma_wait3A_24] : memref<10112x128xf32, #tpu.memory_space<vmem_shared>> -> memref<10112x128xf32, #tpu.memory_space<vmem_shared>>
    tpu.wait_indirect_dma semaphore(%arg18 : memref<!tpu.dma_semaphore, #tpu.memory_space<semaphore_mem>>) src(%arg12 : memref<128x128xf32, #tpu.memory_space<vmem>>) dst(%dma_wait3A_25 : memref<10112x128xf32, #tpu.memory_space<vmem_shared>>)
    %add3A_26 = arith.constant 9984 : i32
    %add3A_27 = arith.addi %mul3A_4, %add3A_26 : i32
    "tpu.region"() ({
      %run_scoped3A = tpu.sem_alloc : memref<!tpu.dma_semaphore, #tpu.memory_space<semaphore_mem>>
      %dma_start3A_48 = tpu.memref_slice %arg4[%add3A_27] : memref<320000xi32, #tpu.memory_space<hbm>> -> memref<16xi32, #tpu.memory_space<hbm>>
      %dma_start3A_49 = tpu.memref_slice %arg4[%add3A_27] : memref<320000xi32, #tpu.memory_space<hbm>> -> memref<16xi32, #tpu.memory_space<hbm>>
      tpu.enqueue_dma source(%dma_start3A_49 : memref<16xi32, #tpu.memory_space<hbm>>) target(%arg10 : memref<16xi32, #tpu.memory_space<vmem>>) target_semaphore(%run_scoped3A : memref<!tpu.dma_semaphore, #tpu.memory_space<semaphore_mem>>)
      %dma_wait3A_50 = tpu.memref_slice %arg4[%add3A_27] : memref<320000xi32, #tpu.memory_space<hbm>> -> memref<16xi32, #tpu.memory_space<hbm>>
      %dma_wait3A_51 = tpu.memref_slice %arg4[%add3A_27] : memref<320000xi32, #tpu.memory_space<hbm>> -> memref<16xi32, #tpu.memory_space<hbm>>
      tpu.wait_dma2 semaphore(%run_scoped3A : memref<!tpu.dma_semaphore, #tpu.memory_space<semaphore_mem>>) src(%dma_wait3A_51 : memref<16xi32, #tpu.memory_space<hbm>>) dst(%arg10 : memref<16xi32, #tpu.memory_space<vmem>>)
      tpu.yield
    }) : () -> ()
    %dma_start3A_28 = arith.constant 9984 : i32
    %dma_start3A_29 = tpu.memref_slice %arg7[%dma_start3A_28] : memref<10000xi32, #tpu.memory_space<vmem>> -> memref<16xi32, #tpu.memory_space<vmem>>
    %dma_start3A_30 = arith.constant 0 : i32
    %dma_start3A_31 = arith.constant 0 : i32
    %dma_start3A_32 = tpu.memref_slice %arg2[%dma_start3A_30, %dma_start3A_31] : memref<10000x128xf32, #tpu.memory_space<hbm>> -> memref<10000x128xf32, #tpu.memory_space<hbm>>
    tpu.enqueue_indirect_dma source(%dma_start3A_32 : memref<10000x128xf32, #tpu.memory_space<hbm>>) target(%arg13 : memref<16x128xf32, #tpu.memory_space<vmem>>) offsets(%dma_start3A_29 : memref<16xi32, #tpu.memory_space<vmem>>) semaphore(%arg15 : memref<!tpu.dma_semaphore, #tpu.memory_space<semaphore_mem>>)
    %dma_wait3A_33 = arith.constant 9984 : i32
    %dma_wait3A_34 = tpu.memref_slice %arg7[%dma_wait3A_33] : memref<10000xi32, #tpu.memory_space<vmem>> -> memref<16xi32, #tpu.memory_space<vmem>>
    %dma_wait3A_35 = arith.constant 0 : i32
    %dma_wait3A_36 = arith.constant 0 : i32
    %dma_wait3A_37 = tpu.memref_slice %arg2[%dma_wait3A_35, %dma_wait3A_36] : memref<10000x128xf32, #tpu.memory_space<hbm>> -> memref<10000x128xf32, #tpu.memory_space<hbm>>
    tpu.wait_indirect_dma semaphore(%arg15 : memref<!tpu.dma_semaphore, #tpu.memory_space<semaphore_mem>>) src(%dma_wait3A_37 : memref<10000x128xf32, #tpu.memory_space<hbm>>) dst(%arg13 : memref<16x128xf32, #tpu.memory_space<vmem>>)
    %dma_start3A_38 = arith.constant 0 : i32
    %dma_start3A_39 = arith.constant 0 : i32
    %dma_start3A_40 = tpu.memref_slice %arg14[%dma_start3A_38, %dma_start3A_39] : memref<10112x128xf32, #tpu.memory_space<vmem_shared>> -> memref<10112x128xf32, #tpu.memory_space<vmem_shared>>
    tpu.enqueue_indirect_dma source(%arg13 : memref<16x128xf32, #tpu.memory_space<vmem>>) target(%dma_start3A_40 : memref<10112x128xf32, #tpu.memory_space<vmem_shared>>) offsets(%arg10 : memref<16xi32, #tpu.memory_space<vmem>>) semaphore(%arg17 : memref<!tpu.dma_semaphore, #tpu.memory_space<semaphore_mem>>) {add = true}
    %dma_wait3A_41 = arith.constant 0 : i32
    %dma_wait3A_42 = arith.constant 0 : i32
    %dma_wait3A_43 = tpu.memref_slice %arg14[%dma_wait3A_41, %dma_wait3A_42] : memref<10112x128xf32, #tpu.memory_space<vmem_shared>> -> memref<10112x128xf32, #tpu.memory_space<vmem_shared>>
    tpu.wait_indirect_dma semaphore(%arg17 : memref<!tpu.dma_semaphore, #tpu.memory_space<semaphore_mem>>) src(%arg13 : memref<16x128xf32, #tpu.memory_space<vmem>>) dst(%dma_wait3A_43 : memref<10112x128xf32, #tpu.memory_space<vmem_shared>>)
    %barrier3A_44 = arith.constant 0 : index
    tpu.barrier barrier_id(%barrier3A_44)
    %mul3A_45 = arith.constant 10112 : i32
    %mul3A_46 = arith.muli %arg0, %mul3A_45 : i32
    %add3A_47 = arith.addi %mul3A_46, %mul3A_2 : i32
    "tpu.region"() ({
      %run_scoped3A = tpu.sem_alloc : memref<!tpu.dma_semaphore, #tpu.memory_space<semaphore_mem>>
      %dma_start3A_48 = arith.constant 0 : i32
      %dma_start3A_49 = tpu.memref_slice %arg6[%add3A_47, %dma_start3A_48] : memref<20224x128xf32, #tpu.memory_space<hbm>> -> memref<632x128xf32, #tpu.memory_space<hbm>>
      %dma_start3A_50 = arith.constant 0 : i32
      %dma_start3A_51 = tpu.memref_slice %arg14[%mul3A_2, %dma_start3A_50] : memref<10112x128xf32, #tpu.memory_space<vmem_shared>> -> memref<632x128xf32, #tpu.memory_space<vmem_shared>>
      tpu.enqueue_dma source(%dma_start3A_51 : memref<632x128xf32, #tpu.memory_space<vmem_shared>>) target(%dma_start3A_49 : memref<632x128xf32, #tpu.memory_space<hbm>>) target_semaphore(%run_scoped3A : memref<!tpu.dma_semaphore, #tpu.memory_space<semaphore_mem>>)
      %dma_wait3A_52 = arith.constant 0 : i32
      %dma_wait3A_53 = tpu.memref_slice %arg6[%add3A_47, %dma_wait3A_52] : memref<20224x128xf32, #tpu.memory_space<hbm>> -> memref<632x128xf32, #tpu.memory_space<hbm>>
      %dma_wait3A_54 = arith.constant 0 : i32
      %dma_wait3A_55 = tpu.memref_slice %arg14[%mul3A_2, %dma_wait3A_54] : memref<10112x128xf32, #tpu.memory_space<vmem_shared>> -> memref<632x128xf32, #tpu.memory_space<vmem_shared>>
      tpu.wait_dma2 semaphore(%run_scoped3A : memref<!tpu.dma_semaphore, #tpu.memory_space<semaphore_mem>>) src(%dma_wait3A_55 : memref<632x128xf32, #tpu.memory_space<vmem_shared>>) dst(%dma_wait3A_53 : memref<632x128xf32, #tpu.memory_space<hbm>>)
      tpu.yield
    }) : () -> ()
    return
  }
}

module attributes {stable_mosaic.version = 14 : i64} {
  func.func @_edge_body(%arg0: i32, %arg1: memref<4000x16xf32, #tpu.memory_space<vmem>>, %arg2: memref<16x128xf32, #tpu.memory_space<vmem>>, %arg3: memref<1x128xf32, #tpu.memory_space<vmem>>, %arg4: memref<128x128xf32, #tpu.memory_space<vmem>>, %arg5: memref<1x128xf32, #tpu.memory_space<vmem>>, %arg6: memref<4000x128xf32, #tpu.memory_space<vmem>>, %arg7: memref<4000x128xf32, #tpu.memory_space<vmem>>) attributes {dimension_semantics = [#tpu.dimension_semantics<arbitrary>], iteration_bounds = array<i64: 80>, scalar_prefetch = 0 : i64, scratch_operands = 0 : i64, tpu.core_type = #tpu.core_type<tc>, window_params = [{transform_indices = @transform_0, window_bounds = array<i64: 4000, 16>}, {pipeline_mode = #tpu.pipeline_mode<synchronous>, transform_indices = @transform_1, window_bounds = array<i64: 16, 128>}, {pipeline_mode = #tpu.pipeline_mode<synchronous>, transform_indices = @transform_2, window_bounds = array<i64: 1, 128>}, {pipeline_mode = #tpu.pipeline_mode<synchronous>, transform_indices = @transform_3, window_bounds = array<i64: 128, 128>}, {pipeline_mode = #tpu.pipeline_mode<synchronous>, transform_indices = @transform_4, window_bounds = array<i64: 1, 128>}, {transform_indices = @transform_5, window_bounds = array<i64: 4000, 128>}, {transform_indices = @transform_6, window_bounds = array<i64: 4000, 128>}]} {
    %get3A = arith.constant 0 : index
    %get3A_0 = arith.constant 0 : index
    %get3A_1 = vector.load %arg1[%get3A, %get3A_0] : memref<4000x16xf32, #tpu.memory_space<vmem>>, vector<4000x16xf32>
    %get3A_2 = arith.constant 0 : index
    %get3A_3 = arith.constant 0 : index
    %get3A_4 = vector.load %arg2[%get3A_2, %get3A_3] : memref<16x128xf32, #tpu.memory_space<vmem>>, vector<16x128xf32>
    %dot_general3A = arith.constant dense<0.000000e+00> : vector<4000x128xf32>
    %dot_general3A_5 = tpu.matmul %get3A_1, %get3A_4, %dot_general3A {dimension_numbers = #tpu.dot_dimension_numbers<[1], [0], [0], [1], [0, 0, 1, 1], [], []>, transpose_lhs_hint = false} : vector<4000x16xf32>, vector<16x128xf32>, vector<4000x128xf32> -> vector<4000x128xf32>
    %get3A_6 = arith.constant 0 : index
    %get3A_7 = arith.constant 0 : index
    %get3A_8 = vector.load %arg3[%get3A_6, %get3A_7] : memref<1x128xf32, #tpu.memory_space<vmem>>, vector<1x128xf32>
    %add3A = vector.broadcast %get3A_8 : vector<1x128xf32> to vector<4000x128xf32>
    %add3A_9 = arith.addf %dot_general3A_5, %add3A : vector<4000x128xf32>
    %swap3A = arith.constant 0 : index
    %swap3A_10 = arith.constant 0 : index
    %swap3A_11 = vector.load %arg6[%swap3A, %swap3A_10] : memref<4000x128xf32, #tpu.memory_space<vmem>>, vector<4000x128xf32>
    tpu.vector_store %arg6[%swap3A, %swap3A_10], %add3A_9 {strides = array<i32>} : memref<4000x128xf32, #tpu.memory_space<vmem>>, vector<4000x128xf32>,
    %get3A_12 = arith.constant 0 : index
    %get3A_13 = arith.constant 0 : index
    %get3A_14 = vector.load %arg4[%get3A_12, %get3A_13] : memref<128x128xf32, #tpu.memory_space<vmem>>, vector<128x128xf32>
    %dot_general3A_15 = arith.constant dense<0.000000e+00> : vector<4000x128xf32>
    %dot_general3A_16 = tpu.matmul %add3A_9, %get3A_14, %dot_general3A_15 {dimension_numbers = #tpu.dot_dimension_numbers<[1], [0], [0], [1], [0, 0, 1, 1], [], []>, transpose_lhs_hint = false} : vector<4000x128xf32>, vector<128x128xf32>, vector<4000x128xf32> -> vector<4000x128xf32>
    %get3A_17 = arith.constant 0 : index
    %get3A_18 = arith.constant 0 : index
    %get3A_19 = vector.load %arg5[%get3A_17, %get3A_18] : memref<1x128xf32, #tpu.memory_space<vmem>>, vector<1x128xf32>
    %add3A_20 = vector.broadcast %get3A_19 : vector<1x128xf32> to vector<4000x128xf32>
    %add3A_21 = arith.addf %dot_general3A_16, %add3A_20 : vector<4000x128xf32>
    %swap3A_22 = arith.constant 0 : index
    %swap3A_23 = arith.constant 0 : index
    %swap3A_24 = vector.load %arg7[%swap3A_22, %swap3A_23] : memref<4000x128xf32, #tpu.memory_space<vmem>>, vector<4000x128xf32>
    tpu.vector_store %arg7[%swap3A_22, %swap3A_23], %add3A_21 {strides = array<i32>} : memref<4000x128xf32, #tpu.memory_space<vmem>>, vector<4000x128xf32>,
    return
  }
  func.func @transform_0(%arg0: i32) -> (i32, i32) {
    %c0_i32 = arith.constant 0 : i32
    %c0_i32_0 = arith.constant 0 : i32
    return %arg0, %c0_i32 : i32, i32
  }
  func.func @transform_1(%arg0: i32) -> (i32, i32) {
    %c0_i32 = arith.constant 0 : i32
    %c0_i32_0 = arith.constant 0 : i32
    %c0_i32_1 = arith.constant 0 : i32
    return %c0_i32, %c0_i32_0 : i32, i32
  }
  func.func @transform_2(%arg0: i32) -> (i32, i32) {
    %c0_i32 = arith.constant 0 : i32
    %c0_i32_0 = arith.constant 0 : i32
    %c0_i32_1 = arith.constant 0 : i32
    return %c0_i32, %c0_i32_0 : i32, i32
  }
  func.func @transform_3(%arg0: i32) -> (i32, i32) {
    %c0_i32 = arith.constant 0 : i32
    %c0_i32_0 = arith.constant 0 : i32
    %c0_i32_1 = arith.constant 0 : i32
    return %c0_i32, %c0_i32_0 : i32, i32
  }
  func.func @transform_4(%arg0: i32) -> (i32, i32) {
    %c0_i32 = arith.constant 0 : i32
    %c0_i32_0 = arith.constant 0 : i32
    %c0_i32_1 = arith.constant 0 : i32
    return %c0_i32, %c0_i32_0 : i32, i32
  }
  func.func @transform_5(%arg0: i32) -> (i32, i32) {
    %c0_i32 = arith.constant 0 : i32
    %c0_i32_0 = arith.constant 0 : i32
    return %arg0, %c0_i32 : i32, i32
  }
  func.func @transform_6(%arg0: i32) -> (i32, i32) {
    %c0_i32 = arith.constant 0 : i32
    %c0_i32_0 = arith.constant 0 : i32
    return %arg0, %c0_i32 : i32, i32
  }
}

module attributes {stable_mosaic.version = 14 : i64} {
  func.func @_init_body(%arg0: i32, %arg1: memref<1264x128xf32, #tpu.memory_space<vmem>>, %arg2: memref<128x128xf32, #tpu.memory_space<vmem>>, %arg3: memref<1x128xf32, #tpu.memory_space<vmem>>, %arg4: memref<1264x128xf32, #tpu.memory_space<vmem>>) attributes {dimension_semantics = [#tpu.dimension_semantics<arbitrary>], iteration_bounds = array<i64: 8>, scalar_prefetch = 0 : i64, scratch_operands = 0 : i64, tpu.core_type = #tpu.core_type<tc>, window_params = [{transform_indices = @transform_0, window_bounds = array<i64: 1264, 128>}, {pipeline_mode = #tpu.pipeline_mode<synchronous>, transform_indices = @transform_1, window_bounds = array<i64: 128, 128>}, {pipeline_mode = #tpu.pipeline_mode<synchronous>, transform_indices = @transform_2, window_bounds = array<i64: 1, 128>}, {transform_indices = @transform_3, window_bounds = array<i64: 1264, 128>}]} {
    %get3A = arith.constant 0 : index
    %get3A_0 = arith.constant 0 : index
    %get3A_1 = vector.load %arg1[%get3A, %get3A_0] : memref<1264x128xf32, #tpu.memory_space<vmem>>, vector<1264x128xf32>
    %get3A_2 = arith.constant 0 : index
    %get3A_3 = arith.constant 0 : index
    %get3A_4 = vector.load %arg2[%get3A_2, %get3A_3] : memref<128x128xf32, #tpu.memory_space<vmem>>, vector<128x128xf32>
    %dot_general3A = arith.constant dense<0.000000e+00> : vector<1264x128xf32>
    %dot_general3A_5 = tpu.matmul %get3A_1, %get3A_4, %dot_general3A {dimension_numbers = #tpu.dot_dimension_numbers<[1], [0], [0], [1], [0, 0, 1, 1], [], []>, transpose_lhs_hint = false} : vector<1264x128xf32>, vector<128x128xf32>, vector<1264x128xf32> -> vector<1264x128xf32>
    %get3A_6 = arith.constant 0 : index
    %get3A_7 = arith.constant 0 : index
    %get3A_8 = vector.load %arg3[%get3A_6, %get3A_7] : memref<1x128xf32, #tpu.memory_space<vmem>>, vector<1x128xf32>
    %add3A = vector.broadcast %get3A_8 : vector<1x128xf32> to vector<1264x128xf32>
    %add3A_9 = arith.addf %dot_general3A_5, %add3A : vector<1264x128xf32>
    %swap3A = arith.constant 0 : index
    %swap3A_10 = arith.constant 0 : index
    %swap3A_11 = vector.load %arg4[%swap3A, %swap3A_10] : memref<1264x128xf32, #tpu.memory_space<vmem>>, vector<1264x128xf32>
    tpu.vector_store %arg4[%swap3A, %swap3A_10], %add3A_9 {strides = array<i32>} : memref<1264x128xf32, #tpu.memory_space<vmem>>, vector<1264x128xf32>,
    return
  }
  func.func @transform_0(%arg0: i32) -> (i32, i32) {
    %c0_i32 = arith.constant 0 : i32
    %c0_i32_0 = arith.constant 0 : i32
    return %arg0, %c0_i32 : i32, i32
  }
  func.func @transform_1(%arg0: i32) -> (i32, i32) {
    %c0_i32 = arith.constant 0 : i32
    %c0_i32_0 = arith.constant 0 : i32
    %c0_i32_1 = arith.constant 0 : i32
    return %c0_i32, %c0_i32_0 : i32, i32
  }
  func.func @transform_2(%arg0: i32) -> (i32, i32) {
    %c0_i32 = arith.constant 0 : i32
    %c0_i32_0 = arith.constant 0 : i32
    %c0_i32_1 = arith.constant 0 : i32
    return %c0_i32, %c0_i32_0 : i32, i32
  }
  func.func @transform_3(%arg0: i32) -> (i32, i32) {
    %c0_i32 = arith.constant 0 : i32
    %c0_i32_0 = arith.constant 0 : i32
    return %arg0, %c0_i32 : i32, i32
  }
}

module attributes {stable_mosaic.version = 14 : i64} {
  func.func @_gru_body(%arg0: i32, %arg1: memref<1264x128xf32, #tpu.memory_space<vmem>>, %arg2: memref<1264x128xf32, #tpu.memory_space<vmem>>, %arg3: memref<1264x128xf32, #tpu.memory_space<vmem>>, %arg4: memref<1264x128xf32, #tpu.memory_space<vmem>>, %arg5: memref<1264x128xf32, #tpu.memory_space<vmem>>, %arg6: memref<128x128xf32, #tpu.memory_space<vmem>>, %arg7: memref<128x384xf32, #tpu.memory_space<vmem>>, %arg8: memref<1x384xf32, #tpu.memory_space<vmem>>, %arg9: memref<128x384xf32, #tpu.memory_space<vmem>>, %arg10: memref<1x384xf32, #tpu.memory_space<vmem>>, %arg11: memref<1264x128xf32, #tpu.memory_space<vmem>>) attributes {dimension_semantics = [#tpu.dimension_semantics<arbitrary>], iteration_bounds = array<i64: 8>, scalar_prefetch = 0 : i64, scratch_operands = 0 : i64, tpu.core_type = #tpu.core_type<tc>, window_params = [{transform_indices = @transform_0, window_bounds = array<i64: 1264, 128>}, {transform_indices = @transform_1, window_bounds = array<i64: 1264, 128>}, {transform_indices = @transform_2, window_bounds = array<i64: 1264, 128>}, {transform_indices = @transform_3, window_bounds = array<i64: 1264, 128>}, {transform_indices = @transform_4, window_bounds = array<i64: 1264, 128>}, {pipeline_mode = #tpu.pipeline_mode<synchronous>, transform_indices = @transform_5, window_bounds = array<i64: 128, 128>}, {pipeline_mode = #tpu.pipeline_mode<synchronous>, transform_indices = @transform_6, window_bounds = array<i64: 128, 384>}, {pipeline_mode = #tpu.pipeline_mode<synchronous>, transform_indices = @transform_7, window_bounds = array<i64: 1, 384>}, {pipeline_mode = #tpu.pipeline_mode<synchronous>, transform_indices = @transform_8, window_bounds = array<i64: 128, 384>}, {pipeline_mode = #tpu.pipeline_mode<synchronous>, transform_indices = @transform_9, window_bounds = array<i64: 1, 384>}, {transform_indices = @transform_10, window_bounds = array<i64: 1264, 128>}]} {
    %get3A = arith.constant 0 : index
    %get3A_0 = arith.constant 0 : index
    %get3A_1 = vector.load %arg1[%get3A, %get3A_0] : memref<1264x128xf32, #tpu.memory_space<vmem>>, vector<1264x128xf32>
    %get3A_2 = arith.constant 0 : index
    %get3A_3 = arith.constant 0 : index
    %get3A_4 = vector.load %arg2[%get3A_2, %get3A_3] : memref<1264x128xf32, #tpu.memory_space<vmem>>, vector<1264x128xf32>
    %add3A = arith.addf %get3A_1, %get3A_4 : vector<1264x128xf32>
    %get3A_5 = arith.constant 0 : index
    %get3A_6 = arith.constant 0 : index
    %get3A_7 = vector.load %arg6[%get3A_5, %get3A_6] : memref<128x128xf32, #tpu.memory_space<vmem>>, vector<128x128xf32>
    %dot_general3A = arith.constant dense<0.000000e+00> : vector<1264x128xf32>
    %dot_general3A_8 = tpu.matmul %add3A, %get3A_7, %dot_general3A {dimension_numbers = #tpu.dot_dimension_numbers<[1], [0], [0], [1], [0, 0, 1, 1], [], []>, transpose_lhs_hint = false} : vector<1264x128xf32>, vector<128x128xf32>, vector<1264x128xf32> -> vector<1264x128xf32>
    %get3A_9 = arith.constant 0 : index
    %get3A_10 = arith.constant 0 : index
    %get3A_11 = vector.load %arg3[%get3A_9, %get3A_10] : memref<1264x128xf32, #tpu.memory_space<vmem>>, vector<1264x128xf32>
    %add3A_12 = arith.addf %dot_general3A_8, %get3A_11 : vector<1264x128xf32>
    %get3A_13 = arith.constant 0 : index
    %get3A_14 = arith.constant 0 : index
    %get3A_15 = vector.load %arg4[%get3A_13, %get3A_14] : memref<1264x128xf32, #tpu.memory_space<vmem>>, vector<1264x128xf32>
    %add3A_16 = arith.addf %add3A_12, %get3A_15 : vector<1264x128xf32>
    %get3A_17 = arith.constant 0 : index
    %get3A_18 = arith.constant 0 : index
    %get3A_19 = vector.load %arg7[%get3A_17, %get3A_18] : memref<128x384xf32, #tpu.memory_space<vmem>>, vector<128x384xf32>
    %dot_general3A_20 = arith.constant dense<0.000000e+00> : vector<1264x384xf32>
    %dot_general3A_21 = tpu.matmul %add3A_16, %get3A_19, %dot_general3A_20 {dimension_numbers = #tpu.dot_dimension_numbers<[1], [0], [0], [1], [0, 0, 1, 1], [], []>, transpose_lhs_hint = false} : vector<1264x128xf32>, vector<128x384xf32>, vector<1264x384xf32> -> vector<1264x384xf32>
    %get3A_22 = arith.constant 0 : index
    %get3A_23 = arith.constant 0 : index
    %get3A_24 = vector.load %arg8[%get3A_22, %get3A_23] : memref<1x384xf32, #tpu.memory_space<vmem>>, vector<1x384xf32>
    %add3A_25 = vector.broadcast %get3A_24 : vector<1x384xf32> to vector<1264x384xf32>
    %add3A_26 = arith.addf %dot_general3A_21, %add3A_25 : vector<1264x384xf32>
    %get3A_27 = arith.constant 0 : index
    %get3A_28 = arith.constant 0 : index
    %get3A_29 = vector.load %arg5[%get3A_27, %get3A_28] : memref<1264x128xf32, #tpu.memory_space<vmem>>, vector<1264x128xf32>
    %get3A_30 = arith.constant 0 : index
    %get3A_31 = arith.constant 0 : index
    %get3A_32 = vector.load %arg9[%get3A_30, %get3A_31] : memref<128x384xf32, #tpu.memory_space<vmem>>, vector<128x384xf32>
    %dot_general3A_33 = arith.constant dense<0.000000e+00> : vector<1264x384xf32>
    %dot_general3A_34 = tpu.matmul %get3A_29, %get3A_32, %dot_general3A_33 {dimension_numbers = #tpu.dot_dimension_numbers<[1], [0], [0], [1], [0, 0, 1, 1], [], []>, transpose_lhs_hint = false} : vector<1264x128xf32>, vector<128x384xf32>, vector<1264x384xf32> -> vector<1264x384xf32>
    %get3A_35 = arith.constant 0 : index
    %get3A_36 = arith.constant 0 : index
    %get3A_37 = vector.load %arg10[%get3A_35, %get3A_36] : memref<1x384xf32, #tpu.memory_space<vmem>>, vector<1x384xf32>
    %add3A_38 = vector.broadcast %get3A_37 : vector<1x384xf32> to vector<1264x384xf32>
    %add3A_39 = arith.addf %dot_general3A_34, %add3A_38 : vector<1264x384xf32>
    %slice3A = vector.extract_strided_slice %add3A_26 {offsets = [0, 0], sizes = [1264, 128], strides = [1, 1]} : vector<1264x384xf32> to vector<1264x128xf32>
    %slice3A_40 = vector.extract_strided_slice %add3A_39 {offsets = [0, 0], sizes = [1264, 128], strides = [1, 1]} : vector<1264x384xf32> to vector<1264x128xf32>
    %add3A_41 = arith.addf %slice3A, %slice3A_40 : vector<1264x128xf32>
    %logistic3A = arith.negf %add3A_41 : vector<1264x128xf32>
    %logistic3A_42 = math.exp %logistic3A : vector<1264x128xf32>
    %logistic3A_43 = arith.constant 1.000000e+00 : f32
    %logistic3A_44 = vector.broadcast %logistic3A_43 : f32 to vector<1264x128xf32>
    %logistic3A_45 = arith.addf %logistic3A_44, %logistic3A_42 : vector<1264x128xf32>
    %logistic3A_46 = arith.divf %logistic3A_44, %logistic3A_45 : vector<1264x128xf32>
    %slice3A_47 = vector.extract_strided_slice %add3A_26 {offsets = [0, 128], sizes = [1264, 128], strides = [1, 1]} : vector<1264x384xf32> to vector<1264x128xf32>
    %slice3A_48 = vector.extract_strided_slice %add3A_39 {offsets = [0, 128], sizes = [1264, 128], strides = [1, 1]} : vector<1264x384xf32> to vector<1264x128xf32>
    %add3A_49 = arith.addf %slice3A_47, %slice3A_48 : vector<1264x128xf32>
    %logistic3A_50 = arith.negf %add3A_49 : vector<1264x128xf32>
    %logistic3A_51 = math.exp %logistic3A_50 : vector<1264x128xf32>
    %logistic3A_52 = arith.constant 1.000000e+00 : f32
    %logistic3A_53 = vector.broadcast %logistic3A_52 : f32 to vector<1264x128xf32>
    %logistic3A_54 = arith.addf %logistic3A_53, %logistic3A_51 : vector<1264x128xf32>
    %logistic3A_55 = arith.divf %logistic3A_53, %logistic3A_54 : vector<1264x128xf32>
    %slice3A_56 = vector.extract_strided_slice %add3A_26 {offsets = [0, 256], sizes = [1264, 128], strides = [1, 1]} : vector<1264x384xf32> to vector<1264x128xf32>
    %slice3A_57 = vector.extract_strided_slice %add3A_39 {offsets = [0, 256], sizes = [1264, 128], strides = [1, 1]} : vector<1264x384xf32> to vector<1264x128xf32>
    %mul3A = arith.mulf %logistic3A_46, %slice3A_57 : vector<1264x128xf32>
    %add3A_58 = arith.addf %slice3A_56, %mul3A : vector<1264x128xf32>
    %tanh3A = math.tanh %add3A_58 : vector<1264x128xf32>
    %sub3A = arith.constant 1.000000e+00 : f32
    %sub3A_59 = vector.broadcast %sub3A : f32 to vector<1264x128xf32>
    %sub3A_60 = arith.subf %sub3A_59, %logistic3A_55 : vector<1264x128xf32>
    %mul3A_61 = arith.mulf %sub3A_60, %tanh3A : vector<1264x128xf32>
    %get3A_62 = arith.constant 0 : index
    %get3A_63 = arith.constant 0 : index
    %get3A_64 = vector.load %arg5[%get3A_62, %get3A_63] : memref<1264x128xf32, #tpu.memory_space<vmem>>, vector<1264x128xf32>
    %mul3A_65 = arith.mulf %logistic3A_55, %get3A_64 : vector<1264x128xf32>
    %add3A_66 = arith.addf %mul3A_61, %mul3A_65 : vector<1264x128xf32>
    %swap3A = arith.constant 0 : index
    %swap3A_67 = arith.constant 0 : index
    %swap3A_68 = vector.load %arg11[%swap3A, %swap3A_67] : memref<1264x128xf32, #tpu.memory_space<vmem>>, vector<1264x128xf32>
    tpu.vector_store %arg11[%swap3A, %swap3A_67], %add3A_66 {strides = array<i32>} : memref<1264x128xf32, #tpu.memory_space<vmem>>, vector<1264x128xf32>,
    return
  }
  func.func @transform_0(%arg0: i32) -> (i32, i32) {
    %c0_i32 = arith.constant 0 : i32
    %c0_i32_0 = arith.constant 0 : i32
    return %arg0, %c0_i32 : i32, i32
  }
  func.func @transform_1(%arg0: i32) -> (i32, i32) {
    %add3A = arith.constant 8 : i32
    %add3A_0 = arith.addi %arg0, %add3A : i32
    %c0_i32 = arith.constant 0 : i32
    %c0_i32_1 = arith.constant 0 : i32
    return %add3A_0, %c0_i32 : i32, i32
  }
  func.func @transform_2(%arg0: i32) -> (i32, i32) {
    %c0_i32 = arith.constant 0 : i32
    %c0_i32_0 = arith.constant 0 : i32
    return %arg0, %c0_i32 : i32, i32
  }
  func.func @transform_3(%arg0: i32) -> (i32, i32) {
    %add3A = arith.constant 8 : i32
    %add3A_0 = arith.addi %arg0, %add3A : i32
    %c0_i32 = arith.constant 0 : i32
    %c0_i32_1 = arith.constant 0 : i32
    return %add3A_0, %c0_i32 : i32, i32
  }
  func.func @transform_4(%arg0: i32) -> (i32, i32) {
    %c0_i32 = arith.constant 0 : i32
    %c0_i32_0 = arith.constant 0 : i32
    return %arg0, %c0_i32 : i32, i32
  }
  func.func @transform_5(%arg0: i32) -> (i32, i32) {
    %c0_i32 = arith.constant 0 : i32
    %c0_i32_0 = arith.constant 0 : i32
    %c0_i32_1 = arith.constant 0 : i32
    return %c0_i32, %c0_i32_0 : i32, i32
  }
  func.func @transform_6(%arg0: i32) -> (i32, i32) {
    %c0_i32 = arith.constant 0 : i32
    %c0_i32_0 = arith.constant 0 : i32
    %c0_i32_1 = arith.constant 0 : i32
    return %c0_i32, %c0_i32_0 : i32, i32
  }
  func.func @transform_7(%arg0: i32) -> (i32, i32) {
    %c0_i32 = arith.constant 0 : i32
    %c0_i32_0 = arith.constant 0 : i32
    %c0_i32_1 = arith.constant 0 : i32
    return %c0_i32, %c0_i32_0 : i32, i32
  }
  func.func @transform_8(%arg0: i32) -> (i32, i32) {
    %c0_i32 = arith.constant 0 : i32
    %c0_i32_0 = arith.constant 0 : i32
    %c0_i32_1 = arith.constant 0 : i32
    return %c0_i32, %c0_i32_0 : i32, i32
  }
  func.func @transform_9(%arg0: i32) -> (i32, i32) {
    %c0_i32 = arith.constant 0 : i32
    %c0_i32_0 = arith.constant 0 : i32
    %c0_i32_1 = arith.constant 0 : i32
    return %c0_i32, %c0_i32_0 : i32, i32
  }
  func.func @transform_10(%arg0: i32) -> (i32, i32) {
    %c0_i32 = arith.constant 0 : i32
    %c0_i32_0 = arith.constant 0 : i32
    return %arg0, %c0_i32 : i32, i32
  }
}

module attributes {stable_mosaic.version = 14 : i64} {
  func.func @_gru_body(%arg0: i32, %arg1: memref<1264x128xf32, #tpu.memory_space<vmem>>, %arg2: memref<1264x128xf32, #tpu.memory_space<vmem>>, %arg3: memref<1264x128xf32, #tpu.memory_space<vmem>>, %arg4: memref<1264x128xf32, #tpu.memory_space<vmem>>, %arg5: memref<1264x128xf32, #tpu.memory_space<vmem>>, %arg6: memref<128x128xf32, #tpu.memory_space<vmem>>, %arg7: memref<128x384xf32, #tpu.memory_space<vmem>>, %arg8: memref<1x384xf32, #tpu.memory_space<vmem>>, %arg9: memref<128x384xf32, #tpu.memory_space<vmem>>, %arg10: memref<1x384xf32, #tpu.memory_space<vmem>>, %arg11: memref<1264x128xf32, #tpu.memory_space<vmem>>) attributes {dimension_semantics = [#tpu.dimension_semantics<arbitrary>], iteration_bounds = array<i64: 8>, scalar_prefetch = 0 : i64, scratch_operands = 0 : i64, tpu.core_type = #tpu.core_type<tc>, window_params = [{transform_indices = @transform_0, window_bounds = array<i64: 1264, 128>}, {transform_indices = @transform_1, window_bounds = array<i64: 1264, 128>}, {transform_indices = @transform_2, window_bounds = array<i64: 1264, 128>}, {transform_indices = @transform_3, window_bounds = array<i64: 1264, 128>}, {transform_indices = @transform_4, window_bounds = array<i64: 1264, 128>}, {pipeline_mode = #tpu.pipeline_mode<synchronous>, transform_indices = @transform_5, window_bounds = array<i64: 128, 128>}, {pipeline_mode = #tpu.pipeline_mode<synchronous>, transform_indices = @transform_6, window_bounds = array<i64: 128, 384>}, {pipeline_mode = #tpu.pipeline_mode<synchronous>, transform_indices = @transform_7, window_bounds = array<i64: 1, 384>}, {pipeline_mode = #tpu.pipeline_mode<synchronous>, transform_indices = @transform_8, window_bounds = array<i64: 128, 384>}, {pipeline_mode = #tpu.pipeline_mode<synchronous>, transform_indices = @transform_9, window_bounds = array<i64: 1, 384>}, {transform_indices = @transform_10, window_bounds = array<i64: 1264, 128>}]} {
    %get3A = arith.constant 0 : index
    %get3A_0 = arith.constant 0 : index
    %get3A_1 = vector.load %arg1[%get3A, %get3A_0] : memref<1264x128xf32, #tpu.memory_space<vmem>>, vector<1264x128xf32>
    %get3A_2 = arith.constant 0 : index
    %get3A_3 = arith.constant 0 : index
    %get3A_4 = vector.load %arg2[%get3A_2, %get3A_3] : memref<1264x128xf32, #tpu.memory_space<vmem>>, vector<1264x128xf32>
    %add3A = arith.addf %get3A_1, %get3A_4 : vector<1264x128xf32>
    %get3A_5 = arith.constant 0 : index
    %get3A_6 = arith.constant 0 : index
    %get3A_7 = vector.load %arg6[%get3A_5, %get3A_6] : memref<128x128xf32, #tpu.memory_space<vmem>>, vector<128x128xf32>
    %dot_general3A = arith.constant dense<0.000000e+00> : vector<1264x128xf32>
    %dot_general3A_8 = tpu.matmul %add3A, %get3A_7, %dot_general3A {dimension_numbers = #tpu.dot_dimension_numbers<[1], [0], [0], [1], [0, 0, 1, 1], [], []>, transpose_lhs_hint = false} : vector<1264x128xf32>, vector<128x128xf32>, vector<1264x128xf32> -> vector<1264x128xf32>
    %get3A_9 = arith.constant 0 : index
    %get3A_10 = arith.constant 0 : index
    %get3A_11 = vector.load %arg3[%get3A_9, %get3A_10] : memref<1264x128xf32, #tpu.memory_space<vmem>>, vector<1264x128xf32>
    %add3A_12 = arith.addf %dot_general3A_8, %get3A_11 : vector<1264x128xf32>
    %get3A_13 = arith.constant 0 : index
    %get3A_14 = arith.constant 0 : index
    %get3A_15 = vector.load %arg4[%get3A_13, %get3A_14] : memref<1264x128xf32, #tpu.memory_space<vmem>>, vector<1264x128xf32>
    %add3A_16 = arith.addf %add3A_12, %get3A_15 : vector<1264x128xf32>
    %get3A_17 = arith.constant 0 : index
    %get3A_18 = arith.constant 0 : index
    %get3A_19 = vector.load %arg7[%get3A_17, %get3A_18] : memref<128x384xf32, #tpu.memory_space<vmem>>, vector<128x384xf32>
    %dot_general3A_20 = arith.constant dense<0.000000e+00> : vector<1264x384xf32>
    %dot_general3A_21 = tpu.matmul %add3A_16, %get3A_19, %dot_general3A_20 {dimension_numbers = #tpu.dot_dimension_numbers<[1], [0], [0], [1], [0, 0, 1, 1], [], []>, transpose_lhs_hint = false} : vector<1264x128xf32>, vector<128x384xf32>, vector<1264x384xf32> -> vector<1264x384xf32>
    %get3A_22 = arith.constant 0 : index
    %get3A_23 = arith.constant 0 : index
    %get3A_24 = vector.load %arg8[%get3A_22, %get3A_23] : memref<1x384xf32, #tpu.memory_space<vmem>>, vector<1x384xf32>
    %add3A_25 = vector.broadcast %get3A_24 : vector<1x384xf32> to vector<1264x384xf32>
    %add3A_26 = arith.addf %dot_general3A_21, %add3A_25 : vector<1264x384xf32>
    %get3A_27 = arith.constant 0 : index
    %get3A_28 = arith.constant 0 : index
    %get3A_29 = vector.load %arg5[%get3A_27, %get3A_28] : memref<1264x128xf32, #tpu.memory_space<vmem>>, vector<1264x128xf32>
    %get3A_30 = arith.constant 0 : index
    %get3A_31 = arith.constant 0 : index
    %get3A_32 = vector.load %arg9[%get3A_30, %get3A_31] : memref<128x384xf32, #tpu.memory_space<vmem>>, vector<128x384xf32>
    %dot_general3A_33 = arith.constant dense<0.000000e+00> : vector<1264x384xf32>
    %dot_general3A_34 = tpu.matmul %get3A_29, %get3A_32, %dot_general3A_33 {dimension_numbers = #tpu.dot_dimension_numbers<[1], [0], [0], [1], [0, 0, 1, 1], [], []>, transpose_lhs_hint = false} : vector<1264x128xf32>, vector<128x384xf32>, vector<1264x384xf32> -> vector<1264x384xf32>
    %get3A_35 = arith.constant 0 : index
    %get3A_36 = arith.constant 0 : index
    %get3A_37 = vector.load %arg10[%get3A_35, %get3A_36] : memref<1x384xf32, #tpu.memory_space<vmem>>, vector<1x384xf32>
    %add3A_38 = vector.broadcast %get3A_37 : vector<1x384xf32> to vector<1264x384xf32>
    %add3A_39 = arith.addf %dot_general3A_34, %add3A_38 : vector<1264x384xf32>
    %slice3A = vector.extract_strided_slice %add3A_26 {offsets = [0, 0], sizes = [1264, 128], strides = [1, 1]} : vector<1264x384xf32> to vector<1264x128xf32>
    %slice3A_40 = vector.extract_strided_slice %add3A_39 {offsets = [0, 0], sizes = [1264, 128], strides = [1, 1]} : vector<1264x384xf32> to vector<1264x128xf32>
    %add3A_41 = arith.addf %slice3A, %slice3A_40 : vector<1264x128xf32>
    %logistic3A = arith.negf %add3A_41 : vector<1264x128xf32>
    %logistic3A_42 = math.exp %logistic3A : vector<1264x128xf32>
    %logistic3A_43 = arith.constant 1.000000e+00 : f32
    %logistic3A_44 = vector.broadcast %logistic3A_43 : f32 to vector<1264x128xf32>
    %logistic3A_45 = arith.addf %logistic3A_44, %logistic3A_42 : vector<1264x128xf32>
    %logistic3A_46 = arith.divf %logistic3A_44, %logistic3A_45 : vector<1264x128xf32>
    %slice3A_47 = vector.extract_strided_slice %add3A_26 {offsets = [0, 128], sizes = [1264, 128], strides = [1, 1]} : vector<1264x384xf32> to vector<1264x128xf32>
    %slice3A_48 = vector.extract_strided_slice %add3A_39 {offsets = [0, 128], sizes = [1264, 128], strides = [1, 1]} : vector<1264x384xf32> to vector<1264x128xf32>
    %add3A_49 = arith.addf %slice3A_47, %slice3A_48 : vector<1264x128xf32>
    %logistic3A_50 = arith.negf %add3A_49 : vector<1264x128xf32>
    %logistic3A_51 = math.exp %logistic3A_50 : vector<1264x128xf32>
    %logistic3A_52 = arith.constant 1.000000e+00 : f32
    %logistic3A_53 = vector.broadcast %logistic3A_52 : f32 to vector<1264x128xf32>
    %logistic3A_54 = arith.addf %logistic3A_53, %logistic3A_51 : vector<1264x128xf32>
    %logistic3A_55 = arith.divf %logistic3A_53, %logistic3A_54 : vector<1264x128xf32>
    %slice3A_56 = vector.extract_strided_slice %add3A_26 {offsets = [0, 256], sizes = [1264, 128], strides = [1, 1]} : vector<1264x384xf32> to vector<1264x128xf32>
    %slice3A_57 = vector.extract_strided_slice %add3A_39 {offsets = [0, 256], sizes = [1264, 128], strides = [1, 1]} : vector<1264x384xf32> to vector<1264x128xf32>
    %mul3A = arith.mulf %logistic3A_46, %slice3A_57 : vector<1264x128xf32>
    %add3A_58 = arith.addf %slice3A_56, %mul3A : vector<1264x128xf32>
    %tanh3A = math.tanh %add3A_58 : vector<1264x128xf32>
    %sub3A = arith.constant 1.000000e+00 : f32
    %sub3A_59 = vector.broadcast %sub3A : f32 to vector<1264x128xf32>
    %sub3A_60 = arith.subf %sub3A_59, %logistic3A_55 : vector<1264x128xf32>
    %mul3A_61 = arith.mulf %sub3A_60, %tanh3A : vector<1264x128xf32>
    %get3A_62 = arith.constant 0 : index
    %get3A_63 = arith.constant 0 : index
    %get3A_64 = vector.load %arg5[%get3A_62, %get3A_63] : memref<1264x128xf32, #tpu.memory_space<vmem>>, vector<1264x128xf32>
    %mul3A_65 = arith.mulf %logistic3A_55, %get3A_64 : vector<1264x128xf32>
    %add3A_66 = arith.addf %mul3A_61, %mul3A_65 : vector<1264x128xf32>
    %swap3A = arith.constant 0 : index
    %swap3A_67 = arith.constant 0 : index
    %swap3A_68 = vector.load %arg11[%swap3A, %swap3A_67] : memref<1264x128xf32, #tpu.memory_space<vmem>>, vector<1264x128xf32>
    tpu.vector_store %arg11[%swap3A, %swap3A_67], %add3A_66 {strides = array<i32>} : memref<1264x128xf32, #tpu.memory_space<vmem>>, vector<1264x128xf32>,
    return
  }
  func.func @transform_0(%arg0: i32) -> (i32, i32) {
    %c0_i32 = arith.constant 0 : i32
    %c0_i32_0 = arith.constant 0 : i32
    return %arg0, %c0_i32 : i32, i32
  }
  func.func @transform_1(%arg0: i32) -> (i32, i32) {
    %add3A = arith.constant 8 : i32
    %add3A_0 = arith.addi %arg0, %add3A : i32
    %c0_i32 = arith.constant 0 : i32
    %c0_i32_1 = arith.constant 0 : i32
    return %add3A_0, %c0_i32 : i32, i32
  }
  func.func @transform_2(%arg0: i32) -> (i32, i32) {
    %c0_i32 = arith.constant 0 : i32
    %c0_i32_0 = arith.constant 0 : i32
    return %arg0, %c0_i32 : i32, i32
  }
  func.func @transform_3(%arg0: i32) -> (i32, i32) {
    %add3A = arith.constant 8 : i32
    %add3A_0 = arith.addi %arg0, %add3A : i32
    %c0_i32 = arith.constant 0 : i32
    %c0_i32_1 = arith.constant 0 : i32
    return %add3A_0, %c0_i32 : i32, i32
  }
  func.func @transform_4(%arg0: i32) -> (i32, i32) {
    %c0_i32 = arith.constant 0 : i32
    %c0_i32_0 = arith.constant 0 : i32
    return %arg0, %c0_i32 : i32, i32
  }
  func.func @transform_5(%arg0: i32) -> (i32, i32) {
    %c0_i32 = arith.constant 0 : i32
    %c0_i32_0 = arith.constant 0 : i32
    %c0_i32_1 = arith.constant 0 : i32
    return %c0_i32, %c0_i32_0 : i32, i32
  }
  func.func @transform_6(%arg0: i32) -> (i32, i32) {
    %c0_i32 = arith.constant 0 : i32
    %c0_i32_0 = arith.constant 0 : i32
    %c0_i32_1 = arith.constant 0 : i32
    return %c0_i32, %c0_i32_0 : i32, i32
  }
  func.func @transform_7(%arg0: i32) -> (i32, i32) {
    %c0_i32 = arith.constant 0 : i32
    %c0_i32_0 = arith.constant 0 : i32
    %c0_i32_1 = arith.constant 0 : i32
    return %c0_i32, %c0_i32_0 : i32, i32
  }
  func.func @transform_8(%arg0: i32) -> (i32, i32) {
    %c0_i32 = arith.constant 0 : i32
    %c0_i32_0 = arith.constant 0 : i32
    %c0_i32_1 = arith.constant 0 : i32
    return %c0_i32, %c0_i32_0 : i32, i32
  }
  func.func @transform_9(%arg0: i32) -> (i32, i32) {
    %c0_i32 = arith.constant 0 : i32
    %c0_i32_0 = arith.constant 0 : i32
    %c0_i32_1 = arith.constant 0 : i32
    return %c0_i32, %c0_i32_0 : i32, i32
  }
  func.func @transform_10(%arg0: i32) -> (i32, i32) {
    %c0_i32 = arith.constant 0 : i32
    %c0_i32_0 = arith.constant 0 : i32
    return %arg0, %c0_i32 : i32, i32
  }
}

</mosaic_0001>

<sc_bundles>
// kernel: kernel.11.cloned.1.call-start
scs
__scs_entry_jumppad:
0x0: {  	(pc) =	sbr.rel $0x88, $3  }
0x1: {  	(tag) =	ssettag $0x0;
	lr =	simm.s32 $0x1  }
0x2: {  	[smem:$0x3F94] =	sst lr;
	_ =	strace $0xD0000000  }
0x3: {  	_ = 	snop  }
0x4: {  	_ = 	snop  }
0x5: {  	_ = 	snop  }
0x6: {  	_ = 	snop  }
0x7: {  	_ = 	snop  }
__scs_overlays_trampoline_lowered:
0x8: {  	[smem:$0x3FA3] =	sst s0  }
0x9: {  	[smem:$0x3FA4] =	sst s1  }
0xa: {  	[smem:$0x3FA5] =	sst s2  }
0xb: {  	[smem:$0x3FA6] =	sst s3  }
0xc: {  	[smem:$0x3FA7] =	sst s4  }
0xd: {  	[smem:$0x3FA8] =	sst s5  }
0xe: {  	[smem:$0x3FA9] =	sst s6  }
0xf: {  	[smem:$0x3FAA] =	sst s7  }
0x10: {  	[smem:$0x3FAB] =	sst s8  }
0x11: {  	[smem:$0x3FAC] =	sst s9;
	s0 =	simm.s32 @!p0 $0x0  }
0x12: {  	s1 =	sld [smem:$0x3F92];
	s0 =	simm.s32 @p0 $0x1  }
0x13: {  	[smem:$0x3FAD] =	sst s0;
	s0 =	simm.s32 @!p1 $0x0  }
0x14: {  	s2 =	sld [smem:$0x3F91];
	s0 =	simm.s32 @p1 $0x1  }
0x15: {  	[smem:$0x3FAE] =	sst s0;
	s0 =	simm.s32 @!p2 $0x0  }
0x16: {  	s3 =	sld [smem:$0x3FDB];
	s0 =	simm.s32 @p2 $0x1  }
0x17: {  	s4 =	simm.s32 $0x1BF5;
	[smem:$0x3FB0] =	sst s0  }
0x18: {  	s0 =	sld [smem:$0x3F93];
	_ =	swait.ge [sflag:s4], $0x0  }
0x19: {  	s7 =	sld [smem:$0x3F94]  }
0x1a: {  	s8 =	sadd.s32 $0xFFFFE003, lr  }
0x1b: {  	s9 =	sadd.s32 $0xFFFFFEF7, lr;
	s5 =	simm.s32 $0xFFFFFFFF;
	p2 =	slt.u32 s8, $0xFFFFF086  }
0x1c: {  	p1 =	slt.u32 s9, $0xF7A;
	s5 =	simm.s32 @!p2 $0x0  }
0x1d: {  	s5 =	simm.s32 @p1 $0x1;
	p0 =	seq.s32 s7, s2  }
0x1e: {  	s7 =	smul.u32 @!p0 $0xF7A, s2;
	p2 =	seq.s32 @!p0 s5, $0x0  }
0x1f: {  	s9 =	smul.u32 $0xF7A, s1;
	s8 =	simm.s32 @!p0 $0x1BF5;
	p2 =	por !p2, p0  }
0x20: {  	[sflag:s8] =	ssyncset.s32 @!p0 $0xFFFFF086;
	s6 =	sadd.s32 @!p0 s3, s7;
	s7 =	simm.s32 @!p0 $0x108  }
0x21: {  	s3 =	sadd.s32 s3, s9;
	s6 =	sadd.s32 @!p0 $0x88, s6;
	s7 =	simm.s32 @p2 $0x1082  }
0x22: {  	[simem:s7], [sflag:s8] =	dma.local @!p0 [hbm:s6], $0xF7A  }
0x23: {  	s9 =	sor.u32 $0xD0000000, s2;
	s6 =	simm.s32 $0x108;
	_ =	swait.ge @!p0 [sflag:s8], $0x0  }
0x24: {  	s3 =	sadd.s32 $0x88, s3;
	s6 =	simm.s32 @!p1 $0x1082;
	[sflag:s4] =	ssyncset.s32 $0xFFFFF086  }
0x25: {  	[simem:s6], [sflag:s4] =	dma.local [hbm:s3], $0xF7A  }
0x26: {  	[smem:$0x3F94] =	sst s1;
	(tag) =	ssettag s2;
	_ =	strace s9  }
0x27: {  	s1 =	sld [smem:$0x3FA4]  }
0x28: {  	s2 =	sld [smem:$0x3FA5]  }
0x29: {  	s4 =	sld [smem:$0x3FA7]  }
0x2a: {  	p0 =	seq.s32 s5, $0x0;
	s5 =	sld [smem:$0x3FA8]  }
0x2b: {  	s6 =	sld [smem:$0x3FA9]  }
0x2c: {  	s7 =	sld [smem:$0x3FAA]  }
0x2d: {  	s3 =	simm.s32 $0x108;
	s8 =	sld [smem:$0x3FAB]  }
0x2e: {  	s3 =	simm.s32 @!p0 $0x1082;
	s9 =	sld [smem:$0x3FAC]  }
0x2f: {  	lr =	sadd.s32 s0, s3;
	s0 =	sld [smem:$0x3FA3]  }
0x30: {  	s3 =	sld [smem:$0x3FA6]  }
0x31: {  	[smem:$0x3FAF] =	sst s10  }
0x32: {  	s10 =	sld [smem:$0x3FAD];
	_ =	sdelay $0x3  }
0x33: {  	p0 =	seq.s32 s10, $0x1;
	s10 =	sld [smem:$0x3FAF];
	_ =	sdelay $0x3  }
0x34: {  	[smem:$0x3FAF] =	sst s10  }
0x35: {  	s10 =	sld [smem:$0x3FAE];
	_ =	sdelay $0x3  }
0x36: {  	p1 =	seq.s32 s10, $0x1;
	s10 =	sld [smem:$0x3FAF];
	_ =	sdelay $0x3  }
0x37: {  	[smem:$0x3FAF] =	sst s10  }
0x38: {  	s10 =	sld [smem:$0x3FB0]  }
0x39: {  	_ = 	snop;
	(pc) =	sbr.ind lr, $3  }
0x3a: {  	_ = 	snop  }
0x3b: {  	_ = 	snop  }
0x3c: {  	p2 =	seq.s32 s10, $0x1;
	s10 =	sld [smem:$0x3FAF]  }
0x3d: {  	_ =	shalt  }
0x3e: {  	_ =	shalt  }
0x3f: {  	_ =	shalt  }
0x40: {  	_ =	shalt  }
0x41: {  	_ =	shalt  }
0x42: {  	_ =	shalt  }
0x43: {  	_ =	shalt  }
0x44: {  	_ =	shalt  }
0x45: {  	_ =	shalt  }
0x46: {  	_ =	shalt  }
0x47: {  	_ =	shalt  }
0x48: {  	_ =	shalt  }
0x49: {  	_ =	shalt  }
0x4a: {  	_ =	shalt  }
0x4b: {  	_ =	shalt  }
0x4c: {  	_ =	shalt  }
0x4d: {  	_ =	shalt  }
0x4e: {  	_ =	shalt  }
0x4f: {  	_ =	shalt  }
0x50: {  	_ =	shalt  }
0x51: {  	_ =	shalt  }
0x52: {  	_ =	shalt  }
0x53: {  	_ =	shalt  }
0x54: {  	_ =	shalt  }
0x55: {  	_ =	shalt  }
0x56: {  	_ =	shalt  }
0x57: {  	_ =	shalt  }
0x58: {  	_ =	shalt  }
0x59: {  	_ =	shalt  }
0x5a: {  	_ =	shalt  }
0x5b: {  	_ =	shalt  }
0x5c: {  	_ =	shalt  }
0x5d: {  	_ =	shalt  }
0x5e: {  	_ =	shalt  }
0x5f: {  	_ =	shalt  }
0x60: {  	_ =	shalt  }
0x61: {  	_ =	shalt  }
0x62: {  	_ =	shalt  }
0x63: {  	_ =	shalt  }
0x64: {  	_ =	shalt  }
0x65: {  	_ =	shalt  }
0x66: {  	_ =	shalt  }
0x67: {  	_ =	shalt  }
0x68: {  	_ =	shalt  }
0x69: {  	_ =	shalt  }
0x6a: {  	_ =	shalt  }
0x6b: {  	_ =	shalt  }
0x6c: {  	_ =	shalt  }
0x6d: {  	_ =	shalt  }
0x6e: {  	_ =	shalt  }
0x6f: {  	_ =	shalt  }
0x70: {  	_ =	shalt  }
0x71: {  	_ =	shalt  }
0x72: {  	_ =	shalt  }
0x73: {  	_ =	shalt  }
0x74: {  	_ =	shalt  }
0x75: {  	_ =	shalt  }
0x76: {  	_ =	shalt  }
0x77: {  	_ =	shalt  }
0x78: {  	_ =	shalt  }
0x79: {  	_ =	shalt  }
0x7a: {  	_ =	shalt  }
0x7b: {  	_ =	shalt  }
0x7c: {  	_ =	shalt  }
0x7d: {  	_ =	shalt  }
0x7e: {  	_ =	shalt  }
0x7f: {  	_ =	shalt  }
0x80: {  	_ =	shalt  }
0x81: {  	_ =	shalt  }
0x82: {  	_ =	shalt  }
0x83: {  	_ =	shalt  }
0x84: {  	_ =	shalt  }
0x85: {  	_ =	shalt  }
0x86: {  	_ =	shalt  }
0x87: {  	_ =	shalt  }
.Lfunc_end0:
.L_simem_size_0:
called_computation_lowered:
.L_overlay_start_0:
0x88: {  	s2 =	sld [smem:$0x3FD9]  }
0x89: {  	s3 =	sld [smem:$0x3FFE];
	_ =	sdelay $0x1  }
0x8a: {  	s1 =	srdreg.scid  }
0x8b: {  	s0 =	sand.u32 $0x1, s1  }
0x8c: {  	s15 =	sshll.u32 s0, $0xA;
	s2 =	sadd.s32 s3, s2  }
0x8d: {  	s2 =	sadd.s32 s2, s15  }
0x8e: {  	[smem:$0x3FBB] =	sst s2  }
0x8f: {  	_ = 	snop  }
0x90: {  	s2 =	sld [smem:$0x3FD0];
	_ =	sdelay $0x2  }
0x91: {  	s16 =	simm.s32 $0xB;
	s4 =	simm.s32 $0x10  }
0x92: {  	[smem:s4], [sflag:s16] =	dma.local [hbm:s2], $0x1  }
0x93: {  	_ =	swait.eq [sflag:s16], $0x1  }
0x94: {  	[sflag:s16] =	ssyncset.done $0x0  }
0x95: {  	[sflag:s16] =	ssyncadd.s32 $0xFFFFFFFF  }
0x96: {  	s17 =	sld [smem:$0x10];
	(tm) =	ssettm $0x1  }
0x97: {  	s18 =	sld [smem:$0x3FFB];
	_ =	sdelay $0x3  }
0x98: {  	_ =	strace s18  }
0x99: {  	s2 =	sld [smem:$0x3FFC];
	_ =	sdelay $0x3  }
0x9a: {  	_ =	strace s2  }
0x9b: {  	s2 =	sld [smem:$0x3FFD];
	_ =	sdelay $0x3  }
0x9c: {  	_ =	strace s2  }
0x9d: {  	_ =	strace $0x8FFFFFFF  }
0x9e: {  	s19 =	sld [smem:$0x3FDB];
	_ =	sdelay $0x1  }
0x9f: {  	s20 =	simm.s32 $_scs_section_size  }
0xa0: {  	s5 =	simm.s32 $_size__tile_overlayer_lowered;
	s6 =	simm.s32 $_tile_overlayer_lowered  }
0xa1: {  	s7 =	simm.s32 $0x1BFF;
	s21 =	sshll.u32 s6, $0x1;
	s4 =	sadd.s32 s20, s19  }
0xa2: {  	s22 =	simm.s32 $0x0;
	s5 =	sshll.u32 s5, $0x1;
	s6 =	sadd.s32 s21, s4  }
0xa3: {  	[timem:s22], [sflag:s7] =	dma.local [hbm:s6], s5  }
0xa4: {  	_ =	swait.ge [sflag:s7], s5  }
0xa5: {  	s5 =	ssub.s32 $0x0, s5;
	[sflag:s7] =	ssyncset.done $0x0  }
0xa6: {  	[sflag:s7] =	ssyncadd.s32 s5;
	_ =	sdelay $0x1  }
0xa7: {  	s23 =	simm.s32 $0x1B8B  }
0xa8: {  	_ =	swait.ge [sflag:s23], $0x1  }
0xa9: {  	[sflag:s23] =	ssyncset.done $0x0  }
0xaa: {  	[sflag:s23] =	ssyncadd.s32 $0xFFFFFFFF  }
0xab: {  	s5 =	sld [smem:$0x0]  }
0xac: {  	s6 =	sand.u32 $0xFFFFFFFE, s1  }
0xad: {  	p0 =	sne.s32 s1, s6  }
0xae: {  	s6 =	sshll.u32 @p0 s6, $0xE  }
0xaf: {  	s6 =	sadd.s32 @p0 $0x11B8D, s6;
	s7 =	sshll.u32 @p0 s5, $0x11  }
0xb0: {  	s6 =	sor.u32 @p0 s7, s6  }
0xb1: {  	[sflag:s6] =	ssyncadd.remote.s32 @p0 $0x1;
	_ =	sdelay $0x1  }
0xb2: {  	s6 =	simm.s32 @p0 $0x1B8D  }
0xb3: {  	_ =	swait.eq @p0 [sflag:s6], $0x1  }
0xb4: {  	[sflag:s6] =	ssyncadd.s32 @p0 $0xFFFFFFFF  }
0xb5: {  	s7 =	sshll.u32 @!p0 s1, $0xE  }
0xb6: {  	s7 =	sor.u32 @!p0 $0x4000, s7;
	s6 =	simm.s32 @!p0 $0x1B8D  }
0xb7: {  	s5 =	sshll.u32 @!p0 s5, $0x11;
	s7 =	sadd.s32 @!p0 $0x11B8D, s7;
	_ =	swait.eq @!p0 [sflag:s6], $0x1  }
0xb8: {  	s5 =	sor.u32 @!p0 s5, s7;
	[sflag:s6] =	ssyncadd.s32 @!p0 $0xFFFFFFFF  }
0xb9: {  	s25 =	simm.s32 $0x1B8E;
	s24 =	sld [smem:$0x3FFE];
	[sflag:s5] =	ssyncadd.remote.s32 @!p0 $0x1  }
0xba: {  	s26 =	simm.s32 $execute0_lowered;
	[smem:$0x3FD2] =	sst s25  }
0xbb: {  	s6 =	sshll.u32 s26, $0x1;
	_ =	strace $0x80000049;
	[dreg:$0x1] =	wrdreg $0xFFFFFFFF  }
0xbc: {  	s28 =	simm.s32 $_size_execute0_lowered;
	s4 =	sadd.s32 s4, s6;
	[dreg:$0x0] =	wrdreg $0x0  }
0xbd: {  	s6 =	sshll.u32 s28, $0x1;
	[dreg:$0x2] =	wrdreg s4  }
0xbe: {  	[dreg:$0x3] =	wrdreg s6  }
0xbf: {  	[dreg:$0x4] =	wrdreg $0xC0  }
0xc0: {  	_ =	task [dreg:s22], $0x5FFFF  }
0xc1: {  	[dreg:$0x1] =	wrdreg $0xFFFFFFFF  }
0xc2: {  	[dreg:$0x0] =	wrdreg $0x60  }
0xc3: {  	[dreg:$0x2] =	wrdreg s17  }
0xc4: {  	[dreg:$0x3] =	wrdreg s24  }
0xc5: {  	[dreg:$0x4] =	wrdreg $0xB1000  }
0xc6: {  	[dreg:$0x5] =	wrdreg $0x9  }
0xc7: {  	_ =	task.clear_ibuf [dreg:s22], $0x6FFFF;
	_ =	strace $0x90000049  }
0xc8: {  	s29 =	simm.s32 $0x9;
	_ =	strace $0x8000004B  }
0xc9: {  	_ =	swait.ge [sflag:s29], $0x1  }
0xca: {  	[sflag:s29] =	ssyncadd.s32 $0xFFFFFFFF  }
0xcb: {  	_ =	strace $0x9000004B  }
0xcc: {  	_ =	sfence  }
0xcd: {  	s30 =	sld [smem:$0x0];
	_ =	sdelay $0x2  }
0xce: {  	s31 =	sshll.u32 s1, $0xD;
	s1 =	sshrl.u32 s1, $0x2  }
0xcf: {  	s4 =	sand.u32 $0x4000, s31;
	s1 =	sadd.s32 s1, s30  }
0xd0: {  	s0 =	sor.u32 s4, s0;
	s1 =	sshll.u32 s1, $0x11  }
0xd1: {  	s0 =	sor.u32 s1, s0  }
0xd2: {  	s0 =	sadd.s32 $0x8F2B, s0  }
0xd3: {  	[sflag:s0] =	ssyncadd.remote.s32 $0x1  }
0xd4: {  	_ =	sfence.sel $0xFFFF  }
0xd5: {  	[dreg:$0x0] =	wrdreg $0xFFFFFFFF;
	(pc) =	sbr.abs _section_cstart, $3  }
0xd6: {  	[dreg:$0x1] =	wrdreg $0xFFFFFFFF  }
0xd7: {  	_ =	task.clear_ibuf [dreg:s22], $0x2FFFF;
	_ =	strace $0x9FFFFFFF  }
0xd8: {  	(tm) =	ssettm $0x7FFFFFFF  }
0xd9: {  	_ =	shalt  }
tec
execute0_lowered:
.L_overlay_start_1:
0x0: {  	(tag) =	ssettag $0x1  }
0x1: {  	s1 =	rddreg [dreg:$0x0];
	s0 =	srdreg.scid  }
0x2: {  	s16 =	stileid.u32;
	s2 =	rddreg [dreg:$0x1]  }
0x3: {  	s3 =	rddreg [dreg:$0x2];
	s15 =	simm.s32 $0x7;
	s28 =	simm.s32 $0x6  }
0x4: {  	s29 =	simm.s32 $0x4;
	s30 =	simm.s32 $0x2880;
	s6 =	smul.u32 $0x2780, s16  }
0x5: {  	s31 =	simm.s32 $0x10;
	s0 =	sand.u32 $0x1, s0;
	s11 =	smul.u32 $0x4F000, s16  }
0x6: {  	s4 =	sshll.u32 s16, $0x1;
	s12 =	smul.u32 $0x4E20, s16;
	s26 =	sshll.u32 s16, $0x6  }
0x7: {  	s5 =	sor.u32 s0, s4;
	s4 =	simm.s32 $0x0;
	s8 =	smul.u32 $0x27800, s0  }
0x8: {  	s18 =	ssub.s32 $0x2, s0;
	s0 =	smul.u32 $0x2710, s0;
	s16 =	sor.u32 $0x1C07, s26  }
0x9: {  	s26 =	simm.s32 $0x2;
	s5 =	smul.u32 $0x2710, s5;
	[smem:$0x7FF] =	sst s4  }
0xa: {  	s10 =	sadd.s32 s6, s2;
	s19 =	sshrl.u32 s18, $0x1;
	s20 =	sshrl.u32 s11, $0x2  }
0xb: {  	_ =	strace $0x8000004A;
	s6 =	sadd.s32 s6, s8;
	s8 =	sadd.s32 s20, s3  }
0xc: {  	s21 =	sadd.s32 $0x21800, s10;
	s0 =	sadd.s32 s0, s12;
	s20 =	simm.s32 $0x2780  }
0xd: {  	s7 =	sshrl.u32 s5, $0x3;
	s5 =	sadd.s32 $0x3600, s2;
	[dreg:$0x5] =	wrdreg s21  }
0xe: {  	s24 =	sadd.s32 $0x180, s0;
	s13 =	sadd.s32 $0x100, s0;
	s17 =	sshrl.u32 s8, $0x3  }
0xf: {  	s21 =	simm.s32 $0x6900;
	s0 =	simm.s32 $0xA900;
	s9 =	sadd.s32 s7, s2  }
0x10: {  	s2 =	sadd.s32 s6, s2;
	s6 =	ssub.s32 s18, s19;
	s7 =	sadd.s32 s5, s7  }
0x11: {  	s25 =	sshrl.u32 s24, $0x3;
	s18 =	simm.s32 $0x80;
	s9 =	sadd.s32 $0xD400, s9  }
0x12: {  	s19 =	simm.s32 $0x2900;
	s22 =	sadd.s32 $0x4E0, s7;
	[dreg:$0x4] =	wrdreg s9  }
0x13: {  	s24 =	simm.s32 $0x5;
	s2 =	sadd.s32 $0x98000, s2;
	[dreg:$0x6] =	wrdreg s22  }
0x14: {  	s23 =	smax.u32 s6, $0x1;
	s12 =	sadd.s32 $0x10, s7;
	[dreg:$0x7] =	wrdreg s2  }
0x15: {  	s14 =	sadd.s32 s25, s5;
	s25 =	simm.s32 $0x3;
	[dreg:$0x8] =	wrdreg s23  }
0x16: {  	s22 =	simm.s32 $0x2800;
	s23 =	simm.s32 $0x1;
	s2 =	simm.s32 $0x0  }
.LBB2_1:
0x17: {  	s6 =	rddreg [dreg:$0x4]  }
0x18: {  	[tilespmem:s4], [sflag:$0x7] =	stream.linear.gather [hbm4b:s6+s4], $0x2710, $0x38;
	[tilespmem:$0x1ED00] =	vst v63  }
0x19: {  	_ =	swait.ge [sflag:s15], $0x2710  }
0x1a: {  	[sflag:s15] =	ssyncset.done $0x0  }
0x1b: {  	s10 =	rddreg [dreg:$0x5];
	[sflag:s15] =	ssyncadd.s32 $0xFFFFD8F0  }
0x1c: {  	[spmem:s17], [sflag:s16] =	dma.local [hbm:s10], $0x2780  }
0x1d: {  	_ =	swait.ge [sflag:s15], $0x2780  }
0x1e: {  	[sflag:s15] =	ssyncset.done $0x0  }
0x1f: {  	[sflag:s15] =	ssyncadd.s32 $0xFFFFD880  }
0x20: {  	[bflag:$0x0] =	sbarrier.arrive $0xFFFF  }
0x21: {  	[tilespmem:s19], [sflag:$0x1] =	stream.indirect.gather [hbm4b:s1+s18], $0x80, s4, s18, $0xb8;
	[tilespmem:$0x1ED00] =	vst v63  }
0x22: {  	_ = 	snop  }
0x23: {  	[tilespmem:s20], [sflag:$0x5] =	stream.linear.gather [hbm4b:s7+s4], $0x80, $0x38;
	[tilespmem:$0x1ED00] =	vst v63  }
0x24: {  	_ = 	snop  }
0x25: {  	[tilespmem:s21], [sflag:$0x2] =	stream.indirect.gather [hbm4b:s1+s18], $0x80, s18, s18, $0xb8;
	[tilespmem:$0x1ED00] =	vst v63  }
0x26: {  	_ = 	snop  }
0x27: {  	[tilespmem:s22], [sflag:$0x6] =	stream.linear.gather [hbm4b:s12+s4], $0x80, $0x38;
	[tilespmem:$0x1ED00] =	vst v63  }
0x28: {  	_ =	swait.ge [sflag:s23], $0x4000  }
0x29: {  	[sflag:s23] =	ssyncset.done $0x0  }
0x2a: {  	[sflag:s23] =	ssyncadd.s32 $0xFFFFC000  }
0x2b: {  	_ =	swait.ge [sflag:s24], $0x80  }
0x2c: {  	[sflag:s24] =	ssyncset.done $0x0  }
0x2d: {  	[sflag:s24] =	ssyncadd.s32 $0xFFFFFF80  }
0x2e: {  	[spmem:s3] =	stream.indirect.scatter.add.f32 [tilespmem:s19], [sflag:$0x3], $0x80, s20, s18, $0xb8;
	[tilespmem:$0x1ED00] =	vst v63  }
0x2f: {  	_ =	swait.ge [sflag:s25], $0x4000  }
0x30: {  	[sflag:s25] =	ssyncset.done $0x0  }
0x31: {  	s11 =	simm.s32 $0x100;
	s8 =	sshrl.u32 s13, $0x3;
	[sflag:s25] =	ssyncadd.s32 $0xFFFFC000  }
0x32: {  	[tilespmem:s19], [sflag:$0x1] =	stream.indirect.gather [hbm4b:s1+s18], $0x80, s11, s18, $0xb8;
	[tilespmem:$0x1ED00] =	vst v63  }
0x33: {  	s9 =	sadd.s32 s5, s8  }
0x34: {  	[tilespmem:s20], [sflag:$0x5] =	stream.linear.gather [hbm4b:s9+s4], $0x80, $0x38;
	[tilespmem:$0x1ED00] =	vst v63  }
0x35: {  	_ =	swait.ge [sflag:s26], $0x4000  }
0x36: {  	[sflag:s26] =	ssyncset.done $0x0  }
0x37: {  	[sflag:s26] =	ssyncadd.s32 $0xFFFFC000  }
0x38: {  	_ =	swait.ge [sflag:s28], $0x80  }
0x39: {  	[sflag:s28] =	ssyncset.done $0x0  }
0x3a: {  	[sflag:s28] =	ssyncadd.s32 $0xFFFFFF80  }
0x3b: {  	[spmem:s3] =	stream.indirect.scatter.add.f32 [tilespmem:s21], [sflag:$0x4], $0x80, s22, s18, $0xb8;
	[tilespmem:$0x1ED00] =	vst v63  }
0x3c: {  	_ =	swait.ge [sflag:s29], $0x4000  }
0x3d: {  	[sflag:s29] =	ssyncset.done $0x0  }
0x3e: {  	s10 =	simm.s32 $0x180;
	[sflag:s29] =	ssyncadd.s32 $0xFFFFC000  }
0x3f: {  	[tilespmem:s21], [sflag:$0x2] =	stream.indirect.gather [hbm4b:s1+s18], $0x80, s10, s18, $0xb8;
	[tilespmem:$0x1ED00] =	vst v63  }
0x40: {  	s11 =	sadd.s32 $0x0, s14  }
0x41: {  	[tilespmem:s22], [sflag:$0x6] =	stream.linear.gather [hbm4b:s11+s4], $0x80, $0x38;
	[tilespmem:$0x1ED00] =	vst v63  }
0x42: {  	_ =	swait.ge [sflag:s23], $0x4000  }
0x43: {  	[sflag:s23] =	ssyncset.done $0x0  }
0x44: {  	[sflag:s23] =	ssyncadd.s32 $0xFFFFC000  }
0x45: {  	_ =	swait.ge [sflag:s24], $0x80  }
0x46: {  	s6 =	simm.s32 $0x20;
	[sflag:s24] =	ssyncset.done $0x0  }
0x47: {  	s8 =	simm.s32 $0x200;
	s9 =	sadd.s32 $0x100, s13;
	[sflag:s24] =	ssyncadd.s32 $0xFFFFFF80  }
.LBB2_2:
0x48: {  	[spmem:s3] =	stream.indirect.scatter.add.f32 [tilespmem:s19], [sflag:$0x3], $0x80, s20, s18, $0xb8;
	[tilespmem:$0x1ED00] =	vst v63  }
0x49: {  	s10 =	smov.u32 s6  }
0x4a: {  	p0 =	sne.s32 s6, $0x4A0;
	s6 =	sadd.s32 $0x20, s6;
	_ =	swait.ge [sflag:s25], $0x4000  }
0x4b: {  	[sflag:s25] =	ssyncset.done $0x0  }
0x4c: {  	s11 =	sshrl.u32 s9, $0x3;
	[sflag:s25] =	ssyncadd.s32 $0xFFFFC000  }
0x4d: {  	[tilespmem:s19], [sflag:$0x1] =	stream.indirect.gather [hbm4b:s1+s18], $0x80, s8, s18, $0xb8;
	[tilespmem:$0x1ED00] =	vst v63  }
0x4e: {  	s11 =	sadd.s32 s5, s11  }
0x4f: {  	[tilespmem:s20], [sflag:$0x5] =	stream.linear.gather [hbm4b:s11+s4], $0x80, $0x38;
	[tilespmem:$0x1ED00] =	vst v63  }
0x50: {  	_ =	swait.ge [sflag:s26], $0x4000  }
0x51: {  	[sflag:s26] =	ssyncset.done $0x0  }
0x52: {  	[sflag:s26] =	ssyncadd.s32 $0xFFFFC000  }
0x53: {  	_ =	swait.ge [sflag:s28], $0x80  }
0x54: {  	[sflag:s28] =	ssyncset.done $0x0  }
0x55: {  	[sflag:s28] =	ssyncadd.s32 $0xFFFFFF80  }
0x56: {  	[spmem:s3] =	stream.indirect.scatter.add.f32 [tilespmem:s21], [sflag:$0x4], $0x80, s22, s18, $0xb8;
	[tilespmem:$0x1ED00] =	vst v63  }
0x57: {  	_ =	swait.ge [sflag:s29], $0x4000  }
0x58: {  	[sflag:s29] =	ssyncset.done $0x0  }
0x59: {  	s11 =	sadd.s32 $0x80, s8;
	[sflag:s29] =	ssyncadd.s32 $0xFFFFC000  }
0x5a: {  	[tilespmem:s21], [sflag:$0x2] =	stream.indirect.gather [hbm4b:s1+s18], $0x80, s11, s18, $0xb8;
	[tilespmem:$0x1ED00] =	vst v63  }
0x5b: {  	s10 =	sadd.s32 s10, s14  }
0x5c: {  	[tilespmem:s22], [sflag:$0x6] =	stream.linear.gather [hbm4b:s10+s4], $0x80, $0x38;
	[tilespmem:$0x1ED00] =	vst v63  }
0x5d: {  	_ =	swait.ge [sflag:s23], $0x4000  }
.Ltmp0:
0x5e: {  	[sflag:s23] =	ssyncset.done $0x0;
	(pc) =	sbr.rel @p0 .LBB2_2-.Ltmp0, $4  }
0x5f: {  	[sflag:s23] =	ssyncadd.s32 $0xFFFFC000  }
0x60: {  	_ =	swait.ge [sflag:s24], $0x80  }
0x61: {  	[sflag:s24] =	ssyncset.done $0x0  }
0x62: {  	s9 =	sadd.s32 $0x100, s9;
	s8 =	sadd.s32 $0x100, s8;
	[sflag:s24] =	ssyncadd.s32 $0xFFFFFF80  }
0x63: {  	[spmem:s3] =	stream.indirect.scatter.add.f32 [tilespmem:s19], [sflag:$0x3], $0x80, s20, s18, $0xb8;
	[tilespmem:$0x1ED00] =	vst v63  }
0x64: {  	_ =	swait.ge [sflag:s26], $0x4000  }
0x65: {  	[sflag:s26] =	ssyncset.done $0x0  }
0x66: {  	[sflag:s26] =	ssyncadd.s32 $0xFFFFC000  }
0x67: {  	_ =	swait.ge [sflag:s28], $0x80  }
0x68: {  	[sflag:s28] =	ssyncset.done $0x0  }
0x69: {  	[sflag:s28] =	ssyncadd.s32 $0xFFFFFF80  }
0x6a: {  	[spmem:s3] =	stream.indirect.scatter.add.f32 [tilespmem:s21], [sflag:$0x4], $0x80, s22, s18, $0xb8;
	[tilespmem:$0x1ED00] =	vst v63  }
0x6b: {  	_ =	swait.ge [sflag:s25], $0x4000  }
0x6c: {  	[sflag:s25] =	ssyncset.done $0x0  }
0x6d: {  	[sflag:s25] =	ssyncadd.s32 $0xFFFFC000  }
0x6e: {  	_ =	swait.ge [sflag:s29], $0x4000  }
0x6f: {  	[sflag:s29] =	ssyncset.done $0x0  }
0x70: {  	s6 =	rddreg [dreg:$0x6];
	[sflag:s29] =	ssyncadd.s32 $0xFFFFC000  }
0x71: {  	[tilespmem:s30], [sflag:$0x7] =	stream.linear.gather [hbm4b:s6+s4], $0x10, $0x38;
	[tilespmem:$0x1ED00] =	vst v63  }
0x72: {  	_ =	swait.ge [sflag:s15], $0x10  }
0x73: {  	[sflag:s15] =	ssyncset.done $0x0  }
0x74: {  	s9 =	simm.s32 $0x2700;
	[sflag:s15] =	ssyncadd.s32 $0xFFFFFFF0  }
0x75: {  	[tilespmem:s0], [sflag:$0x1] =	stream.indirect.gather [hbm4b:s1+s31], $0x80, s9, s31, $0xb8;
	[tilespmem:$0x1ED00] =	vst v63  }
0x76: {  	_ =	swait.ge [sflag:s23], $0x800  }
0x77: {  	[sflag:s23] =	ssyncset.done $0x0  }
0x78: {  	[sflag:s23] =	ssyncadd.s32 $0xFFFFF800  }
0x79: {  	[spmem:s3] =	stream.indirect.scatter.add.f32 [tilespmem:s0], [sflag:$0x3], $0x80, s30, s31, $0xb8;
	[tilespmem:$0x1ED00] =	vst v63  }
0x7a: {  	_ =	swait.ge [sflag:s25], $0x800  }
0x7b: {  	[sflag:s25] =	ssyncset.done $0x0  }
0x7c: {  	[sflag:s25] =	ssyncadd.s32 $0xFFFFF800  }
0x7d: {  	[bflag:$0x0] =	sbarrier.arrive $0xFFFF  }
0x7e: {  	s10 =	rddreg [dreg:$0x7]  }
0x7f: {  	[hbm:s10], [sflag:s16] =	dma.local [spmem:s17], $0x2780  }
0x80: {  	_ =	swait.ge [sflag:s15], $0x2780  }
0x81: {  	s2 =	sadd.s32 $0x1, s2;
	s11 =	rddreg [dreg:$0x8]  }
0x82: {  	p0 =	sne.s32 s2, s11  }
.Ltmp1:
0x83: {  	_ = 	snop;
	(pc) =	sbr.rel @p0 .LBB2_1-.Ltmp1, $3  }
0x84: {  	_ =	sdelay $0x1  }
0x85: {  	[sflag:s15] =	ssyncset.done $0x0  }
0x86: {  	[sflag:s15] =	ssyncadd.s32 $0xFFFFD880  }
0x87: {  	_ =	sfence.sel $0x180000  }
0x88: {  	[bflag:$0x0] =	sbarrier.arrive $0xFFFF  }
0x89: {  	_ =	strace $0x9000004A  }
0x8a: {  	s0 =	stileid.u32;
	[bflag:$0x2] =	sbarrier.arrive $0xFFFF  }
0x8b: {  	p0 =	sne.s32 s0, $0x0;
	s0 =	rddreg [dreg:$0x3]  }
0x8c: {  	s0 =	sadd.s32 @!p0 $0x100000, s0  }
0x8d: {  	[sflag:s0] =	ssyncadd.tile.s32 @!p0 $0x1;
	_ =	shalt  }
.Lfunc_end2:
_tile_overlayer_lowered:
.L_overlay_start_2:
0x8e: {  	(tag) =	ssettag $0x2  }
0x8f: {  	s0 =	rddreg [dreg:$0x0];
	s2 =	stileid.u32  }
0x90: {  	s1 =	rddreg [dreg:$0x1];
	p0 =	sne.s32 s2, $0x0  }
0x91: {  	s3 =	rddreg [dreg:$0x2];
	[bflag:$0x3] =	sbarrier.arrive $0xFFFF;
	s2 =	simm.s32 @!p0 $0x1C07  }
0x92: {  	[timem:s3], [sflag:s2] =	dma.local @!p0 [hbm:s0], s1  }
0x93: {  	s0 =	simm.s32 @!p0 $0x7  }
0x94: {  	_ =	swait.ge @!p0 [sflag:s0], s1  }
0x95: {  	s1 =	ssub.s32 @!p0 $0x0, s1;
	[sflag:s0] =	ssyncset.done @!p0 $0x0  }
0x96: {  	[sflag:s0] =	ssyncadd.s32 @!p0 s1  }
0x97: {  	[bflag:$0x3] =	sbarrier.arrive $0xFFFF  }
0x98: {  	_ =	shalt  }

// kernel: kernel.14.cloned.1.call-start
scs
__scs_entry_jumppad:
0x0: {  	(pc) =	sbr.rel $0x88, $3  }
0x1: {  	(tag) =	ssettag $0x0;
	lr =	simm.s32 $0x1  }
0x2: {  	[smem:$0x3F94] =	sst lr;
	_ =	strace $0xD0000000  }
0x3: {  	_ = 	snop  }
0x4: {  	_ = 	snop  }
0x5: {  	_ = 	snop  }
0x6: {  	_ = 	snop  }
0x7: {  	_ = 	snop  }
__scs_overlays_trampoline_lowered:
0x8: {  	[smem:$0x3FA3] =	sst s0  }
0x9: {  	[smem:$0x3FA4] =	sst s1  }
0xa: {  	[smem:$0x3FA5] =	sst s2  }
0xb: {  	[smem:$0x3FA6] =	sst s3  }
0xc: {  	[smem:$0x3FA7] =	sst s4  }
0xd: {  	[smem:$0x3FA8] =	sst s5  }
0xe: {  	[smem:$0x3FA9] =	sst s6  }
0xf: {  	[smem:$0x3FAA] =	sst s7  }
0x10: {  	[smem:$0x3FAB] =	sst s8  }
0x11: {  	[smem:$0x3FAC] =	sst s9;
	s0 =	simm.s32 @!p0 $0x0  }
0x12: {  	s1 =	sld [smem:$0x3F92];
	s0 =	simm.s32 @p0 $0x1  }
0x13: {  	[smem:$0x3FAD] =	sst s0;
	s0 =	simm.s32 @!p1 $0x0  }
0x14: {  	s2 =	sld [smem:$0x3F91];
	s0 =	simm.s32 @p1 $0x1  }
0x15: {  	[smem:$0x3FAE] =	sst s0;
	s0 =	simm.s32 @!p2 $0x0  }
0x16: {  	s3 =	sld [smem:$0x3FDB];
	s0 =	simm.s32 @p2 $0x1  }
0x17: {  	s4 =	simm.s32 $0x1BF5;
	[smem:$0x3FB0] =	sst s0  }
0x18: {  	s0 =	sld [smem:$0x3F93];
	_ =	swait.ge [sflag:s4], $0x0  }
0x19: {  	s7 =	sld [smem:$0x3F94]  }
0x1a: {  	s8 =	sadd.s32 $0xFFFFE003, lr  }
0x1b: {  	s9 =	sadd.s32 $0xFFFFFEF7, lr;
	s5 =	simm.s32 $0xFFFFFFFF;
	p2 =	slt.u32 s8, $0xFFFFF086  }
0x1c: {  	p1 =	slt.u32 s9, $0xF7A;
	s5 =	simm.s32 @!p2 $0x0  }
0x1d: {  	s5 =	simm.s32 @p1 $0x1;
	p0 =	seq.s32 s7, s2  }
0x1e: {  	s7 =	smul.u32 @!p0 $0xF7A, s2;
	p2 =	seq.s32 @!p0 s5, $0x0  }
0x1f: {  	s9 =	smul.u32 $0xF7A, s1;
	s8 =	simm.s32 @!p0 $0x1BF5;
	p2 =	por !p2, p0  }
0x20: {  	[sflag:s8] =	ssyncset.s32 @!p0 $0xFFFFF086;
	s6 =	sadd.s32 @!p0 s3, s7;
	s7 =	simm.s32 @!p0 $0x108  }
0x21: {  	s3 =	sadd.s32 s3, s9;
	s6 =	sadd.s32 @!p0 $0x88, s6;
	s7 =	simm.s32 @p2 $0x1082  }
0x22: {  	[simem:s7], [sflag:s8] =	dma.local @!p0 [hbm:s6], $0xF7A  }
0x23: {  	s9 =	sor.u32 $0xD0000000, s2;
	s6 =	simm.s32 $0x108;
	_ =	swait.ge @!p0 [sflag:s8], $0x0  }
0x24: {  	s3 =	sadd.s32 $0x88, s3;
	s6 =	simm.s32 @!p1 $0x1082;
	[sflag:s4] =	ssyncset.s32 $0xFFFFF086  }
0x25: {  	[simem:s6], [sflag:s4] =	dma.local [hbm:s3], $0xF7A  }
0x26: {  	[smem:$0x3F94] =	sst s1;
	(tag) =	ssettag s2;
	_ =	strace s9  }
0x27: {  	s1 =	sld [smem:$0x3FA4]  }
0x28: {  	s2 =	sld [smem:$0x3FA5]  }
0x29: {  	s4 =	sld [smem:$0x3FA7]  }
0x2a: {  	p0 =	seq.s32 s5, $0x0;
	s5 =	sld [smem:$0x3FA8]  }
0x2b: {  	s6 =	sld [smem:$0x3FA9]  }
0x2c: {  	s7 =	sld [smem:$0x3FAA]  }
0x2d: {  	s3 =	simm.s32 $0x108;
	s8 =	sld [smem:$0x3FAB]  }
0x2e: {  	s3 =	simm.s32 @!p0 $0x1082;
	s9 =	sld [smem:$0x3FAC]  }
0x2f: {  	lr =	sadd.s32 s0, s3;
	s0 =	sld [smem:$0x3FA3]  }
0x30: {  	s3 =	sld [smem:$0x3FA6]  }
0x31: {  	[smem:$0x3FAF] =	sst s10  }
0x32: {  	s10 =	sld [smem:$0x3FAD];
	_ =	sdelay $0x3  }
0x33: {  	p0 =	seq.s32 s10, $0x1;
	s10 =	sld [smem:$0x3FAF];
	_ =	sdelay $0x3  }
0x34: {  	[smem:$0x3FAF] =	sst s10  }
0x35: {  	s10 =	sld [smem:$0x3FAE];
	_ =	sdelay $0x3  }
0x36: {  	p1 =	seq.s32 s10, $0x1;
	s10 =	sld [smem:$0x3FAF];
	_ =	sdelay $0x3  }
0x37: {  	[smem:$0x3FAF] =	sst s10  }
0x38: {  	s10 =	sld [smem:$0x3FB0]  }
0x39: {  	_ = 	snop;
	(pc) =	sbr.ind lr, $3  }
0x3a: {  	_ = 	snop  }
0x3b: {  	_ = 	snop  }
0x3c: {  	p2 =	seq.s32 s10, $0x1;
	s10 =	sld [smem:$0x3FAF]  }
0x3d: {  	_ =	shalt  }
0x3e: {  	_ =	shalt  }
0x3f: {  	_ =	shalt  }
0x40: {  	_ =	shalt  }
0x41: {  	_ =	shalt  }
0x42: {  	_ =	shalt  }
0x43: {  	_ =	shalt  }
0x44: {  	_ =	shalt  }
0x45: {  	_ =	shalt  }
0x46: {  	_ =	shalt  }
0x47: {  	_ =	shalt  }
0x48: {  	_ =	shalt  }
0x49: {  	_ =	shalt  }
0x4a: {  	_ =	shalt  }
0x4b: {  	_ =	shalt  }
0x4c: {  	_ =	shalt  }
0x4d: {  	_ =	shalt  }
0x4e: {  	_ =	shalt  }
0x4f: {  	_ =	shalt  }
0x50: {  	_ =	shalt  }
0x51: {  	_ =	shalt  }
0x52: {  	_ =	shalt  }
0x53: {  	_ =	shalt  }
0x54: {  	_ =	shalt  }
0x55: {  	_ =	shalt  }
0x56: {  	_ =	shalt  }
0x57: {  	_ =	shalt  }
0x58: {  	_ =	shalt  }
0x59: {  	_ =	shalt  }
0x5a: {  	_ =	shalt  }
0x5b: {  	_ =	shalt  }
0x5c: {  	_ =	shalt  }
0x5d: {  	_ =	shalt  }
0x5e: {  	_ =	shalt  }
0x5f: {  	_ =	shalt  }
0x60: {  	_ =	shalt  }
0x61: {  	_ =	shalt  }
0x62: {  	_ =	shalt  }
0x63: {  	_ =	shalt  }
0x64: {  	_ =	shalt  }
0x65: {  	_ =	shalt  }
0x66: {  	_ =	shalt  }
0x67: {  	_ =	shalt  }
0x68: {  	_ =	shalt  }
0x69: {  	_ =	shalt  }
0x6a: {  	_ =	shalt  }
0x6b: {  	_ =	shalt  }
0x6c: {  	_ =	shalt  }
0x6d: {  	_ =	shalt  }
0x6e: {  	_ =	shalt  }
0x6f: {  	_ =	shalt  }
0x70: {  	_ =	shalt  }
0x71: {  	_ =	shalt  }
0x72: {  	_ =	shalt  }
0x73: {  	_ =	shalt  }
0x74: {  	_ =	shalt  }
0x75: {  	_ =	shalt  }
0x76: {  	_ =	shalt  }
0x77: {  	_ =	shalt  }
0x78: {  	_ =	shalt  }
0x79: {  	_ =	shalt  }
0x7a: {  	_ =	shalt  }
0x7b: {  	_ =	shalt  }
0x7c: {  	_ =	shalt  }
0x7d: {  	_ =	shalt  }
0x7e: {  	_ =	shalt  }
0x7f: {  	_ =	shalt  }
0x80: {  	_ =	shalt  }
0x81: {  	_ =	shalt  }
0x82: {  	_ =	shalt  }
0x83: {  	_ =	shalt  }
0x84: {  	_ =	shalt  }
0x85: {  	_ =	shalt  }
0x86: {  	_ =	shalt  }
0x87: {  	_ =	shalt  }
.Lfunc_end0:
.L_simem_size_0:
called_computation.1_lowered:
.L_overlay_start_0:
0x88: {  	s2 =	sld [smem:$0x3FD9]  }
0x89: {  	s3 =	sld [smem:$0x3FFE];
	_ =	sdelay $0x1  }
0x8a: {  	s1 =	srdreg.scid  }
0x8b: {  	s0 =	sand.u32 $0x1, s1  }
0x8c: {  	s16 =	sshll.u32 s0, $0xA;
	s2 =	sadd.s32 s3, s2  }
0x8d: {  	s2 =	sadd.s32 s2, s16  }
0x8e: {  	[smem:$0x3FBB] =	sst s2  }
0x8f: {  	_ = 	snop  }
0x90: {  	(tm) =	ssettm $0x1  }
0x91: {  	s17 =	sld [smem:$0x3FFB];
	_ =	sdelay $0x3  }
0x92: {  	_ =	strace s17  }
0x93: {  	s2 =	sld [smem:$0x3FFC];
	_ =	sdelay $0x3  }
0x94: {  	_ =	strace s2  }
0x95: {  	s2 =	sld [smem:$0x3FFD];
	_ =	sdelay $0x3  }
0x96: {  	_ =	strace s2  }
0x97: {  	_ =	strace $0x8FFFFFFF  }
0x98: {  	s18 =	sld [smem:$0x3FDB];
	_ =	sdelay $0x1  }
0x99: {  	s19 =	simm.s32 $_scs_section_size  }
0x9a: {  	s4 =	simm.s32 $_size__tile_overlayer_lowered;
	s5 =	simm.s32 $_tile_overlayer_lowered  }
0x9b: {  	s22 =	simm.s32 $0x1BFF;
	s21 =	sshll.u32 s5, $0x1;
	s2 =	sadd.s32 s19, s18  }
0x9c: {  	s6 =	simm.s32 $0x0;
	s20 =	sshll.u32 s4, $0x1;
	s4 =	sadd.s32 s21, s2  }
0x9d: {  	[timem:s6], [sflag:s22] =	dma.local [hbm:s4], s20  }
0x9e: {  	_ =	swait.ge [sflag:s22], s20  }
0x9f: {  	s3 =	ssub.s32 $0x0, s20;
	[sflag:s22] =	ssyncset.done $0x0  }
0xa0: {  	[sflag:s22] =	ssyncadd.s32 s3;
	_ =	sdelay $0x1  }
0xa1: {  	s23 =	simm.s32 $0x1B8B  }
0xa2: {  	_ =	swait.ge [sflag:s23], $0x1  }
0xa3: {  	[sflag:s23] =	ssyncset.done $0x0  }
0xa4: {  	s25 =	simm.s32 $0x1B8E;
	s24 =	sld [smem:$0x3FFE];
	[sflag:s23] =	ssyncadd.s32 $0xFFFFFFFF  }
0xa5: {  	s26 =	simm.s32 $execute0_lowered;
	[smem:$0x3FD2] =	sst s25  }
0xa6: {  	s4 =	sshll.u32 s26, $0x1;
	_ =	strace $0x80000046;
	[dreg:$0x1] =	wrdreg $0xFFFFFFFF  }
0xa7: {  	s28 =	simm.s32 $_size_execute0_lowered;
	s2 =	sadd.s32 s2, s4;
	[dreg:$0x0] =	wrdreg $0x0  }
0xa8: {  	s4 =	sshll.u32 s28, $0x1;
	[dreg:$0x2] =	wrdreg s2  }
0xa9: {  	[dreg:$0x3] =	wrdreg s4  }
0xaa: {  	[dreg:$0x4] =	wrdreg $0xC0  }
0xab: {  	_ =	task [dreg:s6], $0x5FFFF  }
0xac: {  	[dreg:$0x1] =	wrdreg $0xFFFFFFFF  }
0xad: {  	[dreg:$0x0] =	wrdreg $0x60  }
0xae: {  	[dreg:$0x2] =	wrdreg s24  }
0xaf: {  	[dreg:$0x3] =	wrdreg $0xB1000  }
0xb0: {  	[dreg:$0x4] =	wrdreg $0xA  }
0xb1: {  	_ =	task.clear_ibuf [dreg:s6], $0x5FFFF;
	_ =	strace $0x90000046  }
0xb2: {  	s29 =	simm.s32 $0xA;
	_ =	strace $0x80000048  }
0xb3: {  	_ =	swait.ge [sflag:s29], $0x1  }
0xb4: {  	[sflag:s29] =	ssyncadd.s32 $0xFFFFFFFF  }
0xb5: {  	_ =	strace $0x90000048  }
0xb6: {  	_ =	sfence  }
0xb7: {  	s30 =	sld [smem:$0x0];
	_ =	sdelay $0x2  }
0xb8: {  	s31 =	sshll.u32 s1, $0xD;
	s1 =	sshrl.u32 s1, $0x2  }
0xb9: {  	s3 =	sand.u32 $0x4000, s31;
	s1 =	sadd.s32 s1, s30  }
0xba: {  	s0 =	sor.u32 s3, s0;
	s1 =	sshll.u32 s1, $0x11  }
0xbb: {  	s0 =	sor.u32 s1, s0  }
0xbc: {  	s0 =	sadd.s32 $0x8F2B, s0  }
0xbd: {  	[sflag:s0] =	ssyncadd.remote.s32 $0x1  }
0xbe: {  	_ =	sfence.sel $0xFFFF  }
0xbf: {  	[dreg:$0x0] =	wrdreg $0xFFFFFFFF;
	(pc) =	sbr.abs _section_cstart, $3  }
0xc0: {  	[dreg:$0x1] =	wrdreg $0xFFFFFFFF  }
0xc1: {  	_ =	task.clear_ibuf [dreg:s6], $0x2FFFF;
	_ =	strace $0x9FFFFFFF  }
0xc2: {  	(tm) =	ssettm $0x7FFFFFFF  }
0xc3: {  	_ =	shalt  }
tec
execute0_lowered:
.L_overlay_start_1:
0x0: {  	(tag) =	ssettag $0x1  }
0x1: {  	s0 =	rddreg [dreg:$0x0];
	s1 =	srdreg.scid  }
0x2: {  	s16 =	stileid.u32;
	s2 =	rddreg [dreg:$0x1]  }
0x3: {  	s3 =	simm.s32 $0x0;
	s15 =	simm.s32 $0x7;
	s18 =	simm.s32 $0x80  }
0x4: {  	s28 =	simm.s32 $0x6;
	s29 =	simm.s32 $0x4;
	s30 =	simm.s32 $0x2880  }
0x5: {  	s31 =	simm.s32 $0x10;
	s1 =	sand.u32 $0x1, s1;
	s6 =	smul.u32 $0x2780, s16  }
0x6: {  	s4 =	sshll.u32 s16, $0x1;
	[smem:$0x7FF] =	sst s3;
	s11 =	smul.u32 $0x4F000, s16  }
0x7: {  	s12 =	smul.u32 $0x4E20, s16;
	s26 =	sshll.u32 s16, $0x6;
	s4 =	sor.u32 s1, s4  }
0x8: {  	_ =	strace $0x80000047;
	s8 =	smul.u32 $0x27800, s1;
	s19 =	ssub.s32 $0x2, s1  }
0x9: {  	s1 =	smul.u32 $0x2710, s1;
	s16 =	sor.u32 $0x1C07, s26;
	s26 =	simm.s32 $0x2  }
0xa: {  	s5 =	smul.u32 $0x2710, s4;
	s4 =	sadd.s32 $0x4F9A00, s0;
	s10 =	sadd.s32 s6, s0  }
0xb: {  	s20 =	sshrl.u32 s19, $0x1;
	s21 =	sshrl.u32 s11, $0x2;
	s6 =	sadd.s32 s6, s8  }
0xc: {  	s8 =	sadd.s32 s21, s2;
	s22 =	sadd.s32 $0x21800, s10;
	s1 =	sadd.s32 s1, s12  }
0xd: {  	s21 =	simm.s32 $0x6900;
	s7 =	sshrl.u32 s5, $0x3;
	s5 =	sadd.s32 $0x3600, s0  }
0xe: {  	[dreg:$0x4] =	wrdreg s22;
	s25 =	sadd.s32 $0x180, s1;
	s13 =	sadd.s32 $0x100, s1  }
0xf: {  	s17 =	sshrl.u32 s8, $0x3;
	s22 =	simm.s32 $0x2800;
	s9 =	sadd.s32 s7, s0  }
0x10: {  	s1 =	simm.s32 $0x0;
	s7 =	sadd.s32 s5, s7;
	s9 =	sadd.s32 $0x17A00, s9  }
0x11: {  	s0 =	sadd.s32 s6, s0;
	s23 =	sadd.s32 $0x4E0, s7;
	[dreg:$0x3] =	wrdreg s9  }
0x12: {  	s6 =	ssub.s32 s19, s20;
	s0 =	sadd.s32 $0x49000, s0;
	[dreg:$0x5] =	wrdreg s23  }
0x13: {  	s19 =	simm.s32 $0x2900;
	s24 =	smax.u32 s6, $0x1;
	[dreg:$0x6] =	wrdreg s0  }
0x14: {  	s20 =	simm.s32 $0x2780;
	s12 =	sadd.s32 $0x10, s7;
	[dreg:$0x7] =	wrdreg s24  }
0x15: {  	s0 =	sshrl.u32 s25, $0x3;
	s23 =	simm.s32 $0x1;
	s24 =	simm.s32 $0x5  }
0x16: {  	s25 =	simm.s32 $0x3;
	s14 =	sadd.s32 s0, s5;
	s0 =	simm.s32 $0xA900  }
.LBB2_1:
0x17: {  	s6 =	rddreg [dreg:$0x3]  }
0x18: {  	[tilespmem:s3], [sflag:$0x7] =	stream.linear.gather [hbm4b:s6+s3], $0x2710, $0x38;
	[tilespmem:$0x1ED00] =	vst v63  }
0x19: {  	_ =	swait.ge [sflag:s15], $0x2710  }
0x1a: {  	[sflag:s15] =	ssyncset.done $0x0  }
0x1b: {  	s10 =	rddreg [dreg:$0x4];
	[sflag:s15] =	ssyncadd.s32 $0xFFFFD8F0  }
0x1c: {  	[spmem:s17], [sflag:s16] =	dma.local [hbm:s10], $0x2780  }
0x1d: {  	_ =	swait.ge [sflag:s15], $0x2780  }
0x1e: {  	[sflag:s15] =	ssyncset.done $0x0  }
0x1f: {  	[sflag:s15] =	ssyncadd.s32 $0xFFFFD880  }
0x20: {  	[bflag:$0x0] =	sbarrier.arrive $0xFFFF  }
0x21: {  	[tilespmem:s19], [sflag:$0x1] =	stream.indirect.gather [hbm4b:s4+s18], $0x80, s3, s18, $0xb8;
	[tilespmem:$0x1ED00] =	vst v63  }
0x22: {  	_ = 	snop  }
0x23: {  	[tilespmem:s20], [sflag:$0x5] =	stream.linear.gather [hbm4b:s7+s3], $0x80, $0x38;
	[tilespmem:$0x1ED00] =	vst v63  }
0x24: {  	_ = 	snop  }
0x25: {  	[tilespmem:s21], [sflag:$0x2] =	stream.indirect.gather [hbm4b:s4+s18], $0x80, s18, s18, $0xb8;
	[tilespmem:$0x1ED00] =	vst v63  }
0x26: {  	_ = 	snop  }
0x27: {  	[tilespmem:s22], [sflag:$0x6] =	stream.linear.gather [hbm4b:s12+s3], $0x80, $0x38;
	[tilespmem:$0x1ED00] =	vst v63  }
0x28: {  	_ =	swait.ge [sflag:s23], $0x4000  }
0x29: {  	[sflag:s23] =	ssyncset.done $0x0  }
0x2a: {  	[sflag:s23] =	ssyncadd.s32 $0xFFFFC000  }
0x2b: {  	_ =	swait.ge [sflag:s24], $0x80  }
0x2c: {  	[sflag:s24] =	ssyncset.done $0x0  }
0x2d: {  	[sflag:s24] =	ssyncadd.s32 $0xFFFFFF80  }
0x2e: {  	[spmem:s2] =	stream.indirect.scatter.add.f32 [tilespmem:s19], [sflag:$0x3], $0x80, s20, s18, $0xb8;
	[tilespmem:$0x1ED00] =	vst v63  }
0x2f: {  	_ =	swait.ge [sflag:s25], $0x4000  }
0x30: {  	[sflag:s25] =	ssyncset.done $0x0  }
0x31: {  	s11 =	simm.s32 $0x100;
	s8 =	sshrl.u32 s13, $0x3;
	[sflag:s25] =	ssyncadd.s32 $0xFFFFC000  }
0x32: {  	[tilespmem:s19], [sflag:$0x1] =	stream.indirect.gather [hbm4b:s4+s18], $0x80, s11, s18, $0xb8;
	[tilespmem:$0x1ED00] =	vst v63  }
0x33: {  	s9 =	sadd.s32 s5, s8  }
0x34: {  	[tilespmem:s20], [sflag:$0x5] =	stream.linear.gather [hbm4b:s9+s3], $0x80, $0x38;
	[tilespmem:$0x1ED00] =	vst v63  }
0x35: {  	_ =	swait.ge [sflag:s26], $0x4000  }
0x36: {  	[sflag:s26] =	ssyncset.done $0x0  }
0x37: {  	[sflag:s26] =	ssyncadd.s32 $0xFFFFC000  }
0x38: {  	_ =	swait.ge [sflag:s28], $0x80  }
0x39: {  	[sflag:s28] =	ssyncset.done $0x0  }
0x3a: {  	[sflag:s28] =	ssyncadd.s32 $0xFFFFFF80  }
0x3b: {  	[spmem:s2] =	stream.indirect.scatter.add.f32 [tilespmem:s21], [sflag:$0x4], $0x80, s22, s18, $0xb8;
	[tilespmem:$0x1ED00] =	vst v63  }
0x3c: {  	_ =	swait.ge [sflag:s29], $0x4000  }
0x3d: {  	[sflag:s29] =	ssyncset.done $0x0  }
0x3e: {  	s10 =	simm.s32 $0x180;
	[sflag:s29] =	ssyncadd.s32 $0xFFFFC000  }
0x3f: {  	[tilespmem:s21], [sflag:$0x2] =	stream.indirect.gather [hbm4b:s4+s18], $0x80, s10, s18, $0xb8;
	[tilespmem:$0x1ED00] =	vst v63  }
0x40: {  	s11 =	sadd.s32 $0x0, s14  }
0x41: {  	[tilespmem:s22], [sflag:$0x6] =	stream.linear.gather [hbm4b:s11+s3], $0x80, $0x38;
	[tilespmem:$0x1ED00] =	vst v63  }
0x42: {  	_ =	swait.ge [sflag:s23], $0x4000  }
0x43: {  	[sflag:s23] =	ssyncset.done $0x0  }
0x44: {  	[sflag:s23] =	ssyncadd.s32 $0xFFFFC000  }
0x45: {  	_ =	swait.ge [sflag:s24], $0x80  }
0x46: {  	s6 =	simm.s32 $0x20;
	[sflag:s24] =	ssyncset.done $0x0  }
0x47: {  	s8 =	simm.s32 $0x200;
	s9 =	sadd.s32 $0x100, s13;
	[sflag:s24] =	ssyncadd.s32 $0xFFFFFF80  }
.LBB2_2:
0x48: {  	[spmem:s2] =	stream.indirect.scatter.add.f32 [tilespmem:s19], [sflag:$0x3], $0x80, s20, s18, $0xb8;
	[tilespmem:$0x1ED00] =	vst v63  }
0x49: {  	s10 =	smov.u32 s6  }
0x4a: {  	p0 =	sne.s32 s6, $0x4A0;
	s6 =	sadd.s32 $0x20, s6;
	_ =	swait.ge [sflag:s25], $0x4000  }
0x4b: {  	[sflag:s25] =	ssyncset.done $0x0  }
0x4c: {  	s11 =	sshrl.u32 s9, $0x3;
	[sflag:s25] =	ssyncadd.s32 $0xFFFFC000  }
0x4d: {  	[tilespmem:s19], [sflag:$0x1] =	stream.indirect.gather [hbm4b:s4+s18], $0x80, s8, s18, $0xb8;
	[tilespmem:$0x1ED00] =	vst v63  }
0x4e: {  	s11 =	sadd.s32 s5, s11  }
0x4f: {  	[tilespmem:s20], [sflag:$0x5] =	stream.linear.gather [hbm4b:s11+s3], $0x80, $0x38;
	[tilespmem:$0x1ED00] =	vst v63  }
0x50: {  	_ =	swait.ge [sflag:s26], $0x4000  }
0x51: {  	[sflag:s26] =	ssyncset.done $0x0  }
0x52: {  	[sflag:s26] =	ssyncadd.s32 $0xFFFFC000  }
0x53: {  	_ =	swait.ge [sflag:s28], $0x80  }
0x54: {  	[sflag:s28] =	ssyncset.done $0x0  }
0x55: {  	[sflag:s28] =	ssyncadd.s32 $0xFFFFFF80  }
0x56: {  	[spmem:s2] =	stream.indirect.scatter.add.f32 [tilespmem:s21], [sflag:$0x4], $0x80, s22, s18, $0xb8;
	[tilespmem:$0x1ED00] =	vst v63  }
0x57: {  	_ =	swait.ge [sflag:s29], $0x4000  }
0x58: {  	[sflag:s29] =	ssyncset.done $0x0  }
0x59: {  	s11 =	sadd.s32 $0x80, s8;
	[sflag:s29] =	ssyncadd.s32 $0xFFFFC000  }
0x5a: {  	[tilespmem:s21], [sflag:$0x2] =	stream.indirect.gather [hbm4b:s4+s18], $0x80, s11, s18, $0xb8;
	[tilespmem:$0x1ED00] =	vst v63  }
0x5b: {  	s10 =	sadd.s32 s10, s14  }
0x5c: {  	[tilespmem:s22], [sflag:$0x6] =	stream.linear.gather [hbm4b:s10+s3], $0x80, $0x38;
	[tilespmem:$0x1ED00] =	vst v63  }
0x5d: {  	_ =	swait.ge [sflag:s23], $0x4000  }
.Ltmp0:
0x5e: {  	[sflag:s23] =	ssyncset.done $0x0;
	(pc) =	sbr.rel @p0 .LBB2_2-.Ltmp0, $4  }
0x5f: {  	[sflag:s23] =	ssyncadd.s32 $0xFFFFC000  }
0x60: {  	_ =	swait.ge [sflag:s24], $0x80  }
0x61: {  	[sflag:s24] =	ssyncset.done $0x0  }
0x62: {  	s9 =	sadd.s32 $0x100, s9;
	s8 =	sadd.s32 $0x100, s8;
	[sflag:s24] =	ssyncadd.s32 $0xFFFFFF80  }
0x63: {  	[spmem:s2] =	stream.indirect.scatter.add.f32 [tilespmem:s19], [sflag:$0x3], $0x80, s20, s18, $0xb8;
	[tilespmem:$0x1ED00] =	vst v63  }
0x64: {  	_ =	swait.ge [sflag:s26], $0x4000  }
0x65: {  	[sflag:s26] =	ssyncset.done $0x0  }
0x66: {  	[sflag:s26] =	ssyncadd.s32 $0xFFFFC000  }
0x67: {  	_ =	swait.ge [sflag:s28], $0x80  }
0x68: {  	[sflag:s28] =	ssyncset.done $0x0  }
0x69: {  	[sflag:s28] =	ssyncadd.s32 $0xFFFFFF80  }
0x6a: {  	[spmem:s2] =	stream.indirect.scatter.add.f32 [tilespmem:s21], [sflag:$0x4], $0x80, s22, s18, $0xb8;
	[tilespmem:$0x1ED00] =	vst v63  }
0x6b: {  	_ =	swait.ge [sflag:s25], $0x4000  }
0x6c: {  	[sflag:s25] =	ssyncset.done $0x0  }
0x6d: {  	[sflag:s25] =	ssyncadd.s32 $0xFFFFC000  }
0x6e: {  	_ =	swait.ge [sflag:s29], $0x4000  }
0x6f: {  	[sflag:s29] =	ssyncset.done $0x0  }
0x70: {  	s6 =	rddreg [dreg:$0x5];
	[sflag:s29] =	ssyncadd.s32 $0xFFFFC000  }
0x71: {  	[tilespmem:s30], [sflag:$0x7] =	stream.linear.gather [hbm4b:s6+s3], $0x10, $0x38;
	[tilespmem:$0x1ED00] =	vst v63  }
0x72: {  	_ =	swait.ge [sflag:s15], $0x10  }
0x73: {  	[sflag:s15] =	ssyncset.done $0x0  }
0x74: {  	s9 =	simm.s32 $0x2700;
	[sflag:s15] =	ssyncadd.s32 $0xFFFFFFF0  }
0x75: {  	[tilespmem:s0], [sflag:$0x1] =	stream.indirect.gather [hbm4b:s4+s31], $0x80, s9, s31, $0xb8;
	[tilespmem:$0x1ED00] =	vst v63  }
0x76: {  	_ =	swait.ge [sflag:s23], $0x800  }
0x77: {  	[sflag:s23] =	ssyncset.done $0x0  }
0x78: {  	[sflag:s23] =	ssyncadd.s32 $0xFFFFF800  }
0x79: {  	[spmem:s2] =	stream.indirect.scatter.add.f32 [tilespmem:s0], [sflag:$0x3], $0x80, s30, s31, $0xb8;
	[tilespmem:$0x1ED00] =	vst v63  }
0x7a: {  	_ =	swait.ge [sflag:s25], $0x800  }
0x7b: {  	[sflag:s25] =	ssyncset.done $0x0  }
0x7c: {  	[sflag:s25] =	ssyncadd.s32 $0xFFFFF800  }
0x7d: {  	[bflag:$0x0] =	sbarrier.arrive $0xFFFF  }
0x7e: {  	s10 =	rddreg [dreg:$0x6]  }
0x7f: {  	[hbm:s10], [sflag:s16] =	dma.local [spmem:s17], $0x2780  }
0x80: {  	_ =	swait.ge [sflag:s15], $0x2780  }
0x81: {  	s1 =	sadd.s32 $0x1, s1;
	s11 =	rddreg [dreg:$0x7]  }
0x82: {  	p0 =	sne.s32 s1, s11  }
.Ltmp1:
0x83: {  	_ = 	snop;
	(pc) =	sbr.rel @p0 .LBB2_1-.Ltmp1, $3  }
0x84: {  	_ =	sdelay $0x1  }
0x85: {  	[sflag:s15] =	ssyncset.done $0x0  }
0x86: {  	[sflag:s15] =	ssyncadd.s32 $0xFFFFD880  }
0x87: {  	_ =	sfence.sel $0x180000  }
0x88: {  	[bflag:$0x0] =	sbarrier.arrive $0xFFFF  }
0x89: {  	_ =	strace $0x90000047  }
0x8a: {  	s0 =	stileid.u32;
	[bflag:$0x2] =	sbarrier.arrive $0xFFFF  }
0x8b: {  	p0 =	sne.s32 s0, $0x0;
	s0 =	rddreg [dreg:$0x2]  }
0x8c: {  	s0 =	sadd.s32 @!p0 $0x100000, s0  }
0x8d: {  	[sflag:s0] =	ssyncadd.tile.s32 @!p0 $0x1;
	_ =	shalt  }
.Lfunc_end2:
_tile_overlayer_lowered:
.L_overlay_start_2:
0x8e: {  	(tag) =	ssettag $0x2  }
0x8f: {  	s0 =	rddreg [dreg:$0x0];
	s2 =	stileid.u32  }
0x90: {  	s1 =	rddreg [dreg:$0x1];
	p0 =	sne.s32 s2, $0x0  }
0x91: {  	s3 =	rddreg [dreg:$0x2];
	[bflag:$0x3] =	sbarrier.arrive $0xFFFF;
	s2 =	simm.s32 @!p0 $0x1C07  }
0x92: {  	[timem:s3], [sflag:s2] =	dma.local @!p0 [hbm:s0], s1  }
0x93: {  	s0 =	simm.s32 @!p0 $0x7  }
0x94: {  	_ =	swait.ge @!p0 [sflag:s0], s1  }
0x95: {  	s1 =	ssub.s32 @!p0 $0x0, s1;
	[sflag:s0] =	ssyncset.done @!p0 $0x0  }
0x96: {  	[sflag:s0] =	ssyncadd.s32 @!p0 s1  }
0x97: {  	[bflag:$0x3] =	sbarrier.arrive $0xFFFF  }
0x98: {  	_ =	shalt  }

// kernel: kernel.17.cloned.1.call-start
scs
__scs_entry_jumppad:
0x0: {  	(pc) =	sbr.rel $0x88, $3  }
0x1: {  	(tag) =	ssettag $0x0;
	lr =	simm.s32 $0x1  }
0x2: {  	[smem:$0x3F94] =	sst lr;
	_ =	strace $0xD0000000  }
0x3: {  	_ = 	snop  }
0x4: {  	_ = 	snop  }
0x5: {  	_ = 	snop  }
0x6: {  	_ = 	snop  }
0x7: {  	_ = 	snop  }
__scs_overlays_trampoline_lowered:
0x8: {  	[smem:$0x3FA3] =	sst s0  }
0x9: {  	[smem:$0x3FA4] =	sst s1  }
0xa: {  	[smem:$0x3FA5] =	sst s2  }
0xb: {  	[smem:$0x3FA6] =	sst s3  }
0xc: {  	[smem:$0x3FA7] =	sst s4  }
0xd: {  	[smem:$0x3FA8] =	sst s5  }
0xe: {  	[smem:$0x3FA9] =	sst s6  }
0xf: {  	[smem:$0x3FAA] =	sst s7  }
0x10: {  	[smem:$0x3FAB] =	sst s8  }
0x11: {  	[smem:$0x3FAC] =	sst s9;
	s0 =	simm.s32 @!p0 $0x0  }
0x12: {  	s1 =	sld [smem:$0x3F92];
	s0 =	simm.s32 @p0 $0x1  }
0x13: {  	[smem:$0x3FAD] =	sst s0;
	s0 =	simm.s32 @!p1 $0x0  }
0x14: {  	s2 =	sld [smem:$0x3F91];
	s0 =	simm.s32 @p1 $0x1  }
0x15: {  	[smem:$0x3FAE] =	sst s0;
	s0 =	simm.s32 @!p2 $0x0  }
0x16: {  	s3 =	sld [smem:$0x3FDB];
	s0 =	simm.s32 @p2 $0x1  }
0x17: {  	s4 =	simm.s32 $0x1BF5;
	[smem:$0x3FB0] =	sst s0  }
0x18: {  	s0 =	sld [smem:$0x3F93];
	_ =	swait.ge [sflag:s4], $0x0  }
0x19: {  	s7 =	sld [smem:$0x3F94]  }
0x1a: {  	s8 =	sadd.s32 $0xFFFFE003, lr  }
0x1b: {  	s9 =	sadd.s32 $0xFFFFFEF7, lr;
	s5 =	simm.s32 $0xFFFFFFFF;
	p2 =	slt.u32 s8, $0xFFFFF086  }
0x1c: {  	p1 =	slt.u32 s9, $0xF7A;
	s5 =	simm.s32 @!p2 $0x0  }
0x1d: {  	s5 =	simm.s32 @p1 $0x1;
	p0 =	seq.s32 s7, s2  }
0x1e: {  	s7 =	smul.u32 @!p0 $0xF7A, s2;
	p2 =	seq.s32 @!p0 s5, $0x0  }
0x1f: {  	s9 =	smul.u32 $0xF7A, s1;
	s8 =	simm.s32 @!p0 $0x1BF5;
	p2 =	por !p2, p0  }
0x20: {  	[sflag:s8] =	ssyncset.s32 @!p0 $0xFFFFF086;
	s6 =	sadd.s32 @!p0 s3, s7;
	s7 =	simm.s32 @!p0 $0x108  }
0x21: {  	s3 =	sadd.s32 s3, s9;
	s6 =	sadd.s32 @!p0 $0x88, s6;
	s7 =	simm.s32 @p2 $0x1082  }
0x22: {  	[simem:s7], [sflag:s8] =	dma.local @!p0 [hbm:s6], $0xF7A  }
0x23: {  	s9 =	sor.u32 $0xD0000000, s2;
	s6 =	simm.s32 $0x108;
	_ =	swait.ge @!p0 [sflag:s8], $0x0  }
0x24: {  	s3 =	sadd.s32 $0x88, s3;
	s6 =	simm.s32 @!p1 $0x1082;
	[sflag:s4] =	ssyncset.s32 $0xFFFFF086  }
0x25: {  	[simem:s6], [sflag:s4] =	dma.local [hbm:s3], $0xF7A  }
0x26: {  	[smem:$0x3F94] =	sst s1;
	(tag) =	ssettag s2;
	_ =	strace s9  }
0x27: {  	s1 =	sld [smem:$0x3FA4]  }
0x28: {  	s2 =	sld [smem:$0x3FA5]  }
0x29: {  	s4 =	sld [smem:$0x3FA7]  }
0x2a: {  	p0 =	seq.s32 s5, $0x0;
	s5 =	sld [smem:$0x3FA8]  }
0x2b: {  	s6 =	sld [smem:$0x3FA9]  }
0x2c: {  	s7 =	sld [smem:$0x3FAA]  }
0x2d: {  	s3 =	simm.s32 $0x108;
	s8 =	sld [smem:$0x3FAB]  }
0x2e: {  	s3 =	simm.s32 @!p0 $0x1082;
	s9 =	sld [smem:$0x3FAC]  }
0x2f: {  	lr =	sadd.s32 s0, s3;
	s0 =	sld [smem:$0x3FA3]  }
0x30: {  	s3 =	sld [smem:$0x3FA6]  }
0x31: {  	[smem:$0x3FAF] =	sst s10  }
0x32: {  	s10 =	sld [smem:$0x3FAD];
	_ =	sdelay $0x3  }
0x33: {  	p0 =	seq.s32 s10, $0x1;
	s10 =	sld [smem:$0x3FAF];
	_ =	sdelay $0x3  }
0x34: {  	[smem:$0x3FAF] =	sst s10  }
0x35: {  	s10 =	sld [smem:$0x3FAE];
	_ =	sdelay $0x3  }
0x36: {  	p1 =	seq.s32 s10, $0x1;
	s10 =	sld [smem:$0x3FAF];
	_ =	sdelay $0x3  }
0x37: {  	[smem:$0x3FAF] =	sst s10  }
0x38: {  	s10 =	sld [smem:$0x3FB0]  }
0x39: {  	_ = 	snop;
	(pc) =	sbr.ind lr, $3  }
0x3a: {  	_ = 	snop  }
0x3b: {  	_ = 	snop  }
0x3c: {  	p2 =	seq.s32 s10, $0x1;
	s10 =	sld [smem:$0x3FAF]  }
0x3d: {  	_ =	shalt  }
0x3e: {  	_ =	shalt  }
0x3f: {  	_ =	shalt  }
0x40: {  	_ =	shalt  }
0x41: {  	_ =	shalt  }
0x42: {  	_ =	shalt  }
0x43: {  	_ =	shalt  }
0x44: {  	_ =	shalt  }
0x45: {  	_ =	shalt  }
0x46: {  	_ =	shalt  }
0x47: {  	_ =	shalt  }
0x48: {  	_ =	shalt  }
0x49: {  	_ =	shalt  }
0x4a: {  	_ =	shalt  }
0x4b: {  	_ =	shalt  }
0x4c: {  	_ =	shalt  }
0x4d: {  	_ =	shalt  }
0x4e: {  	_ =	shalt  }
0x4f: {  	_ =	shalt  }
0x50: {  	_ =	shalt  }
0x51: {  	_ =	shalt  }
0x52: {  	_ =	shalt  }
0x53: {  	_ =	shalt  }
0x54: {  	_ =	shalt  }
0x55: {  	_ =	shalt  }
0x56: {  	_ =	shalt  }
0x57: {  	_ =	shalt  }
0x58: {  	_ =	shalt  }
0x59: {  	_ =	shalt  }
0x5a: {  	_ =	shalt  }
0x5b: {  	_ =	shalt  }
0x5c: {  	_ =	shalt  }
0x5d: {  	_ =	shalt  }
0x5e: {  	_ =	shalt  }
0x5f: {  	_ =	shalt  }
0x60: {  	_ =	shalt  }
0x61: {  	_ =	shalt  }
0x62: {  	_ =	shalt  }
0x63: {  	_ =	shalt  }
0x64: {  	_ =	shalt  }
0x65: {  	_ =	shalt  }
0x66: {  	_ =	shalt  }
0x67: {  	_ =	shalt  }
0x68: {  	_ =	shalt  }
0x69: {  	_ =	shalt  }
0x6a: {  	_ =	shalt  }
0x6b: {  	_ =	shalt  }
0x6c: {  	_ =	shalt  }
0x6d: {  	_ =	shalt  }
0x6e: {  	_ =	shalt  }
0x6f: {  	_ =	shalt  }
0x70: {  	_ =	shalt  }
0x71: {  	_ =	shalt  }
0x72: {  	_ =	shalt  }
0x73: {  	_ =	shalt  }
0x74: {  	_ =	shalt  }
0x75: {  	_ =	shalt  }
0x76: {  	_ =	shalt  }
0x77: {  	_ =	shalt  }
0x78: {  	_ =	shalt  }
0x79: {  	_ =	shalt  }
0x7a: {  	_ =	shalt  }
0x7b: {  	_ =	shalt  }
0x7c: {  	_ =	shalt  }
0x7d: {  	_ =	shalt  }
0x7e: {  	_ =	shalt  }
0x7f: {  	_ =	shalt  }
0x80: {  	_ =	shalt  }
0x81: {  	_ =	shalt  }
0x82: {  	_ =	shalt  }
0x83: {  	_ =	shalt  }
0x84: {  	_ =	shalt  }
0x85: {  	_ =	shalt  }
0x86: {  	_ =	shalt  }
0x87: {  	_ =	shalt  }
.Lfunc_end0:
.L_simem_size_0:
called_computation.2_lowered:
.L_overlay_start_0:
0x88: {  	s2 =	sld [smem:$0x3FD9]  }
0x89: {  	s3 =	sld [smem:$0x3FFE];
	_ =	sdelay $0x1  }
0x8a: {  	s1 =	srdreg.scid  }
0x8b: {  	s0 =	sand.u32 $0x1, s1  }
0x8c: {  	s14 =	sshll.u32 s0, $0xA;
	s2 =	sadd.s32 s3, s2  }
0x8d: {  	s2 =	sadd.s32 s2, s14  }
0x8e: {  	[smem:$0x3FBB] =	sst s2  }
0x8f: {  	_ = 	snop  }
0x90: {  	s2 =	sld [smem:$0x3FD0];
	_ =	sdelay $0x2  }
0x91: {  	s15 =	simm.s32 $0xB;
	s4 =	simm.s32 $0x10  }
0x92: {  	[smem:s4], [sflag:s15] =	dma.local [hbm:s2], $0x1  }
0x93: {  	_ =	swait.eq [sflag:s15], $0x1  }
0x94: {  	[sflag:s15] =	ssyncset.done $0x0  }
0x95: {  	[sflag:s15] =	ssyncadd.s32 $0xFFFFFFFF  }
0x96: {  	s16 =	sld [smem:$0x10];
	(tm) =	ssettm $0x1  }
0x97: {  	s17 =	sld [smem:$0x3FFB];
	_ =	sdelay $0x3  }
0x98: {  	_ =	strace s17  }
0x99: {  	s3 =	sld [smem:$0x3FFC];
	_ =	sdelay $0x3  }
0x9a: {  	_ =	strace s3  }
0x9b: {  	s3 =	sld [smem:$0x3FFD];
	_ =	sdelay $0x3  }
0x9c: {  	_ =	strace s3  }
0x9d: {  	_ =	strace $0x8FFFFFFF  }
0x9e: {  	s18 =	sld [smem:$0x3FDB];
	_ =	sdelay $0x1  }
0x9f: {  	s19 =	simm.s32 $_scs_section_size  }
0xa0: {  	s5 =	simm.s32 $_size__tile_overlayer_lowered;
	s6 =	simm.s32 $_tile_overlayer_lowered  }
0xa1: {  	s22 =	simm.s32 $0x1BFF;
	s21 =	sshll.u32 s6, $0x1;
	s3 =	sadd.s32 s19, s18  }
0xa2: {  	s7 =	simm.s32 $0x0;
	s20 =	sshll.u32 s5, $0x1;
	s5 =	sadd.s32 s21, s3  }
0xa3: {  	[timem:s7], [sflag:s22] =	dma.local [hbm:s5], s20  }
0xa4: {  	_ =	swait.ge [sflag:s22], s20  }
0xa5: {  	s4 =	ssub.s32 $0x0, s20;
	[sflag:s22] =	ssyncset.done $0x0  }
0xa6: {  	[sflag:s22] =	ssyncadd.s32 s4;
	_ =	sdelay $0x1  }
0xa7: {  	s23 =	simm.s32 $0x1B8B  }
0xa8: {  	_ =	swait.ge [sflag:s23], $0x1  }
0xa9: {  	[sflag:s23] =	ssyncset.done $0x0  }
0xaa: {  	s25 =	simm.s32 $0x1B8E;
	s24 =	sld [smem:$0x3FFE];
	[sflag:s23] =	ssyncadd.s32 $0xFFFFFFFF  }
0xab: {  	s26 =	simm.s32 $execute0_lowered;
	[smem:$0x3FD2] =	sst s25  }
0xac: {  	s5 =	sshll.u32 s26, $0x1;
	_ =	strace $0x8000004C;
	[dreg:$0x1] =	wrdreg $0xFFFFFFFF  }
0xad: {  	s28 =	simm.s32 $_size_execute0_lowered;
	s3 =	sadd.s32 s3, s5;
	[dreg:$0x0] =	wrdreg $0x0  }
0xae: {  	s5 =	sshll.u32 s28, $0x1;
	[dreg:$0x2] =	wrdreg s3  }
0xaf: {  	[dreg:$0x3] =	wrdreg s5  }
0xb0: {  	[dreg:$0x4] =	wrdreg $0xC0  }
0xb1: {  	_ =	task [dreg:s7], $0x5FFFF  }
0xb2: {  	[dreg:$0x1] =	wrdreg $0xFFFFFFFF  }
0xb3: {  	[dreg:$0x0] =	wrdreg $0x60  }
0xb4: {  	[dreg:$0x2] =	wrdreg s16  }
0xb5: {  	[dreg:$0x3] =	wrdreg s24  }
0xb6: {  	[dreg:$0x4] =	wrdreg $0xB1000  }
0xb7: {  	[dreg:$0x5] =	wrdreg $0x9  }
0xb8: {  	_ =	task.clear_ibuf [dreg:s7], $0x6FFFF;
	_ =	strace $0x9000004C  }
0xb9: {  	s29 =	simm.s32 $0x9;
	_ =	strace $0x8000004E  }
0xba: {  	_ =	swait.ge [sflag:s29], $0x1  }
0xbb: {  	[sflag:s29] =	ssyncadd.s32 $0xFFFFFFFF  }
0xbc: {  	_ =	strace $0x9000004E  }
0xbd: {  	_ =	sfence  }
0xbe: {  	s30 =	sld [smem:$0x0];
	_ =	sdelay $0x2  }
0xbf: {  	s31 =	sshll.u32 s1, $0xD;
	s1 =	sshrl.u32 s1, $0x2  }
0xc0: {  	s3 =	sand.u32 $0x4000, s31;
	s1 =	sadd.s32 s1, s30  }
0xc1: {  	s0 =	sor.u32 s3, s0;
	s1 =	sshll.u32 s1, $0x11  }
0xc2: {  	s0 =	sor.u32 s1, s0  }
0xc3: {  	s0 =	sadd.s32 $0x8F2B, s0  }
0xc4: {  	[sflag:s0] =	ssyncadd.remote.s32 $0x1  }
0xc5: {  	_ =	sfence.sel $0xFFFF  }
0xc6: {  	[dreg:$0x0] =	wrdreg $0xFFFFFFFF;
	(pc) =	sbr.abs _section_cstart, $3  }
0xc7: {  	[dreg:$0x1] =	wrdreg $0xFFFFFFFF  }
0xc8: {  	_ =	task.clear_ibuf [dreg:s7], $0x2FFFF;
	_ =	strace $0x9FFFFFFF  }
0xc9: {  	(tm) =	ssettm $0x7FFFFFFF  }
tec
execute0_lowered:
.L_overlay_start_1:
0x0: {  	(tag) =	ssettag $0x1  }
0x1: {  	s1 =	rddreg [dreg:$0x0];
	s0 =	srdreg.scid  }
0x2: {  	s16 =	stileid.u32;
	s2 =	rddreg [dreg:$0x1]  }
0x3: {  	s3 =	rddreg [dreg:$0x2];
	s15 =	simm.s32 $0x7;
	s28 =	simm.s32 $0x6  }
0x4: {  	s29 =	simm.s32 $0x4;
	s30 =	simm.s32 $0x2880;
	s6 =	smul.u32 $0x2780, s16  }
0x5: {  	s31 =	simm.s32 $0x10;
	s0 =	sand.u32 $0x1, s0;
	s11 =	smul.u32 $0x4F000, s16  }
0x6: {  	s4 =	sshll.u32 s16, $0x1;
	s12 =	smul.u32 $0x4E20, s16;
	s26 =	sshll.u32 s16, $0x6  }
0x7: {  	s5 =	sor.u32 s0, s4;
	s4 =	simm.s32 $0x0;
	s8 =	smul.u32 $0x27800, s0  }
0x8: {  	s18 =	ssub.s32 $0x2, s0;
	s0 =	smul.u32 $0x2710, s0;
	s16 =	sor.u32 $0x1C07, s26  }
0x9: {  	s26 =	simm.s32 $0x2;
	s5 =	smul.u32 $0x2710, s5;
	[smem:$0x7FF] =	sst s4  }
0xa: {  	s10 =	sadd.s32 s6, s2;
	s19 =	sshrl.u32 s18, $0x1;
	s20 =	sshrl.u32 s11, $0x2  }
0xb: {  	_ =	strace $0x8000004D;
	s6 =	sadd.s32 s6, s8;
	s8 =	sadd.s32 s20, s3  }
0xc: {  	s21 =	sadd.s32 $0x21800, s10;
	s0 =	sadd.s32 s0, s12;
	s20 =	simm.s32 $0x2780  }
0xd: {  	s7 =	sshrl.u32 s5, $0x3;
	s5 =	sadd.s32 $0x3600, s2;
	[dreg:$0x5] =	wrdreg s21  }
0xe: {  	s24 =	sadd.s32 $0x180, s0;
	s13 =	sadd.s32 $0x100, s0;
	s17 =	sshrl.u32 s8, $0x3  }
0xf: {  	s21 =	simm.s32 $0x6900;
	s0 =	simm.s32 $0xA900;
	s9 =	sadd.s32 s7, s2  }
0x10: {  	s2 =	sadd.s32 s6, s2;
	s6 =	ssub.s32 s18, s19;
	s7 =	sadd.s32 s5, s7  }
0x11: {  	s25 =	sshrl.u32 s24, $0x3;
	s18 =	simm.s32 $0x80;
	s9 =	sadd.s32 $0xD400, s9  }
0x12: {  	s19 =	simm.s32 $0x2900;
	s22 =	sadd.s32 $0x4E0, s7;
	[dreg:$0x4] =	wrdreg s9  }
0x13: {  	s24 =	simm.s32 $0x5;
	s2 =	sadd.s32 $0x98000, s2;
	[dreg:$0x6] =	wrdreg s22  }
0x14: {  	s23 =	smax.u32 s6, $0x1;
	s12 =	sadd.s32 $0x10, s7;
	[dreg:$0x7] =	wrdreg s2  }
0x15: {  	s14 =	sadd.s32 s25, s5;
	s25 =	simm.s32 $0x3;
	[dreg:$0x8] =	wrdreg s23  }
0x16: {  	s22 =	simm.s32 $0x2800;
	s23 =	simm.s32 $0x1;
	s2 =	simm.s32 $0x0  }
.LBB2_1:
0x17: {  	s6 =	rddreg [dreg:$0x4]  }
0x18: {  	[tilespmem:s4], [sflag:$0x7] =	stream.linear.gather [hbm4b:s6+s4], $0x2710, $0x38;
	[tilespmem:$0x1ED00] =	vst v63  }
0x19: {  	_ =	swait.ge [sflag:s15], $0x2710  }
0x1a: {  	[sflag:s15] =	ssyncset.done $0x0  }
0x1b: {  	s10 =	rddreg [dreg:$0x5];
	[sflag:s15] =	ssyncadd.s32 $0xFFFFD8F0  }
0x1c: {  	[spmem:s17], [sflag:s16] =	dma.local [hbm:s10], $0x2780  }
0x1d: {  	_ =	swait.ge [sflag:s15], $0x2780  }
0x1e: {  	[sflag:s15] =	ssyncset.done $0x0  }
0x1f: {  	[sflag:s15] =	ssyncadd.s32 $0xFFFFD880  }
0x20: {  	[bflag:$0x0] =	sbarrier.arrive $0xFFFF  }
0x21: {  	[tilespmem:s19], [sflag:$0x1] =	stream.indirect.gather [hbm4b:s1+s18], $0x80, s4, s18, $0xb8;
	[tilespmem:$0x1ED00] =	vst v63  }
0x22: {  	_ = 	snop  }
0x23: {  	[tilespmem:s20], [sflag:$0x5] =	stream.linear.gather [hbm4b:s7+s4], $0x80, $0x38;
	[tilespmem:$0x1ED00] =	vst v63  }
0x24: {  	_ = 	snop  }
0x25: {  	[tilespmem:s21], [sflag:$0x2] =	stream.indirect.gather [hbm4b:s1+s18], $0x80, s18, s18, $0xb8;
	[tilespmem:$0x1ED00] =	vst v63  }
0x26: {  	_ = 	snop  }
0x27: {  	[tilespmem:s22], [sflag:$0x6] =	stream.linear.gather [hbm4b:s12+s4], $0x80, $0x38;
	[tilespmem:$0x1ED00] =	vst v63  }
0x28: {  	_ =	swait.ge [sflag:s23], $0x4000  }
0x29: {  	[sflag:s23] =	ssyncset.done $0x0  }
0x2a: {  	[sflag:s23] =	ssyncadd.s32 $0xFFFFC000  }
0x2b: {  	_ =	swait.ge [sflag:s24], $0x80  }
0x2c: {  	[sflag:s24] =	ssyncset.done $0x0  }
0x2d: {  	[sflag:s24] =	ssyncadd.s32 $0xFFFFFF80  }
0x2e: {  	[spmem:s3] =	stream.indirect.scatter.add.f32 [tilespmem:s19], [sflag:$0x3], $0x80, s20, s18, $0xb8;
	[tilespmem:$0x1ED00] =	vst v63  }
0x2f: {  	_ =	swait.ge [sflag:s25], $0x4000  }
0x30: {  	[sflag:s25] =	ssyncset.done $0x0  }
0x31: {  	s11 =	simm.s32 $0x100;
	s8 =	sshrl.u32 s13, $0x3;
	[sflag:s25] =	ssyncadd.s32 $0xFFFFC000  }
0x32: {  	[tilespmem:s19], [sflag:$0x1] =	stream.indirect.gather [hbm4b:s1+s18], $0x80, s11, s18, $0xb8;
	[tilespmem:$0x1ED00] =	vst v63  }
0x33: {  	s9 =	sadd.s32 s5, s8  }
0x34: {  	[tilespmem:s20], [sflag:$0x5] =	stream.linear.gather [hbm4b:s9+s4], $0x80, $0x38;
	[tilespmem:$0x1ED00] =	vst v63  }
0x35: {  	_ =	swait.ge [sflag:s26], $0x4000  }
0x36: {  	[sflag:s26] =	ssyncset.done $0x0  }
0x37: {  	[sflag:s26] =	ssyncadd.s32 $0xFFFFC000  }
0x38: {  	_ =	swait.ge [sflag:s28], $0x80  }
0x39: {  	[sflag:s28] =	ssyncset.done $0x0  }
0x3a: {  	[sflag:s28] =	ssyncadd.s32 $0xFFFFFF80  }
0x3b: {  	[spmem:s3] =	stream.indirect.scatter.add.f32 [tilespmem:s21], [sflag:$0x4], $0x80, s22, s18, $0xb8;
	[tilespmem:$0x1ED00] =	vst v63  }
0x3c: {  	_ =	swait.ge [sflag:s29], $0x4000  }
0x3d: {  	[sflag:s29] =	ssyncset.done $0x0  }
0x3e: {  	s10 =	simm.s32 $0x180;
	[sflag:s29] =	ssyncadd.s32 $0xFFFFC000  }
0x3f: {  	[tilespmem:s21], [sflag:$0x2] =	stream.indirect.gather [hbm4b:s1+s18], $0x80, s10, s18, $0xb8;
	[tilespmem:$0x1ED00] =	vst v63  }
0x40: {  	s11 =	sadd.s32 $0x0, s14  }
0x41: {  	[tilespmem:s22], [sflag:$0x6] =	stream.linear.gather [hbm4b:s11+s4], $0x80, $0x38;
	[tilespmem:$0x1ED00] =	vst v63  }
0x42: {  	_ =	swait.ge [sflag:s23], $0x4000  }
0x43: {  	[sflag:s23] =	ssyncset.done $0x0  }
0x44: {  	[sflag:s23] =	ssyncadd.s32 $0xFFFFC000  }
0x45: {  	_ =	swait.ge [sflag:s24], $0x80  }
0x46: {  	s6 =	simm.s32 $0x20;
	[sflag:s24] =	ssyncset.done $0x0  }
0x47: {  	s8 =	simm.s32 $0x200;
	s9 =	sadd.s32 $0x100, s13;
	[sflag:s24] =	ssyncadd.s32 $0xFFFFFF80  }
.LBB2_2:
0x48: {  	[spmem:s3] =	stream.indirect.scatter.add.f32 [tilespmem:s19], [sflag:$0x3], $0x80, s20, s18, $0xb8;
	[tilespmem:$0x1ED00] =	vst v63  }
0x49: {  	s10 =	smov.u32 s6  }
0x4a: {  	p0 =	sne.s32 s6, $0x4A0;
	s6 =	sadd.s32 $0x20, s6;
	_ =	swait.ge [sflag:s25], $0x4000  }
0x4b: {  	[sflag:s25] =	ssyncset.done $0x0  }
0x4c: {  	s11 =	sshrl.u32 s9, $0x3;
	[sflag:s25] =	ssyncadd.s32 $0xFFFFC000  }
0x4d: {  	[tilespmem:s19], [sflag:$0x1] =	stream.indirect.gather [hbm4b:s1+s18], $0x80, s8, s18, $0xb8;
	[tilespmem:$0x1ED00] =	vst v63  }
0x4e: {  	s11 =	sadd.s32 s5, s11  }
0x4f: {  	[tilespmem:s20], [sflag:$0x5] =	stream.linear.gather [hbm4b:s11+s4], $0x80, $0x38;
	[tilespmem:$0x1ED00] =	vst v63  }
0x50: {  	_ =	swait.ge [sflag:s26], $0x4000  }
0x51: {  	[sflag:s26] =	ssyncset.done $0x0  }
0x52: {  	[sflag:s26] =	ssyncadd.s32 $0xFFFFC000  }
0x53: {  	_ =	swait.ge [sflag:s28], $0x80  }
0x54: {  	[sflag:s28] =	ssyncset.done $0x0  }
0x55: {  	[sflag:s28] =	ssyncadd.s32 $0xFFFFFF80  }
0x56: {  	[spmem:s3] =	stream.indirect.scatter.add.f32 [tilespmem:s21], [sflag:$0x4], $0x80, s22, s18, $0xb8;
	[tilespmem:$0x1ED00] =	vst v63  }
0x57: {  	_ =	swait.ge [sflag:s29], $0x4000  }
0x58: {  	[sflag:s29] =	ssyncset.done $0x0  }
0x59: {  	s11 =	sadd.s32 $0x80, s8;
	[sflag:s29] =	ssyncadd.s32 $0xFFFFC000  }
0x5a: {  	[tilespmem:s21], [sflag:$0x2] =	stream.indirect.gather [hbm4b:s1+s18], $0x80, s11, s18, $0xb8;
	[tilespmem:$0x1ED00] =	vst v63  }
0x5b: {  	s10 =	sadd.s32 s10, s14  }
0x5c: {  	[tilespmem:s22], [sflag:$0x6] =	stream.linear.gather [hbm4b:s10+s4], $0x80, $0x38;
	[tilespmem:$0x1ED00] =	vst v63  }
0x5d: {  	_ =	swait.ge [sflag:s23], $0x4000  }
.Ltmp0:
0x5e: {  	[sflag:s23] =	ssyncset.done $0x0;
	(pc) =	sbr.rel @p0 .LBB2_2-.Ltmp0, $4  }
0x5f: {  	[sflag:s23] =	ssyncadd.s32 $0xFFFFC000  }
0x60: {  	_ =	swait.ge [sflag:s24], $0x80  }
0x61: {  	[sflag:s24] =	ssyncset.done $0x0  }
0x62: {  	s9 =	sadd.s32 $0x100, s9;
	s8 =	sadd.s32 $0x100, s8;
	[sflag:s24] =	ssyncadd.s32 $0xFFFFFF80  }
0x63: {  	[spmem:s3] =	stream.indirect.scatter.add.f32 [tilespmem:s19], [sflag:$0x3], $0x80, s20, s18, $0xb8;
	[tilespmem:$0x1ED00] =	vst v63  }
0x64: {  	_ =	swait.ge [sflag:s26], $0x4000  }
0x65: {  	[sflag:s26] =	ssyncset.done $0x0  }
0x66: {  	[sflag:s26] =	ssyncadd.s32 $0xFFFFC000  }
0x67: {  	_ =	swait.ge [sflag:s28], $0x80  }
0x68: {  	[sflag:s28] =	ssyncset.done $0x0  }
0x69: {  	[sflag:s28] =	ssyncadd.s32 $0xFFFFFF80  }
0x6a: {  	[spmem:s3] =	stream.indirect.scatter.add.f32 [tilespmem:s21], [sflag:$0x4], $0x80, s22, s18, $0xb8;
	[tilespmem:$0x1ED00] =	vst v63  }
0x6b: {  	_ =	swait.ge [sflag:s25], $0x4000  }
0x6c: {  	[sflag:s25] =	ssyncset.done $0x0  }
0x6d: {  	[sflag:s25] =	ssyncadd.s32 $0xFFFFC000  }
0x6e: {  	_ =	swait.ge [sflag:s29], $0x4000  }
0x6f: {  	[sflag:s29] =	ssyncset.done $0x0  }
0x70: {  	s6 =	rddreg [dreg:$0x6];
	[sflag:s29] =	ssyncadd.s32 $0xFFFFC000  }
0x71: {  	[tilespmem:s30], [sflag:$0x7] =	stream.linear.gather [hbm4b:s6+s4], $0x10, $0x38;
	[tilespmem:$0x1ED00] =	vst v63  }
0x72: {  	_ =	swait.ge [sflag:s15], $0x10  }
0x73: {  	[sflag:s15] =	ssyncset.done $0x0  }
0x74: {  	s9 =	simm.s32 $0x2700;
	[sflag:s15] =	ssyncadd.s32 $0xFFFFFFF0  }
0x75: {  	[tilespmem:s0], [sflag:$0x1] =	stream.indirect.gather [hbm4b:s1+s31], $0x80, s9, s31, $0xb8;
	[tilespmem:$0x1ED00] =	vst v63  }
0x76: {  	_ =	swait.ge [sflag:s23], $0x800  }
0x77: {  	[sflag:s23] =	ssyncset.done $0x0  }
0x78: {  	[sflag:s23] =	ssyncadd.s32 $0xFFFFF800  }
0x79: {  	[spmem:s3] =	stream.indirect.scatter.add.f32 [tilespmem:s0], [sflag:$0x3], $0x80, s30, s31, $0xb8;
	[tilespmem:$0x1ED00] =	vst v63  }
0x7a: {  	_ =	swait.ge [sflag:s25], $0x800  }
0x7b: {  	[sflag:s25] =	ssyncset.done $0x0  }
0x7c: {  	[sflag:s25] =	ssyncadd.s32 $0xFFFFF800  }
0x7d: {  	[bflag:$0x0] =	sbarrier.arrive $0xFFFF  }
0x7e: {  	s10 =	rddreg [dreg:$0x7]  }
0x7f: {  	[hbm:s10], [sflag:s16] =	dma.local [spmem:s17], $0x2780  }
0x80: {  	_ =	swait.ge [sflag:s15], $0x2780  }
0x81: {  	s2 =	sadd.s32 $0x1, s2;
	s11 =	rddreg [dreg:$0x8]  }
0x82: {  	p0 =	sne.s32 s2, s11  }
.Ltmp1:
0x83: {  	_ = 	snop;
	(pc) =	sbr.rel @p0 .LBB2_1-.Ltmp1, $3  }
0x84: {  	_ =	sdelay $0x1  }
0x85: {  	[sflag:s15] =	ssyncset.done $0x0  }
0x86: {  	[sflag:s15] =	ssyncadd.s32 $0xFFFFD880  }
0x87: {  	_ =	sfence.sel $0x180000  }
0x88: {  	[bflag:$0x0] =	sbarrier.arrive $0xFFFF  }
0x89: {  	_ =	strace $0x9000004D  }
0x8a: {  	s0 =	stileid.u32;
	[bflag:$0x2] =	sbarrier.arrive $0xFFFF  }
0x8b: {  	p0 =	sne.s32 s0, $0x0;
	s0 =	rddreg [dreg:$0x3]  }
0x8c: {  	s0 =	sadd.s32 @!p0 $0x100000, s0  }
0x8d: {  	[sflag:s0] =	ssyncadd.tile.s32 @!p0 $0x1;
	_ =	shalt  }
.Lfunc_end2:
_tile_overlayer_lowered:
.L_overlay_start_2:
0x8e: {  	(tag) =	ssettag $0x2  }
0x8f: {  	s0 =	rddreg [dreg:$0x0];
	s2 =	stileid.u32  }
0x90: {  	s1 =	rddreg [dreg:$0x1];
	p0 =	sne.s32 s2, $0x0  }
0x91: {  	s3 =	rddreg [dreg:$0x2];
	[bflag:$0x3] =	sbarrier.arrive $0xFFFF;
	s2 =	simm.s32 @!p0 $0x1C07  }
0x92: {  	[timem:s3], [sflag:s2] =	dma.local @!p0 [hbm:s0], s1  }
0x93: {  	s0 =	simm.s32 @!p0 $0x7  }
0x94: {  	_ =	swait.ge @!p0 [sflag:s0], s1  }
0x95: {  	s1 =	ssub.s32 @!p0 $0x0, s1;
	[sflag:s0] =	ssyncset.done @!p0 $0x0  }
0x96: {  	[sflag:s0] =	ssyncadd.s32 @!p0 s1  }
0x97: {  	[bflag:$0x3] =	sbarrier.arrive $0xFFFF  }
0x98: {  	_ =	shalt  }

// kernel: kernel.20.cloned.1.call-start
scs
__scs_entry_jumppad:
0x0: {  	(pc) =	sbr.rel $0x88, $3  }
0x1: {  	(tag) =	ssettag $0x0;
	lr =	simm.s32 $0x1  }
0x2: {  	[smem:$0x3F94] =	sst lr;
	_ =	strace $0xD0000000  }
0x3: {  	_ = 	snop  }
0x4: {  	_ = 	snop  }
0x5: {  	_ = 	snop  }
0x6: {  	_ = 	snop  }
0x7: {  	_ = 	snop  }
__scs_overlays_trampoline_lowered:
0x8: {  	[smem:$0x3FA3] =	sst s0  }
0x9: {  	[smem:$0x3FA4] =	sst s1  }
0xa: {  	[smem:$0x3FA5] =	sst s2  }
0xb: {  	[smem:$0x3FA6] =	sst s3  }
0xc: {  	[smem:$0x3FA7] =	sst s4  }
0xd: {  	[smem:$0x3FA8] =	sst s5  }
0xe: {  	[smem:$0x3FA9] =	sst s6  }
0xf: {  	[smem:$0x3FAA] =	sst s7  }
0x10: {  	[smem:$0x3FAB] =	sst s8  }
0x11: {  	[smem:$0x3FAC] =	sst s9;
	s0 =	simm.s32 @!p0 $0x0  }
0x12: {  	s1 =	sld [smem:$0x3F92];
	s0 =	simm.s32 @p0 $0x1  }
0x13: {  	[smem:$0x3FAD] =	sst s0;
	s0 =	simm.s32 @!p1 $0x0  }
0x14: {  	s2 =	sld [smem:$0x3F91];
	s0 =	simm.s32 @p1 $0x1  }
0x15: {  	[smem:$0x3FAE] =	sst s0;
	s0 =	simm.s32 @!p2 $0x0  }
0x16: {  	s3 =	sld [smem:$0x3FDB];
	s0 =	simm.s32 @p2 $0x1  }
0x17: {  	s4 =	simm.s32 $0x1BF5;
	[smem:$0x3FB0] =	sst s0  }
0x18: {  	s0 =	sld [smem:$0x3F93];
	_ =	swait.ge [sflag:s4], $0x0  }
0x19: {  	s7 =	sld [smem:$0x3F94]  }
0x1a: {  	s8 =	sadd.s32 $0xFFFFE003, lr  }
0x1b: {  	s9 =	sadd.s32 $0xFFFFFEF7, lr;
	s5 =	simm.s32 $0xFFFFFFFF;
	p2 =	slt.u32 s8, $0xFFFFF086  }
0x1c: {  	p1 =	slt.u32 s9, $0xF7A;
	s5 =	simm.s32 @!p2 $0x0  }
0x1d: {  	s5 =	simm.s32 @p1 $0x1;
	p0 =	seq.s32 s7, s2  }
0x1e: {  	s7 =	smul.u32 @!p0 $0xF7A, s2;
	p2 =	seq.s32 @!p0 s5, $0x0  }
0x1f: {  	s9 =	smul.u32 $0xF7A, s1;
	s8 =	simm.s32 @!p0 $0x1BF5;
	p2 =	por !p2, p0  }
0x20: {  	[sflag:s8] =	ssyncset.s32 @!p0 $0xFFFFF086;
	s6 =	sadd.s32 @!p0 s3, s7;
	s7 =	simm.s32 @!p0 $0x108  }
0x21: {  	s3 =	sadd.s32 s3, s9;
	s6 =	sadd.s32 @!p0 $0x88, s6;
	s7 =	simm.s32 @p2 $0x1082  }
0x22: {  	[simem:s7], [sflag:s8] =	dma.local @!p0 [hbm:s6], $0xF7A  }
0x23: {  	s9 =	sor.u32 $0xD0000000, s2;
	s6 =	simm.s32 $0x108;
	_ =	swait.ge @!p0 [sflag:s8], $0x0  }
0x24: {  	s3 =	sadd.s32 $0x88, s3;
	s6 =	simm.s32 @!p1 $0x1082;
	[sflag:s4] =	ssyncset.s32 $0xFFFFF086  }
0x25: {  	[simem:s6], [sflag:s4] =	dma.local [hbm:s3], $0xF7A  }
0x26: {  	[smem:$0x3F94] =	sst s1;
	(tag) =	ssettag s2;
	_ =	strace s9  }
0x27: {  	s1 =	sld [smem:$0x3FA4]  }
0x28: {  	s2 =	sld [smem:$0x3FA5]  }
0x29: {  	s4 =	sld [smem:$0x3FA7]  }
0x2a: {  	p0 =	seq.s32 s5, $0x0;
	s5 =	sld [smem:$0x3FA8]  }
0x2b: {  	s6 =	sld [smem:$0x3FA9]  }
0x2c: {  	s7 =	sld [smem:$0x3FAA]  }
0x2d: {  	s3 =	simm.s32 $0x108;
	s8 =	sld [smem:$0x3FAB]  }
0x2e: {  	s3 =	simm.s32 @!p0 $0x1082;
	s9 =	sld [smem:$0x3FAC]  }
0x2f: {  	lr =	sadd.s32 s0, s3;
	s0 =	sld [smem:$0x3FA3]  }
0x30: {  	s3 =	sld [smem:$0x3FA6]  }
0x31: {  	[smem:$0x3FAF] =	sst s10  }
0x32: {  	s10 =	sld [smem:$0x3FAD];
	_ =	sdelay $0x3  }
0x33: {  	p0 =	seq.s32 s10, $0x1;
	s10 =	sld [smem:$0x3FAF];
	_ =	sdelay $0x3  }
0x34: {  	[smem:$0x3FAF] =	sst s10  }
0x35: {  	s10 =	sld [smem:$0x3FAE];
	_ =	sdelay $0x3  }
0x36: {  	p1 =	seq.s32 s10, $0x1;
	s10 =	sld [smem:$0x3FAF];
	_ =	sdelay $0x3  }
0x37: {  	[smem:$0x3FAF] =	sst s10  }
0x38: {  	s10 =	sld [smem:$0x3FB0]  }
0x39: {  	_ = 	snop;
	(pc) =	sbr.ind lr, $3  }
0x3a: {  	_ = 	snop  }
0x3b: {  	_ = 	snop  }
0x3c: {  	p2 =	seq.s32 s10, $0x1;
	s10 =	sld [smem:$0x3FAF]  }
0x3d: {  	_ =	shalt  }
0x3e: {  	_ =	shalt  }
0x3f: {  	_ =	shalt  }
0x40: {  	_ =	shalt  }
0x41: {  	_ =	shalt  }
0x42: {  	_ =	shalt  }
0x43: {  	_ =	shalt  }
0x44: {  	_ =	shalt  }
0x45: {  	_ =	shalt  }
0x46: {  	_ =	shalt  }
0x47: {  	_ =	shalt  }
0x48: {  	_ =	shalt  }
0x49: {  	_ =	shalt  }
0x4a: {  	_ =	shalt  }
0x4b: {  	_ =	shalt  }
0x4c: {  	_ =	shalt  }
0x4d: {  	_ =	shalt  }
0x4e: {  	_ =	shalt  }
0x4f: {  	_ =	shalt  }
0x50: {  	_ =	shalt  }
0x51: {  	_ =	shalt  }
0x52: {  	_ =	shalt  }
0x53: {  	_ =	shalt  }
0x54: {  	_ =	shalt  }
0x55: {  	_ =	shalt  }
0x56: {  	_ =	shalt  }
0x57: {  	_ =	shalt  }
0x58: {  	_ =	shalt  }
0x59: {  	_ =	shalt  }
0x5a: {  	_ =	shalt  }
0x5b: {  	_ =	shalt  }
0x5c: {  	_ =	shalt  }
0x5d: {  	_ =	shalt  }
0x5e: {  	_ =	shalt  }
0x5f: {  	_ =	shalt  }
0x60: {  	_ =	shalt  }
0x61: {  	_ =	shalt  }
0x62: {  	_ =	shalt  }
0x63: {  	_ =	shalt  }
0x64: {  	_ =	shalt  }
0x65: {  	_ =	shalt  }
0x66: {  	_ =	shalt  }
0x67: {  	_ =	shalt  }
0x68: {  	_ =	shalt  }
0x69: {  	_ =	shalt  }
0x6a: {  	_ =	shalt  }
0x6b: {  	_ =	shalt  }
0x6c: {  	_ =	shalt  }
0x6d: {  	_ =	shalt  }
0x6e: {  	_ =	shalt  }
0x6f: {  	_ =	shalt  }
0x70: {  	_ =	shalt  }
0x71: {  	_ =	shalt  }
0x72: {  	_ =	shalt  }
0x73: {  	_ =	shalt  }
0x74: {  	_ =	shalt  }
0x75: {  	_ =	shalt  }
0x76: {  	_ =	shalt  }
0x77: {  	_ =	shalt  }
0x78: {  	_ =	shalt  }
0x79: {  	_ =	shalt  }
0x7a: {  	_ =	shalt  }
0x7b: {  	_ =	shalt  }
0x7c: {  	_ =	shalt  }
0x7d: {  	_ =	shalt  }
0x7e: {  	_ =	shalt  }
0x7f: {  	_ =	shalt  }
0x80: {  	_ =	shalt  }
0x81: {  	_ =	shalt  }
0x82: {  	_ =	shalt  }
0x83: {  	_ =	shalt  }
0x84: {  	_ =	shalt  }
0x85: {  	_ =	shalt  }
0x86: {  	_ =	shalt  }
0x87: {  	_ =	shalt  }
.Lfunc_end0:
.L_simem_size_0:
called_computation.3_lowered:
.L_overlay_start_0:
0x88: {  	s2 =	sld [smem:$0x3FD9]  }
0x89: {  	s3 =	sld [smem:$0x3FFE];
	_ =	sdelay $0x1  }
0x8a: {  	s1 =	srdreg.scid  }
0x8b: {  	s0 =	sand.u32 $0x1, s1  }
0x8c: {  	s14 =	sshll.u32 s0, $0xA;
	s2 =	sadd.s32 s3, s2  }
0x8d: {  	s2 =	sadd.s32 s2, s14  }
0x8e: {  	[smem:$0x3FBB] =	sst s2  }
0x8f: {  	_ = 	snop  }
0x90: {  	s2 =	sld [smem:$0x3FD0];
	_ =	sdelay $0x2  }
0x91: {  	s15 =	simm.s32 $0xB;
	s4 =	simm.s32 $0x10  }
0x92: {  	[smem:s4], [sflag:s15] =	dma.local [hbm:s2], $0x1  }
0x93: {  	_ =	swait.eq [sflag:s15], $0x1  }
0x94: {  	[sflag:s15] =	ssyncset.done $0x0  }
0x95: {  	[sflag:s15] =	ssyncadd.s32 $0xFFFFFFFF  }
0x96: {  	s16 =	sld [smem:$0x10];
	(tm) =	ssettm $0x1  }
0x97: {  	s17 =	sld [smem:$0x3FFB];
	_ =	sdelay $0x3  }
0x98: {  	_ =	strace s17  }
0x99: {  	s3 =	sld [smem:$0x3FFC];
	_ =	sdelay $0x3  }
0x9a: {  	_ =	strace s3  }
0x9b: {  	s3 =	sld [smem:$0x3FFD];
	_ =	sdelay $0x3  }
0x9c: {  	_ =	strace s3  }
0x9d: {  	_ =	strace $0x8FFFFFFF  }
0x9e: {  	s18 =	sld [smem:$0x3FDB];
	_ =	sdelay $0x1  }
0x9f: {  	s19 =	simm.s32 $_scs_section_size  }
0xa0: {  	s5 =	simm.s32 $_size__tile_overlayer_lowered;
	s6 =	simm.s32 $_tile_overlayer_lowered  }
0xa1: {  	s22 =	simm.s32 $0x1BFF;
	s21 =	sshll.u32 s6, $0x1;
	s3 =	sadd.s32 s19, s18  }
0xa2: {  	s7 =	simm.s32 $0x0;
	s20 =	sshll.u32 s5, $0x1;
	s5 =	sadd.s32 s21, s3  }
0xa3: {  	[timem:s7], [sflag:s22] =	dma.local [hbm:s5], s20  }
0xa4: {  	_ =	swait.ge [sflag:s22], s20  }
0xa5: {  	s4 =	ssub.s32 $0x0, s20;
	[sflag:s22] =	ssyncset.done $0x0  }
0xa6: {  	[sflag:s22] =	ssyncadd.s32 s4;
	_ =	sdelay $0x1  }
0xa7: {  	s23 =	simm.s32 $0x1B8B  }
0xa8: {  	_ =	swait.ge [sflag:s23], $0x1  }
0xa9: {  	[sflag:s23] =	ssyncset.done $0x0  }
0xaa: {  	s25 =	simm.s32 $0x1B8E;
	s24 =	sld [smem:$0x3FFE];
	[sflag:s23] =	ssyncadd.s32 $0xFFFFFFFF  }
0xab: {  	s26 =	simm.s32 $execute0_lowered;
	[smem:$0x3FD2] =	sst s25  }
0xac: {  	s5 =	sshll.u32 s26, $0x1;
	_ =	strace $0x8000004F;
	[dreg:$0x1] =	wrdreg $0xFFFFFFFF  }
0xad: {  	s28 =	simm.s32 $_size_execute0_lowered;
	s3 =	sadd.s32 s3, s5;
	[dreg:$0x0] =	wrdreg $0x0  }
0xae: {  	s5 =	sshll.u32 s28, $0x1;
	[dreg:$0x2] =	wrdreg s3  }
0xaf: {  	[dreg:$0x3] =	wrdreg s5  }
0xb0: {  	[dreg:$0x4] =	wrdreg $0xC0  }
0xb1: {  	_ =	task [dreg:s7], $0x5FFFF  }
0xb2: {  	[dreg:$0x1] =	wrdreg $0xFFFFFFFF  }
0xb3: {  	[dreg:$0x0] =	wrdreg $0x60  }
0xb4: {  	[dreg:$0x2] =	wrdreg s16  }
0xb5: {  	[dreg:$0x3] =	wrdreg s24  }
0xb6: {  	[dreg:$0x4] =	wrdreg $0xB1000  }
0xb7: {  	[dreg:$0x5] =	wrdreg $0x9  }
0xb8: {  	_ =	task.clear_ibuf [dreg:s7], $0x6FFFF;
	_ =	strace $0x9000004F  }
0xb9: {  	s29 =	simm.s32 $0x9;
	_ =	strace $0x80000051  }
0xba: {  	_ =	swait.ge [sflag:s29], $0x1  }
0xbb: {  	[sflag:s29] =	ssyncadd.s32 $0xFFFFFFFF  }
0xbc: {  	_ =	strace $0x90000051  }
0xbd: {  	_ =	sfence  }
0xbe: {  	s30 =	sld [smem:$0x0];
	_ =	sdelay $0x2  }
0xbf: {  	s31 =	sshll.u32 s1, $0xD;
	s1 =	sshrl.u32 s1, $0x2  }
0xc0: {  	s3 =	sand.u32 $0x4000, s31;
	s1 =	sadd.s32 s1, s30  }
0xc1: {  	s0 =	sor.u32 s3, s0;
	s1 =	sshll.u32 s1, $0x11  }
0xc2: {  	s0 =	sor.u32 s1, s0  }
0xc3: {  	s0 =	sadd.s32 $0x8F2B, s0  }
0xc4: {  	[sflag:s0] =	ssyncadd.remote.s32 $0x1  }
0xc5: {  	_ =	sfence.sel $0xFFFF  }
0xc6: {  	[dreg:$0x0] =	wrdreg $0xFFFFFFFF;
	(pc) =	sbr.abs _section_cstart, $3  }
0xc7: {  	[dreg:$0x1] =	wrdreg $0xFFFFFFFF  }
0xc8: {  	_ =	task.clear_ibuf [dreg:s7], $0x2FFFF;
	_ =	strace $0x9FFFFFFF  }
0xc9: {  	(tm) =	ssettm $0x7FFFFFFF  }
tec
execute0_lowered:
.L_overlay_start_1:
0x0: {  	(tag) =	ssettag $0x1  }
0x1: {  	s1 =	rddreg [dreg:$0x0];
	s0 =	srdreg.scid  }
0x2: {  	s16 =	stileid.u32;
	s2 =	rddreg [dreg:$0x1]  }
0x3: {  	s3 =	rddreg [dreg:$0x2];
	s15 =	simm.s32 $0x7;
	s28 =	simm.s32 $0x6  }
0x4: {  	s29 =	simm.s32 $0x4;
	s30 =	simm.s32 $0x2880;
	s6 =	smul.u32 $0x2780, s16  }
0x5: {  	s31 =	simm.s32 $0x10;
	s0 =	sand.u32 $0x1, s0;
	s11 =	smul.u32 $0x4F000, s16  }
0x6: {  	s4 =	sshll.u32 s16, $0x1;
	s12 =	smul.u32 $0x4E20, s16;
	s26 =	sshll.u32 s16, $0x6  }
0x7: {  	s5 =	sor.u32 s0, s4;
	s4 =	simm.s32 $0x0;
	s8 =	smul.u32 $0x27800, s0  }
0x8: {  	s18 =	ssub.s32 $0x2, s0;
	s0 =	smul.u32 $0x2710, s0;
	s16 =	sor.u32 $0x1C07, s26  }
0x9: {  	s26 =	simm.s32 $0x2;
	s5 =	smul.u32 $0x2710, s5;
	[smem:$0x7FF] =	sst s4  }
0xa: {  	s10 =	sadd.s32 s6, s2;
	s19 =	sshrl.u32 s18, $0x1;
	s20 =	sshrl.u32 s11, $0x2  }
0xb: {  	_ =	strace $0x80000050;
	s6 =	sadd.s32 s6, s8;
	s8 =	sadd.s32 s20, s3  }
0xc: {  	s21 =	sadd.s32 $0x21800, s10;
	s0 =	sadd.s32 s0, s12;
	s20 =	simm.s32 $0x2780  }
0xd: {  	s7 =	sshrl.u32 s5, $0x3;
	s5 =	sadd.s32 $0x3600, s2;
	[dreg:$0x5] =	wrdreg s21  }
0xe: {  	s24 =	sadd.s32 $0x180, s0;
	s13 =	sadd.s32 $0x100, s0;
	s17 =	sshrl.u32 s8, $0x3  }
0xf: {  	s21 =	simm.s32 $0x6900;
	s0 =	simm.s32 $0xA900;
	s9 =	sadd.s32 s7, s2  }
0x10: {  	s2 =	sadd.s32 s6, s2;
	s6 =	ssub.s32 s18, s19;
	s7 =	sadd.s32 s5, s7  }
0x11: {  	s25 =	sshrl.u32 s24, $0x3;
	s18 =	simm.s32 $0x80;
	s9 =	sadd.s32 $0xD400, s9  }
0x12: {  	s19 =	simm.s32 $0x2900;
	s22 =	sadd.s32 $0x4E0, s7;
	[dreg:$0x4] =	wrdreg s9  }
0x13: {  	s24 =	simm.s32 $0x5;
	s2 =	sadd.s32 $0x98000, s2;
	[dreg:$0x6] =	wrdreg s22  }
0x14: {  	s23 =	smax.u32 s6, $0x1;
	s12 =	sadd.s32 $0x10, s7;
	[dreg:$0x7] =	wrdreg s2  }
0x15: {  	s14 =	sadd.s32 s25, s5;
	s25 =	simm.s32 $0x3;
	[dreg:$0x8] =	wrdreg s23  }
0x16: {  	s22 =	simm.s32 $0x2800;
	s23 =	simm.s32 $0x1;
	s2 =	simm.s32 $0x0  }
.LBB2_1:
0x17: {  	s6 =	rddreg [dreg:$0x4]  }
0x18: {  	[tilespmem:s4], [sflag:$0x7] =	stream.linear.gather [hbm4b:s6+s4], $0x2710, $0x38;
	[tilespmem:$0x1ED00] =	vst v63  }
0x19: {  	_ =	swait.ge [sflag:s15], $0x2710  }
0x1a: {  	[sflag:s15] =	ssyncset.done $0x0  }
0x1b: {  	s10 =	rddreg [dreg:$0x5];
	[sflag:s15] =	ssyncadd.s32 $0xFFFFD8F0  }
0x1c: {  	[spmem:s17], [sflag:s16] =	dma.local [hbm:s10], $0x2780  }
0x1d: {  	_ =	swait.ge [sflag:s15], $0x2780  }
0x1e: {  	[sflag:s15] =	ssyncset.done $0x0  }
0x1f: {  	[sflag:s15] =	ssyncadd.s32 $0xFFFFD880  }
0x20: {  	[bflag:$0x0] =	sbarrier.arrive $0xFFFF  }
0x21: {  	[tilespmem:s19], [sflag:$0x1] =	stream.indirect.gather [hbm4b:s1+s18], $0x80, s4, s18, $0xb8;
	[tilespmem:$0x1ED00] =	vst v63  }
0x22: {  	_ = 	snop  }
0x23: {  	[tilespmem:s20], [sflag:$0x5] =	stream.linear.gather [hbm4b:s7+s4], $0x80, $0x38;
	[tilespmem:$0x1ED00] =	vst v63  }
0x24: {  	_ = 	snop  }
0x25: {  	[tilespmem:s21], [sflag:$0x2] =	stream.indirect.gather [hbm4b:s1+s18], $0x80, s18, s18, $0xb8;
	[tilespmem:$0x1ED00] =	vst v63  }
0x26: {  	_ = 	snop  }
0x27: {  	[tilespmem:s22], [sflag:$0x6] =	stream.linear.gather [hbm4b:s12+s4], $0x80, $0x38;
	[tilespmem:$0x1ED00] =	vst v63  }
0x28: {  	_ =	swait.ge [sflag:s23], $0x4000  }
0x29: {  	[sflag:s23] =	ssyncset.done $0x0  }
0x2a: {  	[sflag:s23] =	ssyncadd.s32 $0xFFFFC000  }
0x2b: {  	_ =	swait.ge [sflag:s24], $0x80  }
0x2c: {  	[sflag:s24] =	ssyncset.done $0x0  }
0x2d: {  	[sflag:s24] =	ssyncadd.s32 $0xFFFFFF80  }
0x2e: {  	[spmem:s3] =	stream.indirect.scatter.add.f32 [tilespmem:s19], [sflag:$0x3], $0x80, s20, s18, $0xb8;
	[tilespmem:$0x1ED00] =	vst v63  }
0x2f: {  	_ =	swait.ge [sflag:s25], $0x4000  }
0x30: {  	[sflag:s25] =	ssyncset.done $0x0  }
0x31: {  	s11 =	simm.s32 $0x100;
	s8 =	sshrl.u32 s13, $0x3;
	[sflag:s25] =	ssyncadd.s32 $0xFFFFC000  }
0x32: {  	[tilespmem:s19], [sflag:$0x1] =	stream.indirect.gather [hbm4b:s1+s18], $0x80, s11, s18, $0xb8;
	[tilespmem:$0x1ED00] =	vst v63  }
0x33: {  	s9 =	sadd.s32 s5, s8  }
0x34: {  	[tilespmem:s20], [sflag:$0x5] =	stream.linear.gather [hbm4b:s9+s4], $0x80, $0x38;
	[tilespmem:$0x1ED00] =	vst v63  }
0x35: {  	_ =	swait.ge [sflag:s26], $0x4000  }
0x36: {  	[sflag:s26] =	ssyncset.done $0x0  }
0x37: {  	[sflag:s26] =	ssyncadd.s32 $0xFFFFC000  }
0x38: {  	_ =	swait.ge [sflag:s28], $0x80  }
0x39: {  	[sflag:s28] =	ssyncset.done $0x0  }
0x3a: {  	[sflag:s28] =	ssyncadd.s32 $0xFFFFFF80  }
0x3b: {  	[spmem:s3] =	stream.indirect.scatter.add.f32 [tilespmem:s21], [sflag:$0x4], $0x80, s22, s18, $0xb8;
	[tilespmem:$0x1ED00] =	vst v63  }
0x3c: {  	_ =	swait.ge [sflag:s29], $0x4000  }
0x3d: {  	[sflag:s29] =	ssyncset.done $0x0  }
0x3e: {  	s10 =	simm.s32 $0x180;
	[sflag:s29] =	ssyncadd.s32 $0xFFFFC000  }
0x3f: {  	[tilespmem:s21], [sflag:$0x2] =	stream.indirect.gather [hbm4b:s1+s18], $0x80, s10, s18, $0xb8;
	[tilespmem:$0x1ED00] =	vst v63  }
0x40: {  	s11 =	sadd.s32 $0x0, s14  }
0x41: {  	[tilespmem:s22], [sflag:$0x6] =	stream.linear.gather [hbm4b:s11+s4], $0x80, $0x38;
	[tilespmem:$0x1ED00] =	vst v63  }
0x42: {  	_ =	swait.ge [sflag:s23], $0x4000  }
0x43: {  	[sflag:s23] =	ssyncset.done $0x0  }
0x44: {  	[sflag:s23] =	ssyncadd.s32 $0xFFFFC000  }
0x45: {  	_ =	swait.ge [sflag:s24], $0x80  }
0x46: {  	s6 =	simm.s32 $0x20;
	[sflag:s24] =	ssyncset.done $0x0  }
0x47: {  	s8 =	simm.s32 $0x200;
	s9 =	sadd.s32 $0x100, s13;
	[sflag:s24] =	ssyncadd.s32 $0xFFFFFF80  }
.LBB2_2:
0x48: {  	[spmem:s3] =	stream.indirect.scatter.add.f32 [tilespmem:s19], [sflag:$0x3], $0x80, s20, s18, $0xb8;
	[tilespmem:$0x1ED00] =	vst v63  }
0x49: {  	s10 =	smov.u32 s6  }
0x4a: {  	p0 =	sne.s32 s6, $0x4A0;
	s6 =	sadd.s32 $0x20, s6;
	_ =	swait.ge [sflag:s25], $0x4000  }
0x4b: {  	[sflag:s25] =	ssyncset.done $0x0  }
0x4c: {  	s11 =	sshrl.u32 s9, $0x3;
	[sflag:s25] =	ssyncadd.s32 $0xFFFFC000  }
0x4d: {  	[tilespmem:s19], [sflag:$0x1] =	stream.indirect.gather [hbm4b:s1+s18], $0x80, s8, s18, $0xb8;
	[tilespmem:$0x1ED00] =	vst v63  }
0x4e: {  	s11 =	sadd.s32 s5, s11  }
0x4f: {  	[tilespmem:s20], [sflag:$0x5] =	stream.linear.gather [hbm4b:s11+s4], $0x80, $0x38;
	[tilespmem:$0x1ED00] =	vst v63  }
0x50: {  	_ =	swait.ge [sflag:s26], $0x4000  }
0x51: {  	[sflag:s26] =	ssyncset.done $0x0  }
0x52: {  	[sflag:s26] =	ssyncadd.s32 $0xFFFFC000  }
0x53: {  	_ =	swait.ge [sflag:s28], $0x80  }
0x54: {  	[sflag:s28] =	ssyncset.done $0x0  }
0x55: {  	[sflag:s28] =	ssyncadd.s32 $0xFFFFFF80  }
0x56: {  	[spmem:s3] =	stream.indirect.scatter.add.f32 [tilespmem:s21], [sflag:$0x4], $0x80, s22, s18, $0xb8;
	[tilespmem:$0x1ED00] =	vst v63  }
0x57: {  	_ =	swait.ge [sflag:s29], $0x4000  }
0x58: {  	[sflag:s29] =	ssyncset.done $0x0  }
0x59: {  	s11 =	sadd.s32 $0x80, s8;
	[sflag:s29] =	ssyncadd.s32 $0xFFFFC000  }
0x5a: {  	[tilespmem:s21], [sflag:$0x2] =	stream.indirect.gather [hbm4b:s1+s18], $0x80, s11, s18, $0xb8;
	[tilespmem:$0x1ED00] =	vst v63  }
0x5b: {  	s10 =	sadd.s32 s10, s14  }
0x5c: {  	[tilespmem:s22], [sflag:$0x6] =	stream.linear.gather [hbm4b:s10+s4], $0x80, $0x38;
	[tilespmem:$0x1ED00] =	vst v63  }
0x5d: {  	_ =	swait.ge [sflag:s23], $0x4000  }
.Ltmp0:
0x5e: {  	[sflag:s23] =	ssyncset.done $0x0;
	(pc) =	sbr.rel @p0 .LBB2_2-.Ltmp0, $4  }
0x5f: {  	[sflag:s23] =	ssyncadd.s32 $0xFFFFC000  }
0x60: {  	_ =	swait.ge [sflag:s24], $0x80  }
0x61: {  	[sflag:s24] =	ssyncset.done $0x0  }
0x62: {  	s9 =	sadd.s32 $0x100, s9;
	s8 =	sadd.s32 $0x100, s8;
	[sflag:s24] =	ssyncadd.s32 $0xFFFFFF80  }
0x63: {  	[spmem:s3] =	stream.indirect.scatter.add.f32 [tilespmem:s19], [sflag:$0x3], $0x80, s20, s18, $0xb8;
	[tilespmem:$0x1ED00] =	vst v63  }
0x64: {  	_ =	swait.ge [sflag:s26], $0x4000  }
0x65: {  	[sflag:s26] =	ssyncset.done $0x0  }
0x66: {  	[sflag:s26] =	ssyncadd.s32 $0xFFFFC000  }
0x67: {  	_ =	swait.ge [sflag:s28], $0x80  }
0x68: {  	[sflag:s28] =	ssyncset.done $0x0  }
0x69: {  	[sflag:s28] =	ssyncadd.s32 $0xFFFFFF80  }
0x6a: {  	[spmem:s3] =	stream.indirect.scatter.add.f32 [tilespmem:s21], [sflag:$0x4], $0x80, s22, s18, $0xb8;
	[tilespmem:$0x1ED00] =	vst v63  }
0x6b: {  	_ =	swait.ge [sflag:s25], $0x4000  }
0x6c: {  	[sflag:s25] =	ssyncset.done $0x0  }
0x6d: {  	[sflag:s25] =	ssyncadd.s32 $0xFFFFC000  }
0x6e: {  	_ =	swait.ge [sflag:s29], $0x4000  }
0x6f: {  	[sflag:s29] =	ssyncset.done $0x0  }
0x70: {  	s6 =	rddreg [dreg:$0x6];
	[sflag:s29] =	ssyncadd.s32 $0xFFFFC000  }
0x71: {  	[tilespmem:s30], [sflag:$0x7] =	stream.linear.gather [hbm4b:s6+s4], $0x10, $0x38;
	[tilespmem:$0x1ED00] =	vst v63  }
0x72: {  	_ =	swait.ge [sflag:s15], $0x10  }
0x73: {  	[sflag:s15] =	ssyncset.done $0x0  }
0x74: {  	s9 =	simm.s32 $0x2700;
	[sflag:s15] =	ssyncadd.s32 $0xFFFFFFF0  }
0x75: {  	[tilespmem:s0], [sflag:$0x1] =	stream.indirect.gather [hbm4b:s1+s31], $0x80, s9, s31, $0xb8;
	[tilespmem:$0x1ED00] =	vst v63  }
0x76: {  	_ =	swait.ge [sflag:s23], $0x800  }
0x77: {  	[sflag:s23] =	ssyncset.done $0x0  }
0x78: {  	[sflag:s23] =	ssyncadd.s32 $0xFFFFF800  }
0x79: {  	[spmem:s3] =	stream.indirect.scatter.add.f32 [tilespmem:s0], [sflag:$0x3], $0x80, s30, s31, $0xb8;
	[tilespmem:$0x1ED00] =	vst v63  }
0x7a: {  	_ =	swait.ge [sflag:s25], $0x800  }
0x7b: {  	[sflag:s25] =	ssyncset.done $0x0  }
0x7c: {  	[sflag:s25] =	ssyncadd.s32 $0xFFFFF800  }
0x7d: {  	[bflag:$0x0] =	sbarrier.arrive $0xFFFF  }
0x7e: {  	s10 =	rddreg [dreg:$0x7]  }
0x7f: {  	[hbm:s10], [sflag:s16] =	dma.local [spmem:s17], $0x2780  }
0x80: {  	_ =	swait.ge [sflag:s15], $0x2780  }
0x81: {  	s2 =	sadd.s32 $0x1, s2;
	s11 =	rddreg [dreg:$0x8]  }
0x82: {  	p0 =	sne.s32 s2, s11  }
.Ltmp1:
0x83: {  	_ = 	snop;
	(pc) =	sbr.rel @p0 .LBB2_1-.Ltmp1, $3  }
0x84: {  	_ =	sdelay $0x1  }
0x85: {  	[sflag:s15] =	ssyncset.done $0x0  }
0x86: {  	[sflag:s15] =	ssyncadd.s32 $0xFFFFD880  }
0x87: {  	_ =	sfence.sel $0x180000  }
0x88: {  	[bflag:$0x0] =	sbarrier.arrive $0xFFFF  }
0x89: {  	_ =	strace $0x90000050  }
0x8a: {  	s0 =	stileid.u32;
	[bflag:$0x2] =	sbarrier.arrive $0xFFFF  }
0x8b: {  	p0 =	sne.s32 s0, $0x0;
	s0 =	rddreg [dreg:$0x3]  }
0x8c: {  	s0 =	sadd.s32 @!p0 $0x100000, s0  }
0x8d: {  	[sflag:s0] =	ssyncadd.tile.s32 @!p0 $0x1;
	_ =	shalt  }
.Lfunc_end2:
_tile_overlayer_lowered:
.L_overlay_start_2:
0x8e: {  	(tag) =	ssettag $0x2  }
0x8f: {  	s0 =	rddreg [dreg:$0x0];
	s2 =	stileid.u32  }
0x90: {  	s1 =	rddreg [dreg:$0x1];
	p0 =	sne.s32 s2, $0x0  }
0x91: {  	s3 =	rddreg [dreg:$0x2];
	[bflag:$0x3] =	sbarrier.arrive $0xFFFF;
	s2 =	simm.s32 @!p0 $0x1C07  }
0x92: {  	[timem:s3], [sflag:s2] =	dma.local @!p0 [hbm:s0], s1  }
0x93: {  	s0 =	simm.s32 @!p0 $0x7  }
0x94: {  	_ =	swait.ge @!p0 [sflag:s0], s1  }
0x95: {  	s1 =	ssub.s32 @!p0 $0x0, s1;
	[sflag:s0] =	ssyncset.done @!p0 $0x0  }
0x96: {  	[sflag:s0] =	ssyncadd.s32 @!p0 s1  }
0x97: {  	[bflag:$0x3] =	sbarrier.arrive $0xFFFF  }
0x98: {  	_ =	shalt  }

</sc_bundles>
